<compile_context>
chip_gen: v7x
topology: tpu7x:2x2x1
jax: 0.10.2.dev20260603
libtpu: 0.0.44.dev20260713+nightly
codegen_flags: <defaults>
</compile_context>

<pallas_src>
import functools

import jax
import jax.numpy as jnp
from jax import lax
from jax.experimental import pallas as pl
from jax.experimental.pallas import tpu as pltpu
from jax.experimental.pallas import tpu_sc as plsc

N = 10000
D = 128
E = 320000
IDS = 1600
NP = 10112
RPT = NP // 16
NC, NS = 2, 16
NW = NC * NS
CHUNK = 128
EPT = 79 * CHUNK
SCH = 64
SEPT = 157 * SCH
DUMP = N
NZ = NP + NW * 256
ZROW = NP

_MESH = functools.partial(
    plsc.VectorSubcoreMesh, core_axis_name="c", subcore_axis_name="s",
    num_cores=NC, num_subcores=NS)


def _chunk_range(w):
    lo = w * 78 + w // 8
    hi = (w + 1) * 78 + (w + 1) // 8
    return lo, hi


def _build_mask(ids_hbm, ids_v, mask_v):
    pltpu.sync_copy(ids_hbm, ids_v)

    def zero(i, _):
        mask_v[pl.ds(i * 16, 16)] = jnp.zeros((16,), jnp.int32)
        return _

    lax.fori_loop(0, NP // 16, zero, None)

    ones = jnp.ones((16,), jnp.int32)

    def scat(i, _):
        plsc.store_scatter(mask_v, [ids_v[pl.ds(i * 16, 16)]], ones)
        return _

    lax.fori_loop(0, IDS // 16, scat, None)


def _scatter_agg_body(ids_hbm, src_hbm, dst_hbm, table_hbm, zeros_hbm,
                      out_hbm, mask_v, ids_v, src_v, dst_v,
                      gidx_a, sidx_a, row_a,
                      agg_sh, gsem_a, asem_a):
    c = lax.axis_index("c")
    s = lax.axis_index("s")
    w = c * NS + s

    pltpu.sync_copy(zeros_hbm.at[pl.ds(s * RPT, RPT)],
                    agg_sh.at[pl.ds(s * RPT, RPT)])

    _build_mask(ids_hbm, ids_v, mask_v)

    lo = w * 156 + w // 4
    hi = (w + 1) * 156 + (w + 1) // 4
    ebase = lo * SCH
    pltpu.sync_copy(src_hbm.at[pl.ds(ebase, SEPT)], src_v)
    pltpu.sync_copy(dst_hbm.at[pl.ds(ebase, SEPT)], dst_v)

    plsc.subcore_barrier()

    nedge = (hi - lo) * SCH
    iota16 = lax.iota(jnp.int32, 16)

    def scan(g, cnt):
        off = g * 16
        sv = src_v[pl.ds(off, 16)]
        dv = dst_v[pl.ds(off, 16)]
        ms = plsc.load_gather(mask_v, [sv])
        md = plsc.load_gather(mask_v, [dv])
        act = (ms & md) != 0
        acti = act.astype(jnp.int32)
        incl = plsc.cumsum(acti)
        pos = cnt + incl - acti
        plsc.store_scatter(src_v, [pos], sv, mask=act)
        plsc.store_scatter(dst_v, [pos], dv, mask=act)
        return cnt + incl[15]

    total = lax.fori_loop(0, nedge // 16, scan, jnp.int32(0))
    nch = (total + SCH - 1) // SCH

    def achunk(k, _):
        base = k * SCH

        @pl.when(k > 0)
        def _():
            adrain(row_a, asem_a)

        for j in range(SCH // 16):
            slot = base + j * 16 + iota16
            sv = src_v[pl.ds(base + j * 16, 16)]
            dv = dst_v[pl.ds(base + j * 16, 16)]
            valid = slot < total
            gidx_a[pl.ds(j * 16, 16)] = jnp.where(valid, sv,
                                                  iota16 + j * 16)
            sidx_a[pl.ds(j * 16, 16)] = jnp.where(valid, dv, DUMP)
        gfire(gidx_a, row_a, gsem_a).wait()
        afire(row_a, sidx_a, asem_a)
        return _

    def gfire(gidx_v, row_v, gsem):
        return pltpu.async_copy(table_hbm.at[gidx_v], row_v, gsem)

    def afire(row_v, sidx_v, asem):
        pltpu.async_copy(row_v, agg_sh.at[sidx_v], asem, add=True)

    def adrain(row_v, asem):
        pltpu.make_async_copy(row_v, agg_sh.at[pl.ds(0, SCH)],
                              asem).wait()

    lax.fori_loop(0, nch, achunk, None)

    @pl.when(nch > 0)
    def _():
        adrain(row_a, asem_a)

    plsc.subcore_barrier()

    pltpu.sync_copy(agg_sh.at[pl.ds(s * RPT, RPT)],
                    out_hbm.at[pl.ds(c * NP + s * RPT, RPT)])


def _scatter_agg(ids, src, dst, table, zeros):
    k = pl.kernel(
        _scatter_agg_body,
        out_type=jax.ShapeDtypeStruct((NC * NP, D), jnp.float32),
        mesh=_MESH(),
        compiler_params=pltpu.CompilerParams(needs_layout_passes=False),
        scratch_types=[
            pltpu.VMEM((NP,), jnp.int32),
            pltpu.VMEM((IDS,), jnp.int32),
            pltpu.VMEM((SEPT,), jnp.int32),
            pltpu.VMEM((SEPT,), jnp.int32),
            pltpu.VMEM((SCH,), jnp.int32),
            pltpu.VMEM((SCH,), jnp.int32),
            pltpu.VMEM((SCH, D), jnp.float32),
            pltpu.VMEM_SHARED((NP, D), jnp.float32),
            pltpu.SemaphoreType.DMA,
            pltpu.SemaphoreType.DMA,
        ],
    )
    return k(ids, src, dst, table, zeros)


def _triples_body(ids_hbm, src_hbm, dst_hbm, h2_hbm, out_hbm,
                  mask_v, ids_v, src_v, dst_v, oidx_all, zbuf, rb_g, rb_s,
                  gix, oix, zsem_a, gsem, ssem):
    c = lax.axis_index("c")
    s = lax.axis_index("s")
    w = c * NS + s

    _build_mask(ids_hbm, ids_v, mask_v)

    lo, hi = _chunk_range(w)
    nedge = (hi - lo) * CHUNK
    ebase = lo * CHUNK
    pltpu.sync_copy(src_hbm.at[pl.ds(ebase, EPT)], src_v)
    pltpu.sync_copy(dst_hbm.at[pl.ds(ebase, EPT)], dst_v)

    iota16 = lax.iota(jnp.int32, 16)
    zrow = ZROW + w * 256

    def zrow_init(r, _):
        for q in range(2 * D // 16):
            zbuf[r, pl.ds(q * 16, 16)] = jnp.zeros((16,), jnp.float32)
        return _

    lax.fori_loop(0, CHUNK, zrow_init, None)

    def zfire(o, zsem):
        return pltpu.async_copy(zbuf,
                                out_hbm.at[pl.ds(ebase + o * CHUNK, CHUNK)],
                                zsem)

    def zdrain(zsem):
        pltpu.make_async_copy(zbuf, out_hbm.at[pl.ds(0, CHUNK)],
                              zsem).wait()

    def zf(k, _):
        zfire(k, zsem_a)
        return _

    lax.fori_loop(0, 78, zf, None)

    @pl.when(nedge > 9984)
    def _():
        zfire(78, zsem_a)

    def scan(g, carry):
        cnt, dump = carry
        off = g * 16
        sv = src_v[pl.ds(off, 16)]
        dv = dst_v[pl.ds(off, 16)]
        ms = plsc.load_gather(mask_v, [sv])
        md = plsc.load_gather(mask_v, [dv])
        act = (ms & md) != 0
        acti = act.astype(jnp.int32)
        incl = plsc.cumsum(acti)
        pos = cnt + incl - acti
        erow = ebase + off + iota16
        plsc.store_scatter(src_v, [pos], sv, mask=act)
        plsc.store_scatter(dst_v, [pos], dv, mask=act)
        plsc.store_scatter(oidx_all, [pos], erow, mask=act)
        dump = jnp.maximum(dump, jnp.max(jnp.where(act, -1, erow)))
        return cnt + incl[15], dump

    total, dump = lax.fori_loop(0, nedge // 16, scan,
                                (jnp.int32(0), jnp.int32(-1)))

    def zd(k, _):
        zdrain(zsem_a)
        return _

    lax.fori_loop(0, 78, zd, None)

    @pl.when(nedge > 9984)
    def _():
        zdrain(zsem_a)

    def schunk(k, _):
        for j in range(4):
            pbase = k * 64 + j * 16
            sv = src_v[pl.ds(pbase, 16)]
            dv = dst_v[pl.ds(pbase, 16)]
            orow = oidx_all[pl.ds(pbase, 16)]
            slot = j * 16 + iota16
            valid = (pbase + iota16) < total
            gs = jnp.where(valid, sv, zrow + 2 * slot)
            gd = jnp.where(valid, dv, zrow + 2 * slot + 1)
            plsc.store_scatter(gix, [2 * slot], gs)
            plsc.store_scatter(gix, [2 * slot + 1], gd)
            oix[pl.ds(j * 16, 16)] = jnp.where(valid, orow, dump)
        pltpu.async_copy(h2_hbm.at[gix], rb_g, gsem).wait()

        def interleave(r, _):
            for h in range(2):
                for q in range(D // 16):
                    rb_s[r, pl.ds(h * D + q * 16, 16)] = (
                        rb_g[2 * r + h, pl.ds(q * 16, 16)])
            return _

        lax.fori_loop(0, 64, interleave, None)
        pltpu.async_copy(rb_s, out_hbm.at[oix], ssem).wait()
        return _

    lax.fori_loop(0, (2 * total + CHUNK - 1) // CHUNK, schunk, None)


def _triples(ids, src, dst, h2):
    k = pl.kernel(
        _triples_body,
        out_type=jax.ShapeDtypeStruct((E, 2 * D), jnp.float32),
        mesh=_MESH(),
        compiler_params=pltpu.CompilerParams(needs_layout_passes=False),
        scratch_types=[
            pltpu.VMEM((NP,), jnp.int32),
            pltpu.VMEM((IDS,), jnp.int32),
            pltpu.VMEM((EPT,), jnp.int32),
            pltpu.VMEM((EPT,), jnp.int32),
            pltpu.VMEM((EPT,), jnp.int32),
            pltpu.VMEM((CHUNK, 2 * D), jnp.float32),
            pltpu.VMEM((CHUNK, D), jnp.float32),
            pltpu.VMEM((64, 2 * D), jnp.float32),
            pltpu.VMEM((CHUNK,), jnp.int32),
            pltpu.VMEM((64,), jnp.int32),
            pltpu.SemaphoreType.DMA,
            pltpu.SemaphoreType.DMA,
            pltpu.SemaphoreType.DMA,
        ],
    )
    return k(ids, src, dst, h2)


def _mm(ab, w, *, relu, out_rows, zero_tail):
    def body(ab_ref, w_ref, o_ref):
        x = ab_ref[0:NP, :] + ab_ref[NP:2 * NP, :]
        y = jnp.dot(x, w_ref[...], preferred_element_type=jnp.float32)
        if relu:
            y = jnp.maximum(y, 0.0)
        if zero_tail:
            rows = lax.broadcasted_iota(jnp.int32, (NP, D), 0)
            y = jnp.where(rows < N, y, 0.0)
            o_ref[0:NP, :] = y
            if out_rows > NP:
                o_ref[NP:out_rows, :] = jnp.zeros(
                    (out_rows - NP, D), jnp.float32)
        else:
            o_ref[...] = y

    return pl.pallas_call(
        body,
        out_shape=jax.ShapeDtypeStruct((out_rows, D), jnp.float32),
    )(ab, w)


def kernel(node_ids, edge_index, concept_embedding, W1, W2):
    ids = node_ids.reshape(-1).astype(jnp.int32)
    src = edge_index[0].astype(jnp.int32)
    dst = edge_index[1].astype(jnp.int32)
    emb = jnp.pad(concept_embedding, ((0, NP - N), (0, 0)))
    zeros = jnp.zeros((NP, D), jnp.float32)

    agg1 = _scatter_agg(ids, src, dst, emb, zeros)
    h1 = _mm(agg1, W1, relu=True, out_rows=NP, zero_tail=False)
    agg2 = _scatter_agg(ids, src, dst, h1, zeros)
    h2 = _mm(agg2, W2, relu=False, out_rows=NZ, zero_tail=True)
    return _triples(ids, src, dst, h2)

# --- scband reference (transcript-rebuilt; emitter-appended) ---
"""Pipeline reference for scband-encoder-15702400434435 (READ-ONLY COPY).

The authoritative reference and input builder live on the scoring server;
editing this copy changes nothing except your own understanding.
"""

import jax, jax.numpy as jnp
import numpy as np

N_NODES = 10000
N_EDGES = 320000
D = 128
B = 8
S = 200


def setup_inputs(seed: int = 0) -> dict:
    key = jax.random.key(seed)
    k1, k2, k3, k4, k5 = jax.random.split(key, 5)
    node_ids = jax.random.randint(k1, (B, S), 0, N_NODES)
    edge_index = jax.random.randint(k2, (2, N_EDGES), 0, N_NODES)
    concept_embedding = jax.random.normal(k3, (N_NODES, D), dtype=jnp.float32)
    W1 = jax.random.normal(k4, (D, D), dtype=jnp.float32) * 0.05
    W2 = jax.random.normal(k5, (D, D), dtype=jnp.float32) * 0.05
    return {
        "node_ids": node_ids,
        "edge_index": edge_index,
        "concept_embedding": concept_embedding,
        "W1": W1,
        "W2": W2,
    }


def reference(node_ids, edge_index, concept_embedding, W1, W2):
    # subset = unique(cat(sampled node ids)) -> realized as a boolean membership
    # mask over the full node set (static shapes for jit); nodes outside the
    # induced subgraph are zeroed instead of relabeled.
    n = concept_embedding.shape[0]
    flat = node_ids.reshape(-1)
    mask = jnp.zeros((n,), dtype=bool).at[flat].set(True)
    # x = concept_embedding[subset]
    x = concept_embedding * mask[:, None].astype(concept_embedding.dtype)
    src, dst = edge_index[0], edge_index[1]
    # subgraph(subset, conceptnet.edge_index): keep edges with both endpoints in subset
    emask = (mask[src] & mask[dst]).astype(x.dtype)[:, None]
    # GNN layer 1: gather -> masked message -> scatter-add -> linear -> relu
    msg1 = x[src] * emask
    agg1 = jnp.zeros_like(x).at[dst].add(msg1)
    h1 = jax.nn.relu(agg1 @ W1)
    # GNN layer 2
    msg2 = h1[src] * emask
    agg2 = jnp.zeros_like(h1).at[dst].add(msg2)
    h2 = agg2 @ W2
    # singles_to_triples: per-edge (head, tail) embedding pairs
    triples = jnp.concatenate([h2[src], h2[dst]], axis=-1) * emask
    return triples

if __name__ == "__main__":
    import jax
    _d = setup_inputs()
    print(jax.jit(kernel)(*tuple(_d.values())))

</pallas_src>

<mosaic_0001>
#map = affine_map<(d0, d1) -> (0)>
#map1 = affine_map<(d0, d1) -> (0, 0)>
module attributes {stable_mosaic.version = 14 : i64} {
  func.func @_scatter_agg_body(%arg0: i32, %arg1: i32, %arg2: memref<1600xi32, #tpu.memory_space<hbm>>, %arg3: memref<320000xi32, #tpu.memory_space<hbm>>, %arg4: memref<320000xi32, #tpu.memory_space<hbm>>, %arg5: memref<10112x128xf32, #tpu.memory_space<hbm>>, %arg6: memref<10112x128xf32, #tpu.memory_space<hbm>>, %arg7: memref<20224x128xf32, #tpu.memory_space<hbm>>, %arg8: memref<10112xi32, #tpu.memory_space<vmem>>, %arg9: memref<1600xi32, #tpu.memory_space<vmem>>, %arg10: memref<10048xi32, #tpu.memory_space<vmem>>, %arg11: memref<10048xi32, #tpu.memory_space<vmem>>, %arg12: memref<64xi32, #tpu.memory_space<vmem>>, %arg13: memref<64xi32, #tpu.memory_space<vmem>>, %arg14: memref<64x128xf32, #tpu.memory_space<vmem>>, %arg15: memref<10112x128xf32, #tpu.memory_space<vmem_shared>>, %arg16: memref<!tpu.dma_semaphore, #tpu.memory_space<semaphore_mem>>, %arg17: memref<!tpu.dma_semaphore, #tpu.memory_space<semaphore_mem>>) attributes {dimension_semantics = [#tpu.dimension_semantics<core_parallel>, #tpu.dimension_semantics<subcore_parallel>], iteration_bounds = array<i64: 2, 16>, scalar_prefetch = 0 : i64, scratch_operands = 10 : i64, tpu.core_type = #tpu.core_type<sc_vector_subcore>, window_params = [{transform_indices = #map}, {transform_indices = #map}, {transform_indices = #map}, {transform_indices = #map1}, {transform_indices = #map1}, {transform_indices = #map1}]} {
    %mul3A = arith.constant 16 : i32
    %mul3A_0 = arith.muli %arg0, %mul3A : i32
    %add3A = arith.addi %mul3A_0, %arg1 : i32
    %mul3A_1 = arith.constant 632 : i32
    %mul3A_2 = arith.muli %arg1, %mul3A_1 : i32
    %mul3A_3 = arith.constant 632 : i32
    %mul3A_4 = arith.muli %arg1, %mul3A_3 : i32
    "tpu.region"() ({
      %run_scoped3A = tpu.sem_alloc : memref<!tpu.dma_semaphore, #tpu.memory_space<semaphore_mem>>
      %dma_start3A = arith.constant 0 : i32
      %dma_start3A_152 = tpu.memref_slice %arg15[%mul3A_4, %dma_start3A] : memref<10112x128xf32, #tpu.memory_space<vmem_shared>> -> memref<632x128xf32, #tpu.memory_space<vmem_shared>>
      %dma_start3A_153 = arith.constant 0 : i32
      %dma_start3A_154 = tpu.memref_slice %arg6[%mul3A_2, %dma_start3A_153] : memref<10112x128xf32, #tpu.memory_space<hbm>> -> memref<632x128xf32, #tpu.memory_space<hbm>>
      tpu.enqueue_dma source(%dma_start3A_154 : memref<632x128xf32, #tpu.memory_space<hbm>>) target(%dma_start3A_152 : memref<632x128xf32, #tpu.memory_space<vmem_shared>>) target_semaphore(%run_scoped3A : memref<!tpu.dma_semaphore, #tpu.memory_space<semaphore_mem>>)
      %dma_wait3A = arith.constant 0 : i32
      %dma_wait3A_155 = tpu.memref_slice %arg15[%mul3A_4, %dma_wait3A] : memref<10112x128xf32, #tpu.memory_space<vmem_shared>> -> memref<632x128xf32, #tpu.memory_space<vmem_shared>>
      %dma_wait3A_156 = arith.constant 0 : i32
      %dma_wait3A_157 = tpu.memref_slice %arg6[%mul3A_2, %dma_wait3A_156] : memref<10112x128xf32, #tpu.memory_space<hbm>> -> memref<632x128xf32, #tpu.memory_space<hbm>>
      tpu.wait_dma2 semaphore(%run_scoped3A : memref<!tpu.dma_semaphore, #tpu.memory_space<semaphore_mem>>) src(%dma_wait3A_157 : memref<632x128xf32, #tpu.memory_space<hbm>>) dst(%dma_wait3A_155 : memref<632x128xf32, #tpu.memory_space<vmem_shared>>)
      tpu.yield
    }) : () -> ()
    "tpu.region"() ({
      %run_scoped3A = tpu.sem_alloc : memref<!tpu.dma_semaphore, #tpu.memory_space<semaphore_mem>>
      tpu.enqueue_dma source(%arg2 : memref<1600xi32, #tpu.memory_space<hbm>>) target(%arg9 : memref<1600xi32, #tpu.memory_space<vmem>>) target_semaphore(%run_scoped3A : memref<!tpu.dma_semaphore, #tpu.memory_space<semaphore_mem>>)
      tpu.wait_dma2 semaphore(%run_scoped3A : memref<!tpu.dma_semaphore, #tpu.memory_space<semaphore_mem>>) src(%arg2 : memref<1600xi32, #tpu.memory_space<hbm>>) dst(%arg9 : memref<1600xi32, #tpu.memory_space<vmem>>)
      tpu.yield
    }) : () -> ()
    %scan3A = arith.constant 0 : i32
    %scan3A_5 = arith.constant 632 : i32
    %scan3A_6 = arith.addi %scan3A, %scan3A_5 : i32
    %scan3A_7 = arith.constant 1 : i32
    scf.for %scan3A_152 = %scan3A to %scan3A_6 step %scan3A_7  : i32 {
      %broadcast_in_dim3A_153 = arith.constant 0 : i32
      %broadcast_in_dim3A_154 = vector.broadcast %broadcast_in_dim3A_153 : i32 to vector<16xi32>
      %mul3A_155 = arith.constant 16 : i32
      %mul3A_156 = arith.muli %scan3A_152, %mul3A_155 : i32
      %swap3A = arith.index_cast %mul3A_156 : i32 to index
      %swap3A_157 = tpu.vector_load %arg8[%swap3A] {strides = array<i32>} : memref<10112xi32, #tpu.memory_space<vmem>>, vector<16xi32>,
      tpu.vector_store %arg8[%swap3A], %broadcast_in_dim3A_154 {strides = array<i32>} : memref<10112xi32, #tpu.memory_space<vmem>>, vector<16xi32>,
    }
    %scan3A_8 = arith.constant 632 : i32
    %broadcast_in_dim3A = arith.constant 1 : i32
    %broadcast_in_dim3A_9 = vector.broadcast %broadcast_in_dim3A : i32 to vector<16xi32>
    %scan3A_10 = arith.constant 0 : i32
    %scan3A_11 = arith.constant 100 : i32
    %scan3A_12 = arith.addi %scan3A_10, %scan3A_11 : i32
    %scan3A_13 = arith.constant 1 : i32
    scf.for %scan3A_152 = %scan3A_10 to %scan3A_12 step %scan3A_13  : i32 {
      %mul3A_153 = arith.constant 16 : i32
      %mul3A_154 = arith.muli %scan3A_152, %mul3A_153 : i32
      %get3A = arith.index_cast %mul3A_154 : i32 to index
      %get3A_155 = tpu.vector_load %arg9[%get3A] {strides = array<i32>} : memref<1600xi32, #tpu.memory_space<vmem>>, vector<16xi32>,
      tpu.vector_store_idx %arg8[%get3A_155], %broadcast_in_dim3A_9 : memref<10112xi32, #tpu.memory_space<vmem>>[vector<16xi32>], vector<16xi32>,
    }
    %scan3A_14 = arith.constant 100 : i32
    %mul3A_15 = arith.constant 156 : i32
    %mul3A_16 = arith.muli %add3A, %mul3A_15 : i32
    %jit3A = arith.constant 4 : i32
    %div3A = arith.divsi %add3A, %jit3A : i32
    %sign3A = arith.constant 0 : i32
    %sign3A_17 = arith.cmpi sgt, %add3A, %sign3A : i32
    %sign3A_18 = arith.extui %sign3A_17 : i1 to i32
    %sign3A_19 = arith.constant 0 : i32
    %sign3A_20 = arith.cmpi slt, %add3A, %sign3A_19 : i32
    %sign3A_21 = arith.extui %sign3A_20 : i1 to i32
    %sign3A_22 = arith.subi %sign3A_18, %sign3A_21 : i32
    %sign3A_23 = arith.constant 0 : i32
    %sign3A_24 = arith.cmpi sgt, %jit3A, %sign3A_23 : i32
    %sign3A_25 = arith.extui %sign3A_24 : i1 to i32
    %sign3A_26 = arith.constant 0 : i32
    %sign3A_27 = arith.cmpi slt, %jit3A, %sign3A_26 : i32
    %sign3A_28 = arith.extui %sign3A_27 : i1 to i32
    %sign3A_29 = arith.subi %sign3A_25, %sign3A_28 : i32
    %ne3A = arith.cmpi ne, %sign3A_22, %sign3A_29 : i32
    %rem3A = arith.remsi %add3A, %jit3A : i32
    %ne3A_30 = arith.constant 0 : i32
    %ne3A_31 = arith.cmpi ne, %rem3A, %ne3A_30 : i32
    %and3A = arith.andi %ne3A, %ne3A_31 : i1
    %sub3A = arith.constant 1 : i32
    %sub3A_32 = arith.subi %div3A, %sub3A : i32
    %select_n3A = arith.select %and3A, %sub3A_32, %div3A : i32
    %add3A_33 = arith.addi %mul3A_16, %select_n3A : i32
    %add3A_34 = arith.constant 1 : i32
    %add3A_35 = arith.addi %add3A, %add3A_34 : i32
    %mul3A_36 = arith.constant 156 : i32
    %mul3A_37 = arith.muli %add3A_35, %mul3A_36 : i32
    %add3A_38 = arith.constant 1 : i32
    %add3A_39 = arith.addi %add3A, %add3A_38 : i32
    %jit3A_40 = arith.constant 4 : i32
    %div3A_41 = arith.divsi %add3A_39, %jit3A_40 : i32
    %sign3A_42 = arith.constant 0 : i32
    %sign3A_43 = arith.cmpi sgt, %add3A_39, %sign3A_42 : i32
    %sign3A_44 = arith.extui %sign3A_43 : i1 to i32
    %sign3A_45 = arith.constant 0 : i32
    %sign3A_46 = arith.cmpi slt, %add3A_39, %sign3A_45 : i32
    %sign3A_47 = arith.extui %sign3A_46 : i1 to i32
    %sign3A_48 = arith.subi %sign3A_44, %sign3A_47 : i32
    %sign3A_49 = arith.constant 0 : i32
    %sign3A_50 = arith.cmpi sgt, %jit3A_40, %sign3A_49 : i32
    %sign3A_51 = arith.extui %sign3A_50 : i1 to i32
    %sign3A_52 = arith.constant 0 : i32
    %sign3A_53 = arith.cmpi slt, %jit3A_40, %sign3A_52 : i32
    %sign3A_54 = arith.extui %sign3A_53 : i1 to i32
    %sign3A_55 = arith.subi %sign3A_51, %sign3A_54 : i32
    %ne3A_56 = arith.cmpi ne, %sign3A_48, %sign3A_55 : i32
    %rem3A_57 = arith.remsi %add3A_39, %jit3A_40 : i32
    %ne3A_58 = arith.constant 0 : i32
    %ne3A_59 = arith.cmpi ne, %rem3A_57, %ne3A_58 : i32
    %and3A_60 = arith.andi %ne3A_56, %ne3A_59 : i1
    %sub3A_61 = arith.constant 1 : i32
    %sub3A_62 = arith.subi %div3A_41, %sub3A_61 : i32
    %select_n3A_63 = arith.select %and3A_60, %sub3A_62, %div3A_41 : i32
    %add3A_64 = arith.addi %mul3A_37, %select_n3A_63 : i32
    %mul3A_65 = arith.constant 64 : i32
    %mul3A_66 = arith.muli %add3A_33, %mul3A_65 : i32
    "tpu.region"() ({
      %run_scoped3A = tpu.sem_alloc : memref<!tpu.dma_semaphore, #tpu.memory_space<semaphore_mem>>
      %dma_start3A = tpu.memref_slice %arg3[%mul3A_66] : memref<320000xi32, #tpu.memory_space<hbm>> -> memref<10048xi32, #tpu.memory_space<hbm>>
      %dma_start3A_152 = tpu.memref_slice %arg3[%mul3A_66] : memref<320000xi32, #tpu.memory_space<hbm>> -> memref<10048xi32, #tpu.memory_space<hbm>>
      tpu.enqueue_dma source(%dma_start3A_152 : memref<10048xi32, #tpu.memory_space<hbm>>) target(%arg10 : memref<10048xi32, #tpu.memory_space<vmem>>) target_semaphore(%run_scoped3A : memref<!tpu.dma_semaphore, #tpu.memory_space<semaphore_mem>>)
      %dma_wait3A = tpu.memref_slice %arg3[%mul3A_66] : memref<320000xi32, #tpu.memory_space<hbm>> -> memref<10048xi32, #tpu.memory_space<hbm>>
      %dma_wait3A_153 = tpu.memref_slice %arg3[%mul3A_66] : memref<320000xi32, #tpu.memory_space<hbm>> -> memref<10048xi32, #tpu.memory_space<hbm>>
      tpu.wait_dma2 semaphore(%run_scoped3A : memref<!tpu.dma_semaphore, #tpu.memory_space<semaphore_mem>>) src(%dma_wait3A_153 : memref<10048xi32, #tpu.memory_space<hbm>>) dst(%arg10 : memref<10048xi32, #tpu.memory_space<vmem>>)
      tpu.yield
    }) : () -> ()
    "tpu.region"() ({
      %run_scoped3A = tpu.sem_alloc : memref<!tpu.dma_semaphore, #tpu.memory_space<semaphore_mem>>
      %dma_start3A = tpu.memref_slice %arg4[%mul3A_66] : memref<320000xi32, #tpu.memory_space<hbm>> -> memref<10048xi32, #tpu.memory_space<hbm>>
      %dma_start3A_152 = tpu.memref_slice %arg4[%mul3A_66] : memref<320000xi32, #tpu.memory_space<hbm>> -> memref<10048xi32, #tpu.memory_space<hbm>>
      tpu.enqueue_dma source(%dma_start3A_152 : memref<10048xi32, #tpu.memory_space<hbm>>) target(%arg11 : memref<10048xi32, #tpu.memory_space<vmem>>) target_semaphore(%run_scoped3A : memref<!tpu.dma_semaphore, #tpu.memory_space<semaphore_mem>>)
      %dma_wait3A = tpu.memref_slice %arg4[%mul3A_66] : memref<320000xi32, #tpu.memory_space<hbm>> -> memref<10048xi32, #tpu.memory_space<hbm>>
      %dma_wait3A_153 = tpu.memref_slice %arg4[%mul3A_66] : memref<320000xi32, #tpu.memory_space<hbm>> -> memref<10048xi32, #tpu.memory_space<hbm>>
      tpu.wait_dma2 semaphore(%run_scoped3A : memref<!tpu.dma_semaphore, #tpu.memory_space<semaphore_mem>>) src(%dma_wait3A_153 : memref<10048xi32, #tpu.memory_space<hbm>>) dst(%arg11 : memref<10048xi32, #tpu.memory_space<vmem>>)
      tpu.yield
    }) : () -> ()
    %barrier3A = arith.constant 0 : index
    tpu.barrier barrier_id(%barrier3A)
    %sub3A_67 = arith.subi %add3A_64, %add3A_33 : i32
    %mul3A_68 = arith.constant 64 : i32
    %mul3A_69 = arith.muli %sub3A_67, %mul3A_68 : i32
    %iota3A = tpu.iota {dimensions = array<i32: 0>} : vector<16xi32>
    %jit3A_70 = arith.constant 16 : i32
    %div3A_71 = arith.divsi %mul3A_69, %jit3A_70 : i32
    %sign3A_72 = arith.constant 0 : i32
    %sign3A_73 = arith.cmpi sgt, %mul3A_69, %sign3A_72 : i32
    %sign3A_74 = arith.extui %sign3A_73 : i1 to i32
    %sign3A_75 = arith.constant 0 : i32
    %sign3A_76 = arith.cmpi slt, %mul3A_69, %sign3A_75 : i32
    %sign3A_77 = arith.extui %sign3A_76 : i1 to i32
    %sign3A_78 = arith.subi %sign3A_74, %sign3A_77 : i32
    %sign3A_79 = arith.constant 0 : i32
    %sign3A_80 = arith.cmpi sgt, %jit3A_70, %sign3A_79 : i32
    %sign3A_81 = arith.extui %sign3A_80 : i1 to i32
    %sign3A_82 = arith.constant 0 : i32
    %sign3A_83 = arith.cmpi slt, %jit3A_70, %sign3A_82 : i32
    %sign3A_84 = arith.extui %sign3A_83 : i1 to i32
    %sign3A_85 = arith.subi %sign3A_81, %sign3A_84 : i32
    %ne3A_86 = arith.cmpi ne, %sign3A_78, %sign3A_85 : i32
    %rem3A_87 = arith.remsi %mul3A_69, %jit3A_70 : i32
    %ne3A_88 = arith.constant 0 : i32
    %ne3A_89 = arith.cmpi ne, %rem3A_87, %ne3A_88 : i32
    %and3A_90 = arith.andi %ne3A_86, %ne3A_89 : i1
    %sub3A_91 = arith.constant 1 : i32
    %sub3A_92 = arith.subi %div3A_71, %sub3A_91 : i32
    %select_n3A_93 = arith.select %and3A_90, %sub3A_92, %div3A_71 : i32
    %while3A = arith.constant 0 : i32
    %while3A_94 = arith.constant 0 : i32
    %while3A_95 = arith.subi %select_n3A_93, %while3A : i32
    %while3A_96 = arith.addi %while3A, %while3A_95 : i32
    %while3A_97 = arith.constant 1 : i32
    %while3A_98 = arith.divsi %while3A_95, %while3A_97 : i32
    %while3A_99 = arith.muli %while3A_98, %while3A_97 : i32
    %while3A_100 = arith.addi %while3A, %while3A_99 : i32
    %while3A_101 = arith.constant 1 : i32
    %while3A_102 = scf.for %while3A_152 = %while3A to %while3A_100 step %while3A_101 iter_args(%while3A_153 = %while3A_94) -> (i32)  : i32 {
      %mul3A_154 = arith.constant 16 : i32
      %mul3A_155 = arith.muli %while3A_152, %mul3A_154 : i32
      %get3A = arith.index_cast %mul3A_155 : i32 to index
      %get3A_156 = tpu.vector_load %arg10[%get3A] {strides = array<i32>} : memref<10048xi32, #tpu.memory_space<vmem>>, vector<16xi32>,
      %get3A_157 = arith.index_cast %mul3A_155 : i32 to index
      %get3A_158 = tpu.vector_load %arg11[%get3A_157] {strides = array<i32>} : memref<10048xi32, #tpu.memory_space<vmem>>, vector<16xi32>,
      %gather3A = tpu.vector_load_idx %arg8[%get3A_156] : memref<10112xi32, #tpu.memory_space<vmem>>[vector<16xi32>], vector<16xi32>,
      %gather3A_159 = tpu.vector_load_idx %arg8[%get3A_158] : memref<10112xi32, #tpu.memory_space<vmem>>[vector<16xi32>], vector<16xi32>,
      %and3A_160 = arith.andi %gather3A, %gather3A_159 : vector<16xi32>
      %ne3A_161 = arith.constant 0 : i32
      %ne3A_162 = vector.broadcast %ne3A_161 : i32 to vector<16xi32>
      %ne3A_163 = arith.cmpi ne, %and3A_160, %ne3A_162 : vector<16xi32>
      %convert_element_type3A_164 = arith.extui %ne3A_163 : vector<16xi1> to vector<16xi32>
      %broadcast_in_dim3A_165 = arith.constant true
      %broadcast_in_dim3A_166 = vector.broadcast %broadcast_in_dim3A_165 : i1 to vector<16xi1>
      %masked_cumsum3A = tpu.scan <sum>, %convert_element_type3A_164 masked %broadcast_in_dim3A_166 : vector<16xi32>, vector<16xi1> -> vector<16xi32>
      %add3A_167 = vector.broadcast %while3A_153 : i32 to vector<16xi32>
      %add3A_168 = arith.addi %add3A_167, %masked_cumsum3A : vector<16xi32>
      %sub3A_169 = arith.subi %add3A_168, %convert_element_type3A_164 : vector<16xi32>
      tpu.vector_store_idx %arg10[%sub3A_169], %get3A_156 masked %ne3A_163 : memref<10048xi32, #tpu.memory_space<vmem>>[vector<16xi32>], vector<16xi32>, vector<16xi1>
      tpu.vector_store_idx %arg11[%sub3A_169], %get3A_158 masked %ne3A_163 : memref<10048xi32, #tpu.memory_space<vmem>>[vector<16xi32>], vector<16xi32>, vector<16xi1>
      %slice3A = vector.extract_strided_slice %masked_cumsum3A {offsets = [15], sizes = [1], strides = [1]} : vector<16xi32> to vector<1xi32>
      %squeeze3A = vector.extract %slice3A[0] : i32 from vector<1xi32>
      %add3A_170 = arith.addi %while3A_153, %squeeze3A : i32
      scf.yield %add3A_170 : i32
    }
    %while3A_103 = arith.constant 1 : i32
    %while3A_104 = scf.for %while3A_152 = %while3A_100 to %while3A_96 step %while3A_103 iter_args(%while3A_153 = %while3A_102) -> (i32)  : i32 {
      %mul3A_154 = arith.constant 16 : i32
      %mul3A_155 = arith.muli %while3A_152, %mul3A_154 : i32
      %get3A = arith.index_cast %mul3A_155 : i32 to index
      %get3A_156 = tpu.vector_load %arg10[%get3A] {strides = array<i32>} : memref<10048xi32, #tpu.memory_space<vmem>>, vector<16xi32>,
      %get3A_157 = arith.index_cast %mul3A_155 : i32 to index
      %get3A_158 = tpu.vector_load %arg11[%get3A_157] {strides = array<i32>} : memref<10048xi32, #tpu.memory_space<vmem>>, vector<16xi32>,
      %gather3A = tpu.vector_load_idx %arg8[%get3A_156] : memref<10112xi32, #tpu.memory_space<vmem>>[vector<16xi32>], vector<16xi32>,
      %gather3A_159 = tpu.vector_load_idx %arg8[%get3A_158] : memref<10112xi32, #tpu.memory_space<vmem>>[vector<16xi32>], vector<16xi32>,
      %and3A_160 = arith.andi %gather3A, %gather3A_159 : vector<16xi32>
      %ne3A_161 = arith.constant 0 : i32
      %ne3A_162 = vector.broadcast %ne3A_161 : i32 to vector<16xi32>
      %ne3A_163 = arith.cmpi ne, %and3A_160, %ne3A_162 : vector<16xi32>
      %convert_element_type3A_164 = arith.extui %ne3A_163 : vector<16xi1> to vector<16xi32>
      %broadcast_in_dim3A_165 = arith.constant true
      %broadcast_in_dim3A_166 = vector.broadcast %broadcast_in_dim3A_165 : i1 to vector<16xi1>
      %masked_cumsum3A = tpu.scan <sum>, %convert_element_type3A_164 masked %broadcast_in_dim3A_166 : vector<16xi32>, vector<16xi1> -> vector<16xi32>
      %add3A_167 = vector.broadcast %while3A_153 : i32 to vector<16xi32>
      %add3A_168 = arith.addi %add3A_167, %masked_cumsum3A : vector<16xi32>
      %sub3A_169 = arith.subi %add3A_168, %convert_element_type3A_164 : vector<16xi32>
      tpu.vector_store_idx %arg10[%sub3A_169], %get3A_156 masked %ne3A_163 : memref<10048xi32, #tpu.memory_space<vmem>>[vector<16xi32>], vector<16xi32>, vector<16xi1>
      tpu.vector_store_idx %arg11[%sub3A_169], %get3A_158 masked %ne3A_163 : memref<10048xi32, #tpu.memory_space<vmem>>[vector<16xi32>], vector<16xi32>, vector<16xi1>
      %slice3A = vector.extract_strided_slice %masked_cumsum3A {offsets = [15], sizes = [1], strides = [1]} : vector<16xi32> to vector<1xi32>
      %squeeze3A = vector.extract %slice3A[0] : i32 from vector<1xi32>
      %add3A_170 = arith.addi %while3A_153, %squeeze3A : i32
      scf.yield %add3A_170 : i32
    }
    %add3A_105 = arith.constant 64 : i32
    %add3A_106 = arith.addi %while3A_104, %add3A_105 : i32
    %sub3A_107 = arith.constant 1 : i32
    %sub3A_108 = arith.subi %add3A_106, %sub3A_107 : i32
    %jit3A_109 = arith.constant 64 : i32
    %div3A_110 = arith.divsi %sub3A_108, %jit3A_109 : i32
    %sign3A_111 = arith.constant 0 : i32
    %sign3A_112 = arith.cmpi sgt, %sub3A_108, %sign3A_111 : i32
    %sign3A_113 = arith.extui %sign3A_112 : i1 to i32
    %sign3A_114 = arith.constant 0 : i32
    %sign3A_115 = arith.cmpi slt, %sub3A_108, %sign3A_114 : i32
    %sign3A_116 = arith.extui %sign3A_115 : i1 to i32
    %sign3A_117 = arith.subi %sign3A_113, %sign3A_116 : i32
    %sign3A_118 = arith.constant 0 : i32
    %sign3A_119 = arith.cmpi sgt, %jit3A_109, %sign3A_118 : i32
    %sign3A_120 = arith.extui %sign3A_119 : i1 to i32
    %sign3A_121 = arith.constant 0 : i32
    %sign3A_122 = arith.cmpi slt, %jit3A_109, %sign3A_121 : i32
    %sign3A_123 = arith.extui %sign3A_122 : i1 to i32
    %sign3A_124 = arith.subi %sign3A_120, %sign3A_123 : i32
    %ne3A_125 = arith.cmpi ne, %sign3A_117, %sign3A_124 : i32
    %rem3A_126 = arith.remsi %sub3A_108, %jit3A_109 : i32
    %ne3A_127 = arith.constant 0 : i32
    %ne3A_128 = arith.cmpi ne, %rem3A_126, %ne3A_127 : i32
    %and3A_129 = arith.andi %ne3A_125, %ne3A_128 : i1
    %sub3A_130 = arith.constant 1 : i32
    %sub3A_131 = arith.subi %div3A_110, %sub3A_130 : i32
    %select_n3A_132 = arith.select %and3A_129, %sub3A_131, %div3A_110 : i32
    %while3A_133 = arith.constant 0 : i32
    %while3A_134 = arith.subi %select_n3A_132, %while3A_133 : i32
    %while3A_135 = arith.addi %while3A_133, %while3A_134 : i32
    %while3A_136 = arith.constant 1 : i32
    %while3A_137 = arith.divsi %while3A_134, %while3A_136 : i32
    %while3A_138 = arith.muli %while3A_137, %while3A_136 : i32
    %while3A_139 = arith.addi %while3A_133, %while3A_138 : i32
    %while3A_140 = arith.constant 1 : i32
    scf.for %while3A_152 = %while3A_133 to %while3A_139 step %while3A_140  : i32 {
      %mul3A_153 = arith.constant 64 : i32
      %mul3A_154 = arith.muli %while3A_152, %mul3A_153 : i32
      %gt3A_155 = arith.constant 0 : i32
      %gt3A_156 = arith.cmpi sgt, %while3A_152, %gt3A_155 : i32
      %convert_element_type3A_157 = arith.extui %gt3A_156 : i1 to i32
      %cond3A_158 = arith.constant 0 : i32
      %cond3A_159 = arith.cmpi ne, %convert_element_type3A_157, %cond3A_158 : i32
      scf.if %cond3A_159 {
        %dma_wait3A_264 = arith.constant 0 : i32
        %dma_wait3A_265 = arith.constant 0 : i32
        %dma_wait3A_266 = tpu.memref_slice %arg15[%dma_wait3A_264, %dma_wait3A_265] : memref<10112x128xf32, #tpu.memory_space<vmem_shared>> -> memref<64x128xf32, #tpu.memory_space<vmem_shared>>
        %dma_wait3A_267 = arith.constant 0 : i32
        %dma_wait3A_268 = arith.constant 0 : i32
        %dma_wait3A_269 = tpu.memref_slice %arg15[%dma_wait3A_267, %dma_wait3A_268] : memref<10112x128xf32, #tpu.memory_space<vmem_shared>> -> memref<64x128xf32, #tpu.memory_space<vmem_shared>>
        tpu.wait_dma2 semaphore(%arg17 : memref<!tpu.dma_semaphore, #tpu.memory_space<semaphore_mem>>) src(%arg14 : memref<64x128xf32, #tpu.memory_space<vmem>>) dst(%dma_wait3A_269 : memref<64x128xf32, #tpu.memory_space<vmem_shared>>)
      } else {
      }
      %add3A_160 = arith.constant 0 : i32
      %add3A_161 = arith.addi %mul3A_154, %add3A_160 : i32
      %add3A_162 = vector.broadcast %add3A_161 : i32 to vector<16xi32>
      %add3A_163 = arith.addi %add3A_162, %iota3A : vector<16xi32>
      %add3A_164 = arith.constant 0 : i32
      %add3A_165 = arith.addi %mul3A_154, %add3A_164 : i32
      %get3A = arith.index_cast %add3A_165 : i32 to index
      %get3A_166 = tpu.vector_load %arg10[%get3A] {strides = array<i32>} : memref<10048xi32, #tpu.memory_space<vmem>>, vector<16xi32>,
      %add3A_167 = arith.constant 0 : i32
      %add3A_168 = arith.addi %mul3A_154, %add3A_167 : i32
      %get3A_169 = arith.index_cast %add3A_168 : i32 to index
      %get3A_170 = tpu.vector_load %arg11[%get3A_169] {strides = array<i32>} : memref<10048xi32, #tpu.memory_space<vmem>>, vector<16xi32>,
      %lt3A = vector.broadcast %while3A_104 : i32 to vector<16xi32>
      %lt3A_171 = arith.cmpi slt, %add3A_163, %lt3A : vector<16xi32>
      %add3A_172 = arith.constant 0 : i32
      %add3A_173 = vector.broadcast %add3A_172 : i32 to vector<16xi32>
      %add3A_174 = arith.addi %iota3A, %add3A_173 : vector<16xi32>
      %select_n3A_175 = arith.select %lt3A_171, %get3A_166, %add3A_174 : vector<16xi1>, vector<16xi32>
      %swap3A = arith.constant 0 : index
      %swap3A_176 = tpu.vector_load %arg12[%swap3A] {strides = array<i32>} : memref<64xi32, #tpu.memory_space<vmem>>, vector<16xi32>,
      tpu.vector_store %arg12[%swap3A], %select_n3A_175 {strides = array<i32>} : memref<64xi32, #tpu.memory_space<vmem>>, vector<16xi32>,
      %jit3A_177 = arith.constant 10000 : i32
      %broadcast_in_dim3A_178 = vector.broadcast %jit3A_177 : i32 to vector<16xi32>
      %select_n3A_179 = arith.select %lt3A_171, %get3A_170, %broadcast_in_dim3A_178 : vector<16xi1>, vector<16xi32>
      %swap3A_180 = arith.constant 0 : index
      %swap3A_181 = tpu.vector_load %arg13[%swap3A_180] {strides = array<i32>} : memref<64xi32, #tpu.memory_space<vmem>>, vector<16xi32>,
      tpu.vector_store %arg13[%swap3A_180], %select_n3A_179 {strides = array<i32>} : memref<64xi32, #tpu.memory_space<vmem>>, vector<16xi32>,
      %add3A_182 = arith.constant 16 : i32
      %add3A_183 = arith.addi %mul3A_154, %add3A_182 : i32
      %add3A_184 = vector.broadcast %add3A_183 : i32 to vector<16xi32>
      %add3A_185 = arith.addi %add3A_184, %iota3A : vector<16xi32>
      %add3A_186 = arith.constant 16 : i32
      %add3A_187 = arith.addi %mul3A_154, %add3A_186 : i32
      %get3A_188 = arith.index_cast %add3A_187 : i32 to index
      %get3A_189 = tpu.vector_load %arg10[%get3A_188] {strides = array<i32>} : memref<10048xi32, #tpu.memory_space<vmem>>, vector<16xi32>,
      %add3A_190 = arith.constant 16 : i32
      %add3A_191 = arith.addi %mul3A_154, %add3A_190 : i32
      %get3A_192 = arith.index_cast %add3A_191 : i32 to index
      %get3A_193 = tpu.vector_load %arg11[%get3A_192] {strides = array<i32>} : memref<10048xi32, #tpu.memory_space<vmem>>, vector<16xi32>,
      %lt3A_194 = vector.broadcast %while3A_104 : i32 to vector<16xi32>
      %lt3A_195 = arith.cmpi slt, %add3A_185, %lt3A_194 : vector<16xi32>
      %add3A_196 = arith.constant 16 : i32
      %add3A_197 = vector.broadcast %add3A_196 : i32 to vector<16xi32>
      %add3A_198 = arith.addi %iota3A, %add3A_197 : vector<16xi32>
      %select_n3A_199 = arith.select %lt3A_195, %get3A_189, %add3A_198 : vector<16xi1>, vector<16xi32>
      %swap3A_200 = arith.constant 16 : index
      %swap3A_201 = tpu.vector_load %arg12[%swap3A_200] {strides = array<i32>} : memref<64xi32, #tpu.memory_space<vmem>>, vector<16xi32>,
      tpu.vector_store %arg12[%swap3A_200], %select_n3A_199 {strides = array<i32>} : memref<64xi32, #tpu.memory_space<vmem>>, vector<16xi32>,
      %jit3A_202 = arith.constant 10000 : i32
      %broadcast_in_dim3A_203 = vector.broadcast %jit3A_202 : i32 to vector<16xi32>
      %select_n3A_204 = arith.select %lt3A_195, %get3A_193, %broadcast_in_dim3A_203 : vector<16xi1>, vector<16xi32>
      %swap3A_205 = arith.constant 16 : index
      %swap3A_206 = tpu.vector_load %arg13[%swap3A_205] {strides = array<i32>} : memref<64xi32, #tpu.memory_space<vmem>>, vector<16xi32>,
      tpu.vector_store %arg13[%swap3A_205], %select_n3A_204 {strides = array<i32>} : memref<64xi32, #tpu.memory_space<vmem>>, vector<16xi32>,
      %add3A_207 = arith.constant 32 : i32
      %add3A_208 = arith.addi %mul3A_154, %add3A_207 : i32
      %add3A_209 = vector.broadcast %add3A_208 : i32 to vector<16xi32>
      %add3A_210 = arith.addi %add3A_209, %iota3A : vector<16xi32>
      %add3A_211 = arith.constant 32 : i32
      %add3A_212 = arith.addi %mul3A_154, %add3A_211 : i32
      %get3A_213 = arith.index_cast %add3A_212 : i32 to index
      %get3A_214 = tpu.vector_load %arg10[%get3A_213] {strides = array<i32>} : memref<10048xi32, #tpu.memory_space<vmem>>, vector<16xi32>,
      %add3A_215 = arith.constant 32 : i32
      %add3A_216 = arith.addi %mul3A_154, %add3A_215 : i32
      %get3A_217 = arith.index_cast %add3A_216 : i32 to index
      %get3A_218 = tpu.vector_load %arg11[%get3A_217] {strides = array<i32>} : memref<10048xi32, #tpu.memory_space<vmem>>, vector<16xi32>,
      %lt3A_219 = vector.broadcast %while3A_104 : i32 to vector<16xi32>
      %lt3A_220 = arith.cmpi slt, %add3A_210, %lt3A_219 : vector<16xi32>
      %add3A_221 = arith.constant 32 : i32
      %add3A_222 = vector.broadcast %add3A_221 : i32 to vector<16xi32>
      %add3A_223 = arith.addi %iota3A, %add3A_222 : vector<16xi32>
      %select_n3A_224 = arith.select %lt3A_220, %get3A_214, %add3A_223 : vector<16xi1>, vector<16xi32>
      %swap3A_225 = arith.constant 32 : index
      %swap3A_226 = tpu.vector_load %arg12[%swap3A_225] {strides = array<i32>} : memref<64xi32, #tpu.memory_space<vmem>>, vector<16xi32>,
      tpu.vector_store %arg12[%swap3A_225], %select_n3A_224 {strides = array<i32>} : memref<64xi32, #tpu.memory_space<vmem>>, vector<16xi32>,
      %jit3A_227 = arith.constant 10000 : i32
      %broadcast_in_dim3A_228 = vector.broadcast %jit3A_227 : i32 to vector<16xi32>
      %select_n3A_229 = arith.select %lt3A_220, %get3A_218, %broadcast_in_dim3A_228 : vector<16xi1>, vector<16xi32>
      %swap3A_230 = arith.constant 32 : index
      %swap3A_231 = tpu.vector_load %arg13[%swap3A_230] {strides = array<i32>} : memref<64xi32, #tpu.memory_space<vmem>>, vector<16xi32>,
      tpu.vector_store %arg13[%swap3A_230], %select_n3A_229 {strides = array<i32>} : memref<64xi32, #tpu.memory_space<vmem>>, vector<16xi32>,
      %add3A_232 = arith.constant 48 : i32
      %add3A_233 = arith.addi %mul3A_154, %add3A_232 : i32
      %add3A_234 = vector.broadcast %add3A_233 : i32 to vector<16xi32>
      %add3A_235 = arith.addi %add3A_234, %iota3A : vector<16xi32>
      %add3A_236 = arith.constant 48 : i32
      %add3A_237 = arith.addi %mul3A_154, %add3A_236 : i32
      %get3A_238 = arith.index_cast %add3A_237 : i32 to index
      %get3A_239 = tpu.vector_load %arg10[%get3A_238] {strides = array<i32>} : memref<10048xi32, #tpu.memory_space<vmem>>, vector<16xi32>,
      %add3A_240 = arith.constant 48 : i32
      %add3A_241 = arith.addi %mul3A_154, %add3A_240 : i32
      %get3A_242 = arith.index_cast %add3A_241 : i32 to index
      %get3A_243 = tpu.vector_load %arg11[%get3A_242] {strides = array<i32>} : memref<10048xi32, #tpu.memory_space<vmem>>, vector<16xi32>,
      %lt3A_244 = vector.broadcast %while3A_104 : i32 to vector<16xi32>
      %lt3A_245 = arith.cmpi slt, %add3A_235, %lt3A_244 : vector<16xi32>
      %add3A_246 = arith.constant 48 : i32
      %add3A_247 = vector.broadcast %add3A_246 : i32 to vector<16xi32>
      %add3A_248 = arith.addi %iota3A, %add3A_247 : vector<16xi32>
      %select_n3A_249 = arith.select %lt3A_245, %get3A_239, %add3A_248 : vector<16xi1>, vector<16xi32>
      %swap3A_250 = arith.constant 48 : index
      %swap3A_251 = tpu.vector_load %arg12[%swap3A_250] {strides = array<i32>} : memref<64xi32, #tpu.memory_space<vmem>>, vector<16xi32>,
      tpu.vector_store %arg12[%swap3A_250], %select_n3A_249 {strides = array<i32>} : memref<64xi32, #tpu.memory_space<vmem>>, vector<16xi32>,
      %jit3A_252 = arith.constant 10000 : i32
      %broadcast_in_dim3A_253 = vector.broadcast %jit3A_252 : i32 to vector<16xi32>
      %select_n3A_254 = arith.select %lt3A_245, %get3A_243, %broadcast_in_dim3A_253 : vector<16xi1>, vector<16xi32>
      %swap3A_255 = arith.constant 48 : index
      %swap3A_256 = tpu.vector_load %arg13[%swap3A_255] {strides = array<i32>} : memref<64xi32, #tpu.memory_space<vmem>>, vector<16xi32>,
      tpu.vector_store %arg13[%swap3A_255], %select_n3A_254 {strides = array<i32>} : memref<64xi32, #tpu.memory_space<vmem>>, vector<16xi32>,
      %dma_start3A = arith.constant 0 : i32
      %dma_start3A_257 = arith.constant 0 : i32
      %dma_start3A_258 = tpu.memref_slice %arg5[%dma_start3A, %dma_start3A_257] : memref<10112x128xf32, #tpu.memory_space<hbm>> -> memref<10112x128xf32, #tpu.memory_space<hbm>>
      tpu.enqueue_indirect_dma source(%dma_start3A_258 : memref<10112x128xf32, #tpu.memory_space<hbm>>) target(%arg14 : memref<64x128xf32, #tpu.memory_space<vmem>>) offsets(%arg12 : memref<64xi32, #tpu.memory_space<vmem>>) semaphore(%arg16 : memref<!tpu.dma_semaphore, #tpu.memory_space<semaphore_mem>>)
      %dma_wait3A = arith.constant 0 : i32
      %dma_wait3A_259 = arith.constant 0 : i32
      %dma_wait3A_260 = tpu.memref_slice %arg5[%dma_wait3A, %dma_wait3A_259] : memref<10112x128xf32, #tpu.memory_space<hbm>> -> memref<10112x128xf32, #tpu.memory_space<hbm>>
      tpu.wait_indirect_dma semaphore(%arg16 : memref<!tpu.dma_semaphore, #tpu.memory_space<semaphore_mem>>) src(%dma_wait3A_260 : memref<10112x128xf32, #tpu.memory_space<hbm>>) dst(%arg14 : memref<64x128xf32, #tpu.memory_space<vmem>>)
      %dma_start3A_261 = arith.constant 0 : i32
      %dma_start3A_262 = arith.constant 0 : i32
      %dma_start3A_263 = tpu.memref_slice %arg15[%dma_start3A_261, %dma_start3A_262] : memref<10112x128xf32, #tpu.memory_space<vmem_shared>> -> memref<10112x128xf32, #tpu.memory_space<vmem_shared>>
      tpu.enqueue_indirect_dma source(%arg14 : memref<64x128xf32, #tpu.memory_space<vmem>>) target(%dma_start3A_263 : memref<10112x128xf32, #tpu.memory_space<vmem_shared>>) offsets(%arg13 : memref<64xi32, #tpu.memory_space<vmem>>) semaphore(%arg17 : memref<!tpu.dma_semaphore, #tpu.memory_space<semaphore_mem>>) {add = true}
    }
    %while3A_141 = arith.constant 1 : i32
    scf.for %while3A_152 = %while3A_139 to %while3A_135 step %while3A_141  : i32 {
      %mul3A_153 = arith.constant 64 : i32
      %mul3A_154 = arith.muli %while3A_152, %mul3A_153 : i32
      %gt3A_155 = arith.constant 0 : i32
      %gt3A_156 = arith.cmpi sgt, %while3A_152, %gt3A_155 : i32
      %convert_element_type3A_157 = arith.extui %gt3A_156 : i1 to i32
      %cond3A_158 = arith.constant 0 : i32
      %cond3A_159 = arith.cmpi ne, %convert_element_type3A_157, %cond3A_158 : i32
      scf.if %cond3A_159 {
        %dma_wait3A_264 = arith.constant 0 : i32
        %dma_wait3A_265 = arith.constant 0 : i32
        %dma_wait3A_266 = tpu.memref_slice %arg15[%dma_wait3A_264, %dma_wait3A_265] : memref<10112x128xf32, #tpu.memory_space<vmem_shared>> -> memref<64x128xf32, #tpu.memory_space<vmem_shared>>
        %dma_wait3A_267 = arith.constant 0 : i32
        %dma_wait3A_268 = arith.constant 0 : i32
        %dma_wait3A_269 = tpu.memref_slice %arg15[%dma_wait3A_267, %dma_wait3A_268] : memref<10112x128xf32, #tpu.memory_space<vmem_shared>> -> memref<64x128xf32, #tpu.memory_space<vmem_shared>>
        tpu.wait_dma2 semaphore(%arg17 : memref<!tpu.dma_semaphore, #tpu.memory_space<semaphore_mem>>) src(%arg14 : memref<64x128xf32, #tpu.memory_space<vmem>>) dst(%dma_wait3A_269 : memref<64x128xf32, #tpu.memory_space<vmem_shared>>)
      } else {
      }
      %add3A_160 = arith.constant 0 : i32
      %add3A_161 = arith.addi %mul3A_154, %add3A_160 : i32
      %add3A_162 = vector.broadcast %add3A_161 : i32 to vector<16xi32>
      %add3A_163 = arith.addi %add3A_162, %iota3A : vector<16xi32>
      %add3A_164 = arith.constant 0 : i32
      %add3A_165 = arith.addi %mul3A_154, %add3A_164 : i32
      %get3A = arith.index_cast %add3A_165 : i32 to index
      %get3A_166 = tpu.vector_load %arg10[%get3A] {strides = array<i32>} : memref<10048xi32, #tpu.memory_space<vmem>>, vector<16xi32>,
      %add3A_167 = arith.constant 0 : i32
      %add3A_168 = arith.addi %mul3A_154, %add3A_167 : i32
      %get3A_169 = arith.index_cast %add3A_168 : i32 to index
      %get3A_170 = tpu.vector_load %arg11[%get3A_169] {strides = array<i32>} : memref<10048xi32, #tpu.memory_space<vmem>>, vector<16xi32>,
      %lt3A = vector.broadcast %while3A_104 : i32 to vector<16xi32>
      %lt3A_171 = arith.cmpi slt, %add3A_163, %lt3A : vector<16xi32>
      %add3A_172 = arith.constant 0 : i32
      %add3A_173 = vector.broadcast %add3A_172 : i32 to vector<16xi32>
      %add3A_174 = arith.addi %iota3A, %add3A_173 : vector<16xi32>
      %select_n3A_175 = arith.select %lt3A_171, %get3A_166, %add3A_174 : vector<16xi1>, vector<16xi32>
      %swap3A = arith.constant 0 : index
      %swap3A_176 = tpu.vector_load %arg12[%swap3A] {strides = array<i32>} : memref<64xi32, #tpu.memory_space<vmem>>, vector<16xi32>,
      tpu.vector_store %arg12[%swap3A], %select_n3A_175 {strides = array<i32>} : memref<64xi32, #tpu.memory_space<vmem>>, vector<16xi32>,
      %jit3A_177 = arith.constant 10000 : i32
      %broadcast_in_dim3A_178 = vector.broadcast %jit3A_177 : i32 to vector<16xi32>
      %select_n3A_179 = arith.select %lt3A_171, %get3A_170, %broadcast_in_dim3A_178 : vector<16xi1>, vector<16xi32>
      %swap3A_180 = arith.constant 0 : index
      %swap3A_181 = tpu.vector_load %arg13[%swap3A_180] {strides = array<i32>} : memref<64xi32, #tpu.memory_space<vmem>>, vector<16xi32>,
      tpu.vector_store %arg13[%swap3A_180], %select_n3A_179 {strides = array<i32>} : memref<64xi32, #tpu.memory_space<vmem>>, vector<16xi32>,
      %add3A_182 = arith.constant 16 : i32
      %add3A_183 = arith.addi %mul3A_154, %add3A_182 : i32
      %add3A_184 = vector.broadcast %add3A_183 : i32 to vector<16xi32>
      %add3A_185 = arith.addi %add3A_184, %iota3A : vector<16xi32>
      %add3A_186 = arith.constant 16 : i32
      %add3A_187 = arith.addi %mul3A_154, %add3A_186 : i32
      %get3A_188 = arith.index_cast %add3A_187 : i32 to index
      %get3A_189 = tpu.vector_load %arg10[%get3A_188] {strides = array<i32>} : memref<10048xi32, #tpu.memory_space<vmem>>, vector<16xi32>,
      %add3A_190 = arith.constant 16 : i32
      %add3A_191 = arith.addi %mul3A_154, %add3A_190 : i32
      %get3A_192 = arith.index_cast %add3A_191 : i32 to index
      %get3A_193 = tpu.vector_load %arg11[%get3A_192] {strides = array<i32>} : memref<10048xi32, #tpu.memory_space<vmem>>, vector<16xi32>,
      %lt3A_194 = vector.broadcast %while3A_104 : i32 to vector<16xi32>
      %lt3A_195 = arith.cmpi slt, %add3A_185, %lt3A_194 : vector<16xi32>
      %add3A_196 = arith.constant 16 : i32
      %add3A_197 = vector.broadcast %add3A_196 : i32 to vector<16xi32>
      %add3A_198 = arith.addi %iota3A, %add3A_197 : vector<16xi32>
      %select_n3A_199 = arith.select %lt3A_195, %get3A_189, %add3A_198 : vector<16xi1>, vector<16xi32>
      %swap3A_200 = arith.constant 16 : index
      %swap3A_201 = tpu.vector_load %arg12[%swap3A_200] {strides = array<i32>} : memref<64xi32, #tpu.memory_space<vmem>>, vector<16xi32>,
      tpu.vector_store %arg12[%swap3A_200], %select_n3A_199 {strides = array<i32>} : memref<64xi32, #tpu.memory_space<vmem>>, vector<16xi32>,
      %jit3A_202 = arith.constant 10000 : i32
      %broadcast_in_dim3A_203 = vector.broadcast %jit3A_202 : i32 to vector<16xi32>
      %select_n3A_204 = arith.select %lt3A_195, %get3A_193, %broadcast_in_dim3A_203 : vector<16xi1>, vector<16xi32>
      %swap3A_205 = arith.constant 16 : index
      %swap3A_206 = tpu.vector_load %arg13[%swap3A_205] {strides = array<i32>} : memref<64xi32, #tpu.memory_space<vmem>>, vector<16xi32>,
      tpu.vector_store %arg13[%swap3A_205], %select_n3A_204 {strides = array<i32>} : memref<64xi32, #tpu.memory_space<vmem>>, vector<16xi32>,
      %add3A_207 = arith.constant 32 : i32
      %add3A_208 = arith.addi %mul3A_154, %add3A_207 : i32
      %add3A_209 = vector.broadcast %add3A_208 : i32 to vector<16xi32>
      %add3A_210 = arith.addi %add3A_209, %iota3A : vector<16xi32>
      %add3A_211 = arith.constant 32 : i32
      %add3A_212 = arith.addi %mul3A_154, %add3A_211 : i32
      %get3A_213 = arith.index_cast %add3A_212 : i32 to index
      %get3A_214 = tpu.vector_load %arg10[%get3A_213] {strides = array<i32>} : memref<10048xi32, #tpu.memory_space<vmem>>, vector<16xi32>,
      %add3A_215 = arith.constant 32 : i32
      %add3A_216 = arith.addi %mul3A_154, %add3A_215 : i32
      %get3A_217 = arith.index_cast %add3A_216 : i32 to index
      %get3A_218 = tpu.vector_load %arg11[%get3A_217] {strides = array<i32>} : memref<10048xi32, #tpu.memory_space<vmem>>, vector<16xi32>,
      %lt3A_219 = vector.broadcast %while3A_104 : i32 to vector<16xi32>
      %lt3A_220 = arith.cmpi slt, %add3A_210, %lt3A_219 : vector<16xi32>
      %add3A_221 = arith.constant 32 : i32
      %add3A_222 = vector.broadcast %add3A_221 : i32 to vector<16xi32>
      %add3A_223 = arith.addi %iota3A, %add3A_222 : vector<16xi32>
      %select_n3A_224 = arith.select %lt3A_220, %get3A_214, %add3A_223 : vector<16xi1>, vector<16xi32>
      %swap3A_225 = arith.constant 32 : index
      %swap3A_226 = tpu.vector_load %arg12[%swap3A_225] {strides = array<i32>} : memref<64xi32, #tpu.memory_space<vmem>>, vector<16xi32>,
      tpu.vector_store %arg12[%swap3A_225], %select_n3A_224 {strides = array<i32>} : memref<64xi32, #tpu.memory_space<vmem>>, vector<16xi32>,
      %jit3A_227 = arith.constant 10000 : i32
      %broadcast_in_dim3A_228 = vector.broadcast %jit3A_227 : i32 to vector<16xi32>
      %select_n3A_229 = arith.select %lt3A_220, %get3A_218, %broadcast_in_dim3A_228 : vector<16xi1>, vector<16xi32>
      %swap3A_230 = arith.constant 32 : index
      %swap3A_231 = tpu.vector_load %arg13[%swap3A_230] {strides = array<i32>} : memref<64xi32, #tpu.memory_space<vmem>>, vector<16xi32>,
      tpu.vector_store %arg13[%swap3A_230], %select_n3A_229 {strides = array<i32>} : memref<64xi32, #tpu.memory_space<vmem>>, vector<16xi32>,
      %add3A_232 = arith.constant 48 : i32
      %add3A_233 = arith.addi %mul3A_154, %add3A_232 : i32
      %add3A_234 = vector.broadcast %add3A_233 : i32 to vector<16xi32>
      %add3A_235 = arith.addi %add3A_234, %iota3A : vector<16xi32>
      %add3A_236 = arith.constant 48 : i32
      %add3A_237 = arith.addi %mul3A_154, %add3A_236 : i32
      %get3A_238 = arith.index_cast %add3A_237 : i32 to index
      %get3A_239 = tpu.vector_load %arg10[%get3A_238] {strides = array<i32>} : memref<10048xi32, #tpu.memory_space<vmem>>, vector<16xi32>,
      %add3A_240 = arith.constant 48 : i32
      %add3A_241 = arith.addi %mul3A_154, %add3A_240 : i32
      %get3A_242 = arith.index_cast %add3A_241 : i32 to index
      %get3A_243 = tpu.vector_load %arg11[%get3A_242] {strides = array<i32>} : memref<10048xi32, #tpu.memory_space<vmem>>, vector<16xi32>,
      %lt3A_244 = vector.broadcast %while3A_104 : i32 to vector<16xi32>
      %lt3A_245 = arith.cmpi slt, %add3A_235, %lt3A_244 : vector<16xi32>
      %add3A_246 = arith.constant 48 : i32
      %add3A_247 = vector.broadcast %add3A_246 : i32 to vector<16xi32>
      %add3A_248 = arith.addi %iota3A, %add3A_247 : vector<16xi32>
      %select_n3A_249 = arith.select %lt3A_245, %get3A_239, %add3A_248 : vector<16xi1>, vector<16xi32>
      %swap3A_250 = arith.constant 48 : index
      %swap3A_251 = tpu.vector_load %arg12[%swap3A_250] {strides = array<i32>} : memref<64xi32, #tpu.memory_space<vmem>>, vector<16xi32>,
      tpu.vector_store %arg12[%swap3A_250], %select_n3A_249 {strides = array<i32>} : memref<64xi32, #tpu.memory_space<vmem>>, vector<16xi32>,
      %jit3A_252 = arith.constant 10000 : i32
      %broadcast_in_dim3A_253 = vector.broadcast %jit3A_252 : i32 to vector<16xi32>
      %select_n3A_254 = arith.select %lt3A_245, %get3A_243, %broadcast_in_dim3A_253 : vector<16xi1>, vector<16xi32>
      %swap3A_255 = arith.constant 48 : index
      %swap3A_256 = tpu.vector_load %arg13[%swap3A_255] {strides = array<i32>} : memref<64xi32, #tpu.memory_space<vmem>>, vector<16xi32>,
      tpu.vector_store %arg13[%swap3A_255], %select_n3A_254 {strides = array<i32>} : memref<64xi32, #tpu.memory_space<vmem>>, vector<16xi32>,
      %dma_start3A = arith.constant 0 : i32
      %dma_start3A_257 = arith.constant 0 : i32
      %dma_start3A_258 = tpu.memref_slice %arg5[%dma_start3A, %dma_start3A_257] : memref<10112x128xf32, #tpu.memory_space<hbm>> -> memref<10112x128xf32, #tpu.memory_space<hbm>>
      tpu.enqueue_indirect_dma source(%dma_start3A_258 : memref<10112x128xf32, #tpu.memory_space<hbm>>) target(%arg14 : memref<64x128xf32, #tpu.memory_space<vmem>>) offsets(%arg12 : memref<64xi32, #tpu.memory_space<vmem>>) semaphore(%arg16 : memref<!tpu.dma_semaphore, #tpu.memory_space<semaphore_mem>>)
      %dma_wait3A = arith.constant 0 : i32
      %dma_wait3A_259 = arith.constant 0 : i32
      %dma_wait3A_260 = tpu.memref_slice %arg5[%dma_wait3A, %dma_wait3A_259] : memref<10112x128xf32, #tpu.memory_space<hbm>> -> memref<10112x128xf32, #tpu.memory_space<hbm>>
      tpu.wait_indirect_dma semaphore(%arg16 : memref<!tpu.dma_semaphore, #tpu.memory_space<semaphore_mem>>) src(%dma_wait3A_260 : memref<10112x128xf32, #tpu.memory_space<hbm>>) dst(%arg14 : memref<64x128xf32, #tpu.memory_space<vmem>>)
      %dma_start3A_261 = arith.constant 0 : i32
      %dma_start3A_262 = arith.constant 0 : i32
      %dma_start3A_263 = tpu.memref_slice %arg15[%dma_start3A_261, %dma_start3A_262] : memref<10112x128xf32, #tpu.memory_space<vmem_shared>> -> memref<10112x128xf32, #tpu.memory_space<vmem_shared>>
      tpu.enqueue_indirect_dma source(%arg14 : memref<64x128xf32, #tpu.memory_space<vmem>>) target(%dma_start3A_263 : memref<10112x128xf32, #tpu.memory_space<vmem_shared>>) offsets(%arg13 : memref<64xi32, #tpu.memory_space<vmem>>) semaphore(%arg17 : memref<!tpu.dma_semaphore, #tpu.memory_space<semaphore_mem>>) {add = true}
    }
    %gt3A = arith.constant 0 : i32
    %gt3A_142 = arith.cmpi sgt, %select_n3A_132, %gt3A : i32
    %convert_element_type3A = arith.extui %gt3A_142 : i1 to i32
    %cond3A = arith.constant 0 : i32
    %cond3A_143 = arith.cmpi ne, %convert_element_type3A, %cond3A : i32
    scf.if %cond3A_143 {
      %dma_wait3A = arith.constant 0 : i32
      %dma_wait3A_152 = arith.constant 0 : i32
      %dma_wait3A_153 = tpu.memref_slice %arg15[%dma_wait3A, %dma_wait3A_152] : memref<10112x128xf32, #tpu.memory_space<vmem_shared>> -> memref<64x128xf32, #tpu.memory_space<vmem_shared>>
      %dma_wait3A_154 = arith.constant 0 : i32
      %dma_wait3A_155 = arith.constant 0 : i32
      %dma_wait3A_156 = tpu.memref_slice %arg15[%dma_wait3A_154, %dma_wait3A_155] : memref<10112x128xf32, #tpu.memory_space<vmem_shared>> -> memref<64x128xf32, #tpu.memory_space<vmem_shared>>
      tpu.wait_dma2 semaphore(%arg17 : memref<!tpu.dma_semaphore, #tpu.memory_space<semaphore_mem>>) src(%arg14 : memref<64x128xf32, #tpu.memory_space<vmem>>) dst(%dma_wait3A_156 : memref<64x128xf32, #tpu.memory_space<vmem_shared>>)
    } else {
    }
    %barrier3A_144 = arith.constant 0 : index
    tpu.barrier barrier_id(%barrier3A_144)
    %mul3A_145 = arith.constant 632 : i32
    %mul3A_146 = arith.muli %arg1, %mul3A_145 : i32
    %mul3A_147 = arith.constant 10112 : i32
    %mul3A_148 = arith.muli %arg0, %mul3A_147 : i32
    %mul3A_149 = arith.constant 632 : i32
    %mul3A_150 = arith.muli %arg1, %mul3A_149 : i32
    %add3A_151 = arith.addi %mul3A_148, %mul3A_150 : i32
    "tpu.region"() ({
      %run_scoped3A = tpu.sem_alloc : memref<!tpu.dma_semaphore, #tpu.memory_space<semaphore_mem>>
      %dma_start3A = arith.constant 0 : i32
      %dma_start3A_152 = tpu.memref_slice %arg7[%add3A_151, %dma_start3A] : memref<20224x128xf32, #tpu.memory_space<hbm>> -> memref<632x128xf32, #tpu.memory_space<hbm>>
      %dma_start3A_153 = arith.constant 0 : i32
      %dma_start3A_154 = tpu.memref_slice %arg15[%mul3A_146, %dma_start3A_153] : memref<10112x128xf32, #tpu.memory_space<vmem_shared>> -> memref<632x128xf32, #tpu.memory_space<vmem_shared>>
      tpu.enqueue_dma source(%dma_start3A_154 : memref<632x128xf32, #tpu.memory_space<vmem_shared>>) target(%dma_start3A_152 : memref<632x128xf32, #tpu.memory_space<hbm>>) target_semaphore(%run_scoped3A : memref<!tpu.dma_semaphore, #tpu.memory_space<semaphore_mem>>)
      %dma_wait3A = arith.constant 0 : i32
      %dma_wait3A_155 = tpu.memref_slice %arg7[%add3A_151, %dma_wait3A] : memref<20224x128xf32, #tpu.memory_space<hbm>> -> memref<632x128xf32, #tpu.memory_space<hbm>>
      %dma_wait3A_156 = arith.constant 0 : i32
      %dma_wait3A_157 = tpu.memref_slice %arg15[%mul3A_146, %dma_wait3A_156] : memref<10112x128xf32, #tpu.memory_space<vmem_shared>> -> memref<632x128xf32, #tpu.memory_space<vmem_shared>>
      tpu.wait_dma2 semaphore(%run_scoped3A : memref<!tpu.dma_semaphore, #tpu.memory_space<semaphore_mem>>) src(%dma_wait3A_157 : memref<632x128xf32, #tpu.memory_space<vmem_shared>>) dst(%dma_wait3A_155 : memref<632x128xf32, #tpu.memory_space<hbm>>)
      tpu.yield
    }) : () -> ()
    return
  }
}

#map = affine_map<(d0, d1) -> (0)>
#map1 = affine_map<(d0, d1) -> (0, 0)>
module attributes {stable_mosaic.version = 14 : i64} {
  func.func @_triples_body(%arg0: i32, %arg1: i32, %arg2: memref<1600xi32, #tpu.memory_space<hbm>>, %arg3: memref<320000xi32, #tpu.memory_space<hbm>>, %arg4: memref<320000xi32, #tpu.memory_space<hbm>>, %arg5: memref<18304x128xf32, #tpu.memory_space<hbm>>, %arg6: memref<320000x256xf32, #tpu.memory_space<hbm>>, %arg7: memref<10112xi32, #tpu.memory_space<vmem>>, %arg8: memref<1600xi32, #tpu.memory_space<vmem>>, %arg9: memref<10112xi32, #tpu.memory_space<vmem>>, %arg10: memref<10112xi32, #tpu.memory_space<vmem>>, %arg11: memref<10112xi32, #tpu.memory_space<vmem>>, %arg12: memref<128x256xf32, #tpu.memory_space<vmem>>, %arg13: memref<128x128xf32, #tpu.memory_space<vmem>>, %arg14: memref<64x256xf32, #tpu.memory_space<vmem>>, %arg15: memref<128xi32, #tpu.memory_space<vmem>>, %arg16: memref<64xi32, #tpu.memory_space<vmem>>, %arg17: memref<!tpu.dma_semaphore, #tpu.memory_space<semaphore_mem>>, %arg18: memref<!tpu.dma_semaphore, #tpu.memory_space<semaphore_mem>>, %arg19: memref<!tpu.dma_semaphore, #tpu.memory_space<semaphore_mem>>) attributes {dimension_semantics = [#tpu.dimension_semantics<core_parallel>, #tpu.dimension_semantics<subcore_parallel>], iteration_bounds = array<i64: 2, 16>, scalar_prefetch = 0 : i64, scratch_operands = 13 : i64, tpu.core_type = #tpu.core_type<sc_vector_subcore>, window_params = [{transform_indices = #map}, {transform_indices = #map}, {transform_indices = #map}, {transform_indices = #map1}, {transform_indices = #map1}]} {
    %mul3A = arith.constant 16 : i32
    %mul3A_0 = arith.muli %arg0, %mul3A : i32
    %add3A = arith.addi %mul3A_0, %arg1 : i32
    "tpu.region"() ({
      %run_scoped3A = tpu.sem_alloc : memref<!tpu.dma_semaphore, #tpu.memory_space<semaphore_mem>>
      tpu.enqueue_dma source(%arg2 : memref<1600xi32, #tpu.memory_space<hbm>>) target(%arg8 : memref<1600xi32, #tpu.memory_space<vmem>>) target_semaphore(%run_scoped3A : memref<!tpu.dma_semaphore, #tpu.memory_space<semaphore_mem>>)
      tpu.wait_dma2 semaphore(%run_scoped3A : memref<!tpu.dma_semaphore, #tpu.memory_space<semaphore_mem>>) src(%arg2 : memref<1600xi32, #tpu.memory_space<hbm>>) dst(%arg8 : memref<1600xi32, #tpu.memory_space<vmem>>)
      tpu.yield
    }) : () -> ()
    %scan3A = arith.constant 0 : i32
    %scan3A_1 = arith.constant 632 : i32
    %scan3A_2 = arith.addi %scan3A, %scan3A_1 : i32
    %scan3A_3 = arith.constant 1 : i32
    scf.for %scan3A_167 = %scan3A to %scan3A_2 step %scan3A_3  : i32 {
      %broadcast_in_dim3A_168 = arith.constant 0 : i32
      %broadcast_in_dim3A_169 = vector.broadcast %broadcast_in_dim3A_168 : i32 to vector<16xi32>
      %mul3A_170 = arith.constant 16 : i32
      %mul3A_171 = arith.muli %scan3A_167, %mul3A_170 : i32
      %swap3A = arith.index_cast %mul3A_171 : i32 to index
      %swap3A_172 = tpu.vector_load %arg7[%swap3A] {strides = array<i32>} : memref<10112xi32, #tpu.memory_space<vmem>>, vector<16xi32>,
      tpu.vector_store %arg7[%swap3A], %broadcast_in_dim3A_169 {strides = array<i32>} : memref<10112xi32, #tpu.memory_space<vmem>>, vector<16xi32>,
    }
    %scan3A_4 = arith.constant 632 : i32
    %broadcast_in_dim3A = arith.constant 1 : i32
    %broadcast_in_dim3A_5 = vector.broadcast %broadcast_in_dim3A : i32 to vector<16xi32>
    %scan3A_6 = arith.constant 0 : i32
    %scan3A_7 = arith.constant 100 : i32
    %scan3A_8 = arith.addi %scan3A_6, %scan3A_7 : i32
    %scan3A_9 = arith.constant 1 : i32
    scf.for %scan3A_167 = %scan3A_6 to %scan3A_8 step %scan3A_9  : i32 {
      %mul3A_168 = arith.constant 16 : i32
      %mul3A_169 = arith.muli %scan3A_167, %mul3A_168 : i32
      %get3A = arith.index_cast %mul3A_169 : i32 to index
      %get3A_170 = tpu.vector_load %arg8[%get3A] {strides = array<i32>} : memref<1600xi32, #tpu.memory_space<vmem>>, vector<16xi32>,
      tpu.vector_store_idx %arg7[%get3A_170], %broadcast_in_dim3A_5 : memref<10112xi32, #tpu.memory_space<vmem>>[vector<16xi32>], vector<16xi32>,
    }
    %scan3A_10 = arith.constant 100 : i32
    %mul3A_11 = arith.constant 78 : i32
    %mul3A_12 = arith.muli %add3A, %mul3A_11 : i32
    %jit3A = arith.constant 8 : i32
    %div3A = arith.divsi %add3A, %jit3A : i32
    %sign3A = arith.constant 0 : i32
    %sign3A_13 = arith.cmpi sgt, %add3A, %sign3A : i32
    %sign3A_14 = arith.extui %sign3A_13 : i1 to i32
    %sign3A_15 = arith.constant 0 : i32
    %sign3A_16 = arith.cmpi slt, %add3A, %sign3A_15 : i32
    %sign3A_17 = arith.extui %sign3A_16 : i1 to i32
    %sign3A_18 = arith.subi %sign3A_14, %sign3A_17 : i32
    %sign3A_19 = arith.constant 0 : i32
    %sign3A_20 = arith.cmpi sgt, %jit3A, %sign3A_19 : i32
    %sign3A_21 = arith.extui %sign3A_20 : i1 to i32
    %sign3A_22 = arith.constant 0 : i32
    %sign3A_23 = arith.cmpi slt, %jit3A, %sign3A_22 : i32
    %sign3A_24 = arith.extui %sign3A_23 : i1 to i32
    %sign3A_25 = arith.subi %sign3A_21, %sign3A_24 : i32
    %ne3A = arith.cmpi ne, %sign3A_18, %sign3A_25 : i32
    %rem3A = arith.remsi %add3A, %jit3A : i32
    %ne3A_26 = arith.constant 0 : i32
    %ne3A_27 = arith.cmpi ne, %rem3A, %ne3A_26 : i32
    %and3A = arith.andi %ne3A, %ne3A_27 : i1
    %sub3A = arith.constant 1 : i32
    %sub3A_28 = arith.subi %div3A, %sub3A : i32
    %select_n3A = arith.select %and3A, %sub3A_28, %div3A : i32
    %add3A_29 = arith.addi %mul3A_12, %select_n3A : i32
    %add3A_30 = arith.constant 1 : i32
    %add3A_31 = arith.addi %add3A, %add3A_30 : i32
    %mul3A_32 = arith.constant 78 : i32
    %mul3A_33 = arith.muli %add3A_31, %mul3A_32 : i32
    %add3A_34 = arith.constant 1 : i32
    %add3A_35 = arith.addi %add3A, %add3A_34 : i32
    %jit3A_36 = arith.constant 8 : i32
    %div3A_37 = arith.divsi %add3A_35, %jit3A_36 : i32
    %sign3A_38 = arith.constant 0 : i32
    %sign3A_39 = arith.cmpi sgt, %add3A_35, %sign3A_38 : i32
    %sign3A_40 = arith.extui %sign3A_39 : i1 to i32
    %sign3A_41 = arith.constant 0 : i32
    %sign3A_42 = arith.cmpi slt, %add3A_35, %sign3A_41 : i32
    %sign3A_43 = arith.extui %sign3A_42 : i1 to i32
    %sign3A_44 = arith.subi %sign3A_40, %sign3A_43 : i32
    %sign3A_45 = arith.constant 0 : i32
    %sign3A_46 = arith.cmpi sgt, %jit3A_36, %sign3A_45 : i32
    %sign3A_47 = arith.extui %sign3A_46 : i1 to i32
    %sign3A_48 = arith.constant 0 : i32
    %sign3A_49 = arith.cmpi slt, %jit3A_36, %sign3A_48 : i32
    %sign3A_50 = arith.extui %sign3A_49 : i1 to i32
    %sign3A_51 = arith.subi %sign3A_47, %sign3A_50 : i32
    %ne3A_52 = arith.cmpi ne, %sign3A_44, %sign3A_51 : i32
    %rem3A_53 = arith.remsi %add3A_35, %jit3A_36 : i32
    %ne3A_54 = arith.constant 0 : i32
    %ne3A_55 = arith.cmpi ne, %rem3A_53, %ne3A_54 : i32
    %and3A_56 = arith.andi %ne3A_52, %ne3A_55 : i1
    %sub3A_57 = arith.constant 1 : i32
    %sub3A_58 = arith.subi %div3A_37, %sub3A_57 : i32
    %select_n3A_59 = arith.select %and3A_56, %sub3A_58, %div3A_37 : i32
    %add3A_60 = arith.addi %mul3A_33, %select_n3A_59 : i32
    %sub3A_61 = arith.subi %add3A_60, %add3A_29 : i32
    %mul3A_62 = arith.constant 128 : i32
    %mul3A_63 = arith.muli %sub3A_61, %mul3A_62 : i32
    %mul3A_64 = arith.constant 128 : i32
    %mul3A_65 = arith.muli %add3A_29, %mul3A_64 : i32
    "tpu.region"() ({
      %run_scoped3A = tpu.sem_alloc : memref<!tpu.dma_semaphore, #tpu.memory_space<semaphore_mem>>
      %dma_start3A = tpu.memref_slice %arg3[%mul3A_65] : memref<320000xi32, #tpu.memory_space<hbm>> -> memref<10112xi32, #tpu.memory_space<hbm>>
      %dma_start3A_167 = tpu.memref_slice %arg3[%mul3A_65] : memref<320000xi32, #tpu.memory_space<hbm>> -> memref<10112xi32, #tpu.memory_space<hbm>>
      tpu.enqueue_dma source(%dma_start3A_167 : memref<10112xi32, #tpu.memory_space<hbm>>) target(%arg9 : memref<10112xi32, #tpu.memory_space<vmem>>) target_semaphore(%run_scoped3A : memref<!tpu.dma_semaphore, #tpu.memory_space<semaphore_mem>>)
      %dma_wait3A = tpu.memref_slice %arg3[%mul3A_65] : memref<320000xi32, #tpu.memory_space<hbm>> -> memref<10112xi32, #tpu.memory_space<hbm>>
      %dma_wait3A_168 = tpu.memref_slice %arg3[%mul3A_65] : memref<320000xi32, #tpu.memory_space<hbm>> -> memref<10112xi32, #tpu.memory_space<hbm>>
      tpu.wait_dma2 semaphore(%run_scoped3A : memref<!tpu.dma_semaphore, #tpu.memory_space<semaphore_mem>>) src(%dma_wait3A_168 : memref<10112xi32, #tpu.memory_space<hbm>>) dst(%arg9 : memref<10112xi32, #tpu.memory_space<vmem>>)
      tpu.yield
    }) : () -> ()
    "tpu.region"() ({
      %run_scoped3A = tpu.sem_alloc : memref<!tpu.dma_semaphore, #tpu.memory_space<semaphore_mem>>
      %dma_start3A = tpu.memref_slice %arg4[%mul3A_65] : memref<320000xi32, #tpu.memory_space<hbm>> -> memref<10112xi32, #tpu.memory_space<hbm>>
      %dma_start3A_167 = tpu.memref_slice %arg4[%mul3A_65] : memref<320000xi32, #tpu.memory_space<hbm>> -> memref<10112xi32, #tpu.memory_space<hbm>>
      tpu.enqueue_dma source(%dma_start3A_167 : memref<10112xi32, #tpu.memory_space<hbm>>) target(%arg10 : memref<10112xi32, #tpu.memory_space<vmem>>) target_semaphore(%run_scoped3A : memref<!tpu.dma_semaphore, #tpu.memory_space<semaphore_mem>>)
      %dma_wait3A = tpu.memref_slice %arg4[%mul3A_65] : memref<320000xi32, #tpu.memory_space<hbm>> -> memref<10112xi32, #tpu.memory_space<hbm>>
      %dma_wait3A_168 = tpu.memref_slice %arg4[%mul3A_65] : memref<320000xi32, #tpu.memory_space<hbm>> -> memref<10112xi32, #tpu.memory_space<hbm>>
      tpu.wait_dma2 semaphore(%run_scoped3A : memref<!tpu.dma_semaphore, #tpu.memory_space<semaphore_mem>>) src(%dma_wait3A_168 : memref<10112xi32, #tpu.memory_space<hbm>>) dst(%arg10 : memref<10112xi32, #tpu.memory_space<vmem>>)
      tpu.yield
    }) : () -> ()
    %iota3A = tpu.iota {dimensions = array<i32: 0>} : vector<16xi32>
    %mul3A_66 = arith.constant 256 : i32
    %mul3A_67 = arith.muli %add3A, %mul3A_66 : i32
    %add3A_68 = arith.constant 10112 : i32
    %add3A_69 = arith.addi %add3A_68, %mul3A_67 : i32
    %scan3A_70 = arith.constant 0 : i32
    %scan3A_71 = arith.constant 128 : i32
    %scan3A_72 = arith.addi %scan3A_70, %scan3A_71 : i32
    %scan3A_73 = arith.constant 1 : i32
    scf.for %scan3A_167 = %scan3A_70 to %scan3A_72 step %scan3A_73  : i32 {
      %broadcast_in_dim3A_168 = arith.constant 0.000000e+00 : f32
      %broadcast_in_dim3A_169 = vector.broadcast %broadcast_in_dim3A_168 : f32 to vector<16xf32>
      %swap3A = arith.index_cast %scan3A_167 : i32 to index
      %swap3A_170 = arith.constant 0 : index
      %swap3A_171 = tpu.vector_load %arg12[%swap3A, %swap3A_170] {strides = array<i32>} : memref<128x256xf32, #tpu.memory_space<vmem>>, vector<16xf32>,
      tpu.vector_store %arg12[%swap3A, %swap3A_170], %broadcast_in_dim3A_169 {strides = array<i32>} : memref<128x256xf32, #tpu.memory_space<vmem>>, vector<16xf32>,
      %broadcast_in_dim3A_172 = arith.constant 0.000000e+00 : f32
      %broadcast_in_dim3A_173 = vector.broadcast %broadcast_in_dim3A_172 : f32 to vector<16xf32>
      %swap3A_174 = arith.index_cast %scan3A_167 : i32 to index
      %swap3A_175 = arith.constant 16 : index
      %swap3A_176 = tpu.vector_load %arg12[%swap3A_174, %swap3A_175] {strides = array<i32>} : memref<128x256xf32, #tpu.memory_space<vmem>>, vector<16xf32>,
      tpu.vector_store %arg12[%swap3A_174, %swap3A_175], %broadcast_in_dim3A_173 {strides = array<i32>} : memref<128x256xf32, #tpu.memory_space<vmem>>, vector<16xf32>,
      %broadcast_in_dim3A_177 = arith.constant 0.000000e+00 : f32
      %broadcast_in_dim3A_178 = vector.broadcast %broadcast_in_dim3A_177 : f32 to vector<16xf32>
      %swap3A_179 = arith.index_cast %scan3A_167 : i32 to index
      %swap3A_180 = arith.constant 32 : index
      %swap3A_181 = tpu.vector_load %arg12[%swap3A_179, %swap3A_180] {strides = array<i32>} : memref<128x256xf32, #tpu.memory_space<vmem>>, vector<16xf32>,
      tpu.vector_store %arg12[%swap3A_179, %swap3A_180], %broadcast_in_dim3A_178 {strides = array<i32>} : memref<128x256xf32, #tpu.memory_space<vmem>>, vector<16xf32>,
      %broadcast_in_dim3A_182 = arith.constant 0.000000e+00 : f32
      %broadcast_in_dim3A_183 = vector.broadcast %broadcast_in_dim3A_182 : f32 to vector<16xf32>
      %swap3A_184 = arith.index_cast %scan3A_167 : i32 to index
      %swap3A_185 = arith.constant 48 : index
      %swap3A_186 = tpu.vector_load %arg12[%swap3A_184, %swap3A_185] {strides = array<i32>} : memref<128x256xf32, #tpu.memory_space<vmem>>, vector<16xf32>,
      tpu.vector_store %arg12[%swap3A_184, %swap3A_185], %broadcast_in_dim3A_183 {strides = array<i32>} : memref<128x256xf32, #tpu.memory_space<vmem>>, vector<16xf32>,
      %broadcast_in_dim3A_187 = arith.constant 0.000000e+00 : f32
      %broadcast_in_dim3A_188 = vector.broadcast %broadcast_in_dim3A_187 : f32 to vector<16xf32>
      %swap3A_189 = arith.index_cast %scan3A_167 : i32 to index
      %swap3A_190 = arith.constant 64 : index
      %swap3A_191 = tpu.vector_load %arg12[%swap3A_189, %swap3A_190] {strides = array<i32>} : memref<128x256xf32, #tpu.memory_space<vmem>>, vector<16xf32>,
      tpu.vector_store %arg12[%swap3A_189, %swap3A_190], %broadcast_in_dim3A_188 {strides = array<i32>} : memref<128x256xf32, #tpu.memory_space<vmem>>, vector<16xf32>,
      %broadcast_in_dim3A_192 = arith.constant 0.000000e+00 : f32
      %broadcast_in_dim3A_193 = vector.broadcast %broadcast_in_dim3A_192 : f32 to vector<16xf32>
      %swap3A_194 = arith.index_cast %scan3A_167 : i32 to index
      %swap3A_195 = arith.constant 80 : index
      %swap3A_196 = tpu.vector_load %arg12[%swap3A_194, %swap3A_195] {strides = array<i32>} : memref<128x256xf32, #tpu.memory_space<vmem>>, vector<16xf32>,
      tpu.vector_store %arg12[%swap3A_194, %swap3A_195], %broadcast_in_dim3A_193 {strides = array<i32>} : memref<128x256xf32, #tpu.memory_space<vmem>>, vector<16xf32>,
      %broadcast_in_dim3A_197 = arith.constant 0.000000e+00 : f32
      %broadcast_in_dim3A_198 = vector.broadcast %broadcast_in_dim3A_197 : f32 to vector<16xf32>
      %swap3A_199 = arith.index_cast %scan3A_167 : i32 to index
      %swap3A_200 = arith.constant 96 : index
      %swap3A_201 = tpu.vector_load %arg12[%swap3A_199, %swap3A_200] {strides = array<i32>} : memref<128x256xf32, #tpu.memory_space<vmem>>, vector<16xf32>,
      tpu.vector_store %arg12[%swap3A_199, %swap3A_200], %broadcast_in_dim3A_198 {strides = array<i32>} : memref<128x256xf32, #tpu.memory_space<vmem>>, vector<16xf32>,
      %broadcast_in_dim3A_202 = arith.constant 0.000000e+00 : f32
      %broadcast_in_dim3A_203 = vector.broadcast %broadcast_in_dim3A_202 : f32 to vector<16xf32>
      %swap3A_204 = arith.index_cast %scan3A_167 : i32 to index
      %swap3A_205 = arith.constant 112 : index
      %swap3A_206 = tpu.vector_load %arg12[%swap3A_204, %swap3A_205] {strides = array<i32>} : memref<128x256xf32, #tpu.memory_space<vmem>>, vector<16xf32>,
      tpu.vector_store %arg12[%swap3A_204, %swap3A_205], %broadcast_in_dim3A_203 {strides = array<i32>} : memref<128x256xf32, #tpu.memory_space<vmem>>, vector<16xf32>,
      %broadcast_in_dim3A_207 = arith.constant 0.000000e+00 : f32
      %broadcast_in_dim3A_208 = vector.broadcast %broadcast_in_dim3A_207 : f32 to vector<16xf32>
      %swap3A_209 = arith.index_cast %scan3A_167 : i32 to index
      %swap3A_210 = arith.constant 128 : index
      %swap3A_211 = tpu.vector_load %arg12[%swap3A_209, %swap3A_210] {strides = array<i32>} : memref<128x256xf32, #tpu.memory_space<vmem>>, vector<16xf32>,
      tpu.vector_store %arg12[%swap3A_209, %swap3A_210], %broadcast_in_dim3A_208 {strides = array<i32>} : memref<128x256xf32, #tpu.memory_space<vmem>>, vector<16xf32>,
      %broadcast_in_dim3A_212 = arith.constant 0.000000e+00 : f32
      %broadcast_in_dim3A_213 = vector.broadcast %broadcast_in_dim3A_212 : f32 to vector<16xf32>
      %swap3A_214 = arith.index_cast %scan3A_167 : i32 to index
      %swap3A_215 = arith.constant 144 : index
      %swap3A_216 = tpu.vector_load %arg12[%swap3A_214, %swap3A_215] {strides = array<i32>} : memref<128x256xf32, #tpu.memory_space<vmem>>, vector<16xf32>,
      tpu.vector_store %arg12[%swap3A_214, %swap3A_215], %broadcast_in_dim3A_213 {strides = array<i32>} : memref<128x256xf32, #tpu.memory_space<vmem>>, vector<16xf32>,
      %broadcast_in_dim3A_217 = arith.constant 0.000000e+00 : f32
      %broadcast_in_dim3A_218 = vector.broadcast %broadcast_in_dim3A_217 : f32 to vector<16xf32>
      %swap3A_219 = arith.index_cast %scan3A_167 : i32 to index
      %swap3A_220 = arith.constant 160 : index
      %swap3A_221 = tpu.vector_load %arg12[%swap3A_219, %swap3A_220] {strides = array<i32>} : memref<128x256xf32, #tpu.memory_space<vmem>>, vector<16xf32>,
      tpu.vector_store %arg12[%swap3A_219, %swap3A_220], %broadcast_in_dim3A_218 {strides = array<i32>} : memref<128x256xf32, #tpu.memory_space<vmem>>, vector<16xf32>,
      %broadcast_in_dim3A_222 = arith.constant 0.000000e+00 : f32
      %broadcast_in_dim3A_223 = vector.broadcast %broadcast_in_dim3A_222 : f32 to vector<16xf32>
      %swap3A_224 = arith.index_cast %scan3A_167 : i32 to index
      %swap3A_225 = arith.constant 176 : index
      %swap3A_226 = tpu.vector_load %arg12[%swap3A_224, %swap3A_225] {strides = array<i32>} : memref<128x256xf32, #tpu.memory_space<vmem>>, vector<16xf32>,
      tpu.vector_store %arg12[%swap3A_224, %swap3A_225], %broadcast_in_dim3A_223 {strides = array<i32>} : memref<128x256xf32, #tpu.memory_space<vmem>>, vector<16xf32>,
      %broadcast_in_dim3A_227 = arith.constant 0.000000e+00 : f32
      %broadcast_in_dim3A_228 = vector.broadcast %broadcast_in_dim3A_227 : f32 to vector<16xf32>
      %swap3A_229 = arith.index_cast %scan3A_167 : i32 to index
      %swap3A_230 = arith.constant 192 : index
      %swap3A_231 = tpu.vector_load %arg12[%swap3A_229, %swap3A_230] {strides = array<i32>} : memref<128x256xf32, #tpu.memory_space<vmem>>, vector<16xf32>,
      tpu.vector_store %arg12[%swap3A_229, %swap3A_230], %broadcast_in_dim3A_228 {strides = array<i32>} : memref<128x256xf32, #tpu.memory_space<vmem>>, vector<16xf32>,
      %broadcast_in_dim3A_232 = arith.constant 0.000000e+00 : f32
      %broadcast_in_dim3A_233 = vector.broadcast %broadcast_in_dim3A_232 : f32 to vector<16xf32>
      %swap3A_234 = arith.index_cast %scan3A_167 : i32 to index
      %swap3A_235 = arith.constant 208 : index
      %swap3A_236 = tpu.vector_load %arg12[%swap3A_234, %swap3A_235] {strides = array<i32>} : memref<128x256xf32, #tpu.memory_space<vmem>>, vector<16xf32>,
      tpu.vector_store %arg12[%swap3A_234, %swap3A_235], %broadcast_in_dim3A_233 {strides = array<i32>} : memref<128x256xf32, #tpu.memory_space<vmem>>, vector<16xf32>,
      %broadcast_in_dim3A_237 = arith.constant 0.000000e+00 : f32
      %broadcast_in_dim3A_238 = vector.broadcast %broadcast_in_dim3A_237 : f32 to vector<16xf32>
      %swap3A_239 = arith.index_cast %scan3A_167 : i32 to index
      %swap3A_240 = arith.constant 224 : index
      %swap3A_241 = tpu.vector_load %arg12[%swap3A_239, %swap3A_240] {strides = array<i32>} : memref<128x256xf32, #tpu.memory_space<vmem>>, vector<16xf32>,
      tpu.vector_store %arg12[%swap3A_239, %swap3A_240], %broadcast_in_dim3A_238 {strides = array<i32>} : memref<128x256xf32, #tpu.memory_space<vmem>>, vector<16xf32>,
      %broadcast_in_dim3A_242 = arith.constant 0.000000e+00 : f32
      %broadcast_in_dim3A_243 = vector.broadcast %broadcast_in_dim3A_242 : f32 to vector<16xf32>
      %swap3A_244 = arith.index_cast %scan3A_167 : i32 to index
      %swap3A_245 = arith.constant 240 : index
      %swap3A_246 = tpu.vector_load %arg12[%swap3A_244, %swap3A_245] {strides = array<i32>} : memref<128x256xf32, #tpu.memory_space<vmem>>, vector<16xf32>,
      tpu.vector_store %arg12[%swap3A_244, %swap3A_245], %broadcast_in_dim3A_243 {strides = array<i32>} : memref<128x256xf32, #tpu.memory_space<vmem>>, vector<16xf32>,
    }
    %scan3A_74 = arith.constant 128 : i32
    %scan3A_75 = arith.constant 0 : i32
    %scan3A_76 = arith.constant 78 : i32
    %scan3A_77 = arith.addi %scan3A_75, %scan3A_76 : i32
    %scan3A_78 = arith.constant 1 : i32
    scf.for %scan3A_167 = %scan3A_75 to %scan3A_77 step %scan3A_78  : i32 {
      %mul3A_168 = arith.constant 128 : i32
      %mul3A_169 = arith.muli %scan3A_167, %mul3A_168 : i32
      %add3A_170 = arith.addi %mul3A_65, %mul3A_169 : i32
      %dma_start3A = arith.constant 0 : i32
      %dma_start3A_171 = tpu.memref_slice %arg6[%add3A_170, %dma_start3A] : memref<320000x256xf32, #tpu.memory_space<hbm>> -> memref<128x256xf32, #tpu.memory_space<hbm>>
      %dma_start3A_172 = arith.constant 0 : i32
      %dma_start3A_173 = tpu.memref_slice %arg6[%add3A_170, %dma_start3A_172] : memref<320000x256xf32, #tpu.memory_space<hbm>> -> memref<128x256xf32, #tpu.memory_space<hbm>>
      tpu.enqueue_dma source(%arg12 : memref<128x256xf32, #tpu.memory_space<vmem>>) target(%dma_start3A_173 : memref<128x256xf32, #tpu.memory_space<hbm>>) target_semaphore(%arg17 : memref<!tpu.dma_semaphore, #tpu.memory_space<semaphore_mem>>)
    }
    %scan3A_79 = arith.constant 78 : i32
    %gt3A = arith.constant 9984 : i32
    %gt3A_80 = arith.cmpi sgt, %mul3A_63, %gt3A : i32
    %convert_element_type3A = arith.extui %gt3A_80 : i1 to i32
    %cond3A = arith.constant 0 : i32
    %cond3A_81 = arith.cmpi ne, %convert_element_type3A, %cond3A : i32
    scf.if %cond3A_81 {
      %add3A_167 = arith.constant 9984 : i32
      %add3A_168 = arith.addi %mul3A_65, %add3A_167 : i32
      %dma_start3A = arith.constant 0 : i32
      %dma_start3A_169 = tpu.memref_slice %arg6[%add3A_168, %dma_start3A] : memref<320000x256xf32, #tpu.memory_space<hbm>> -> memref<128x256xf32, #tpu.memory_space<hbm>>
      %dma_start3A_170 = arith.constant 0 : i32
      %dma_start3A_171 = tpu.memref_slice %arg6[%add3A_168, %dma_start3A_170] : memref<320000x256xf32, #tpu.memory_space<hbm>> -> memref<128x256xf32, #tpu.memory_space<hbm>>
      tpu.enqueue_dma source(%arg12 : memref<128x256xf32, #tpu.memory_space<vmem>>) target(%dma_start3A_171 : memref<128x256xf32, #tpu.memory_space<hbm>>) target_semaphore(%arg17 : memref<!tpu.dma_semaphore, #tpu.memory_space<semaphore_mem>>)
    } else {
    }
    %jit3A_82 = arith.constant 16 : i32
    %div3A_83 = arith.divsi %mul3A_63, %jit3A_82 : i32
    %sign3A_84 = arith.constant 0 : i32
    %sign3A_85 = arith.cmpi sgt, %mul3A_63, %sign3A_84 : i32
    %sign3A_86 = arith.extui %sign3A_85 : i1 to i32
    %sign3A_87 = arith.constant 0 : i32
    %sign3A_88 = arith.cmpi slt, %mul3A_63, %sign3A_87 : i32
    %sign3A_89 = arith.extui %sign3A_88 : i1 to i32
    %sign3A_90 = arith.subi %sign3A_86, %sign3A_89 : i32
    %sign3A_91 = arith.constant 0 : i32
    %sign3A_92 = arith.cmpi sgt, %jit3A_82, %sign3A_91 : i32
    %sign3A_93 = arith.extui %sign3A_92 : i1 to i32
    %sign3A_94 = arith.constant 0 : i32
    %sign3A_95 = arith.cmpi slt, %jit3A_82, %sign3A_94 : i32
    %sign3A_96 = arith.extui %sign3A_95 : i1 to i32
    %sign3A_97 = arith.subi %sign3A_93, %sign3A_96 : i32
    %ne3A_98 = arith.cmpi ne, %sign3A_90, %sign3A_97 : i32
    %rem3A_99 = arith.remsi %mul3A_63, %jit3A_82 : i32
    %ne3A_100 = arith.constant 0 : i32
    %ne3A_101 = arith.cmpi ne, %rem3A_99, %ne3A_100 : i32
    %and3A_102 = arith.andi %ne3A_98, %ne3A_101 : i1
    %sub3A_103 = arith.constant 1 : i32
    %sub3A_104 = arith.subi %div3A_83, %sub3A_103 : i32
    %select_n3A_105 = arith.select %and3A_102, %sub3A_104, %div3A_83 : i32
    %while3A = arith.constant 0 : i32
    %while3A_106 = arith.constant 0 : i32
    %while3A_107 = arith.constant -1 : i32
    %while3A_108 = arith.subi %select_n3A_105, %while3A : i32
    %while3A_109 = arith.addi %while3A, %while3A_108 : i32
    %while3A_110 = arith.constant 1 : i32
    %while3A_111 = arith.divsi %while3A_108, %while3A_110 : i32
    %while3A_112 = arith.muli %while3A_111, %while3A_110 : i32
    %while3A_113 = arith.addi %while3A, %while3A_112 : i32
    %while3A_114 = arith.constant 1 : i32
    %while3A_115:2 = scf.for %while3A_167 = %while3A to %while3A_113 step %while3A_114 iter_args(%while3A_168 = %while3A_106, %while3A_169 = %while3A_107) -> (i32, i32)  : i32 {
      %mul3A_170 = arith.constant 16 : i32
      %mul3A_171 = arith.muli %while3A_167, %mul3A_170 : i32
      %get3A = arith.index_cast %mul3A_171 : i32 to index
      %get3A_172 = tpu.vector_load %arg9[%get3A] {strides = array<i32>} : memref<10112xi32, #tpu.memory_space<vmem>>, vector<16xi32>,
      %get3A_173 = arith.index_cast %mul3A_171 : i32 to index
      %get3A_174 = tpu.vector_load %arg10[%get3A_173] {strides = array<i32>} : memref<10112xi32, #tpu.memory_space<vmem>>, vector<16xi32>,
      %gather3A = tpu.vector_load_idx %arg7[%get3A_172] : memref<10112xi32, #tpu.memory_space<vmem>>[vector<16xi32>], vector<16xi32>,
      %gather3A_175 = tpu.vector_load_idx %arg7[%get3A_174] : memref<10112xi32, #tpu.memory_space<vmem>>[vector<16xi32>], vector<16xi32>,
      %and3A_176 = arith.andi %gather3A, %gather3A_175 : vector<16xi32>
      %ne3A_177 = arith.constant 0 : i32
      %ne3A_178 = vector.broadcast %ne3A_177 : i32 to vector<16xi32>
      %ne3A_179 = arith.cmpi ne, %and3A_176, %ne3A_178 : vector<16xi32>
      %convert_element_type3A_180 = arith.extui %ne3A_179 : vector<16xi1> to vector<16xi32>
      %broadcast_in_dim3A_181 = arith.constant true
      %broadcast_in_dim3A_182 = vector.broadcast %broadcast_in_dim3A_181 : i1 to vector<16xi1>
      %masked_cumsum3A = tpu.scan <sum>, %convert_element_type3A_180 masked %broadcast_in_dim3A_182 : vector<16xi32>, vector<16xi1> -> vector<16xi32>
      %add3A_183 = vector.broadcast %while3A_168 : i32 to vector<16xi32>
      %add3A_184 = arith.addi %add3A_183, %masked_cumsum3A : vector<16xi32>
      %sub3A_185 = arith.subi %add3A_184, %convert_element_type3A_180 : vector<16xi32>
      %add3A_186 = arith.addi %mul3A_65, %mul3A_171 : i32
      %add3A_187 = vector.broadcast %add3A_186 : i32 to vector<16xi32>
      %add3A_188 = arith.addi %add3A_187, %iota3A : vector<16xi32>
      tpu.vector_store_idx %arg9[%sub3A_185], %get3A_172 masked %ne3A_179 : memref<10112xi32, #tpu.memory_space<vmem>>[vector<16xi32>], vector<16xi32>, vector<16xi1>
      tpu.vector_store_idx %arg10[%sub3A_185], %get3A_174 masked %ne3A_179 : memref<10112xi32, #tpu.memory_space<vmem>>[vector<16xi32>], vector<16xi32>, vector<16xi1>
      tpu.vector_store_idx %arg11[%sub3A_185], %add3A_188 masked %ne3A_179 : memref<10112xi32, #tpu.memory_space<vmem>>[vector<16xi32>], vector<16xi32>, vector<16xi1>
      %jit3A_189 = arith.constant -1 : i32
      %broadcast_in_dim3A_190 = vector.broadcast %jit3A_189 : i32 to vector<16xi32>
      %select_n3A_191 = arith.select %ne3A_179, %broadcast_in_dim3A_190, %add3A_188 : vector<16xi1>, vector<16xi32>
      %reduce_max3A = arith.constant true
      %reduce_max3A_192 = vector.broadcast %reduce_max3A : i1 to vector<16xi1>
      %reduce_max3A_193 = arith.constant -2147483648 : i32
      %reduce_max3A_194 = vector.broadcast %reduce_max3A_193 : i32 to vector<16xi32>
      %reduce_max3A_195 = arith.xori %select_n3A_191, %reduce_max3A_194 : vector<16xi32>
      %reduce_max3A_196 = tpu.scan <max>, %reduce_max3A_195 masked %reduce_max3A_192 : vector<16xi32>, vector<16xi1> -> vector<16xi32>
      %reduce_max3A_197 = arith.xori %reduce_max3A_196, %reduce_max3A_194 : vector<16xi32>
      %reduce_max3A_198 = vector.extract %reduce_max3A_197[15] : i32 from vector<16xi32>
      %max3A = arith.maxsi %while3A_169, %reduce_max3A_198 : i32
      %slice3A = vector.extract_strided_slice %masked_cumsum3A {offsets = [15], sizes = [1], strides = [1]} : vector<16xi32> to vector<1xi32>
      %squeeze3A = vector.extract %slice3A[0] : i32 from vector<1xi32>
      %add3A_199 = arith.addi %while3A_168, %squeeze3A : i32
      scf.yield %add3A_199, %max3A : i32, i32
    }
    %while3A_116 = arith.constant 1 : i32
    %while3A_117:2 = scf.for %while3A_167 = %while3A_113 to %while3A_109 step %while3A_116 iter_args(%while3A_168 = %while3A_115#0, %while3A_169 = %while3A_115#1) -> (i32, i32)  : i32 {
      %mul3A_170 = arith.constant 16 : i32
      %mul3A_171 = arith.muli %while3A_167, %mul3A_170 : i32
      %get3A = arith.index_cast %mul3A_171 : i32 to index
      %get3A_172 = tpu.vector_load %arg9[%get3A] {strides = array<i32>} : memref<10112xi32, #tpu.memory_space<vmem>>, vector<16xi32>,
      %get3A_173 = arith.index_cast %mul3A_171 : i32 to index
      %get3A_174 = tpu.vector_load %arg10[%get3A_173] {strides = array<i32>} : memref<10112xi32, #tpu.memory_space<vmem>>, vector<16xi32>,
      %gather3A = tpu.vector_load_idx %arg7[%get3A_172] : memref<10112xi32, #tpu.memory_space<vmem>>[vector<16xi32>], vector<16xi32>,
      %gather3A_175 = tpu.vector_load_idx %arg7[%get3A_174] : memref<10112xi32, #tpu.memory_space<vmem>>[vector<16xi32>], vector<16xi32>,
      %and3A_176 = arith.andi %gather3A, %gather3A_175 : vector<16xi32>
      %ne3A_177 = arith.constant 0 : i32
      %ne3A_178 = vector.broadcast %ne3A_177 : i32 to vector<16xi32>
      %ne3A_179 = arith.cmpi ne, %and3A_176, %ne3A_178 : vector<16xi32>
      %convert_element_type3A_180 = arith.extui %ne3A_179 : vector<16xi1> to vector<16xi32>
      %broadcast_in_dim3A_181 = arith.constant true
      %broadcast_in_dim3A_182 = vector.broadcast %broadcast_in_dim3A_181 : i1 to vector<16xi1>
      %masked_cumsum3A = tpu.scan <sum>, %convert_element_type3A_180 masked %broadcast_in_dim3A_182 : vector<16xi32>, vector<16xi1> -> vector<16xi32>
      %add3A_183 = vector.broadcast %while3A_168 : i32 to vector<16xi32>
      %add3A_184 = arith.addi %add3A_183, %masked_cumsum3A : vector<16xi32>
      %sub3A_185 = arith.subi %add3A_184, %convert_element_type3A_180 : vector<16xi32>
      %add3A_186 = arith.addi %mul3A_65, %mul3A_171 : i32
      %add3A_187 = vector.broadcast %add3A_186 : i32 to vector<16xi32>
      %add3A_188 = arith.addi %add3A_187, %iota3A : vector<16xi32>
      tpu.vector_store_idx %arg9[%sub3A_185], %get3A_172 masked %ne3A_179 : memref<10112xi32, #tpu.memory_space<vmem>>[vector<16xi32>], vector<16xi32>, vector<16xi1>
      tpu.vector_store_idx %arg10[%sub3A_185], %get3A_174 masked %ne3A_179 : memref<10112xi32, #tpu.memory_space<vmem>>[vector<16xi32>], vector<16xi32>, vector<16xi1>
      tpu.vector_store_idx %arg11[%sub3A_185], %add3A_188 masked %ne3A_179 : memref<10112xi32, #tpu.memory_space<vmem>>[vector<16xi32>], vector<16xi32>, vector<16xi1>
      %jit3A_189 = arith.constant -1 : i32
      %broadcast_in_dim3A_190 = vector.broadcast %jit3A_189 : i32 to vector<16xi32>
      %select_n3A_191 = arith.select %ne3A_179, %broadcast_in_dim3A_190, %add3A_188 : vector<16xi1>, vector<16xi32>
      %reduce_max3A = arith.constant true
      %reduce_max3A_192 = vector.broadcast %reduce_max3A : i1 to vector<16xi1>
      %reduce_max3A_193 = arith.constant -2147483648 : i32
      %reduce_max3A_194 = vector.broadcast %reduce_max3A_193 : i32 to vector<16xi32>
      %reduce_max3A_195 = arith.xori %select_n3A_191, %reduce_max3A_194 : vector<16xi32>
      %reduce_max3A_196 = tpu.scan <max>, %reduce_max3A_195 masked %reduce_max3A_192 : vector<16xi32>, vector<16xi1> -> vector<16xi32>
      %reduce_max3A_197 = arith.xori %reduce_max3A_196, %reduce_max3A_194 : vector<16xi32>
      %reduce_max3A_198 = vector.extract %reduce_max3A_197[15] : i32 from vector<16xi32>
      %max3A = arith.maxsi %while3A_169, %reduce_max3A_198 : i32
      %slice3A = vector.extract_strided_slice %masked_cumsum3A {offsets = [15], sizes = [1], strides = [1]} : vector<16xi32> to vector<1xi32>
      %squeeze3A = vector.extract %slice3A[0] : i32 from vector<1xi32>
      %add3A_199 = arith.addi %while3A_168, %squeeze3A : i32
      scf.yield %add3A_199, %max3A : i32, i32
    }
    %scan3A_118 = arith.constant 0 : i32
    %scan3A_119 = arith.constant 78 : i32
    %scan3A_120 = arith.addi %scan3A_118, %scan3A_119 : i32
    %scan3A_121 = arith.constant 1 : i32
    scf.for %scan3A_167 = %scan3A_118 to %scan3A_120 step %scan3A_121  : i32 {
      %dma_wait3A = arith.constant 0 : i32
      %dma_wait3A_168 = arith.constant 0 : i32
      %dma_wait3A_169 = tpu.memref_slice %arg6[%dma_wait3A, %dma_wait3A_168] : memref<320000x256xf32, #tpu.memory_space<hbm>> -> memref<128x256xf32, #tpu.memory_space<hbm>>
      %dma_wait3A_170 = arith.constant 0 : i32
      %dma_wait3A_171 = arith.constant 0 : i32
      %dma_wait3A_172 = tpu.memref_slice %arg6[%dma_wait3A_170, %dma_wait3A_171] : memref<320000x256xf32, #tpu.memory_space<hbm>> -> memref<128x256xf32, #tpu.memory_space<hbm>>
      tpu.wait_dma2 semaphore(%arg17 : memref<!tpu.dma_semaphore, #tpu.memory_space<semaphore_mem>>) src(%arg12 : memref<128x256xf32, #tpu.memory_space<vmem>>) dst(%dma_wait3A_172 : memref<128x256xf32, #tpu.memory_space<hbm>>)
    }
    %scan3A_122 = arith.constant 78 : i32
    %gt3A_123 = arith.constant 9984 : i32
    %gt3A_124 = arith.cmpi sgt, %mul3A_63, %gt3A_123 : i32
    %convert_element_type3A_125 = arith.extui %gt3A_124 : i1 to i32
    %cond3A_126 = arith.constant 0 : i32
    %cond3A_127 = arith.cmpi ne, %convert_element_type3A_125, %cond3A_126 : i32
    scf.if %cond3A_127 {
      %dma_wait3A = arith.constant 0 : i32
      %dma_wait3A_167 = arith.constant 0 : i32
      %dma_wait3A_168 = tpu.memref_slice %arg6[%dma_wait3A, %dma_wait3A_167] : memref<320000x256xf32, #tpu.memory_space<hbm>> -> memref<128x256xf32, #tpu.memory_space<hbm>>
      %dma_wait3A_169 = arith.constant 0 : i32
      %dma_wait3A_170 = arith.constant 0 : i32
      %dma_wait3A_171 = tpu.memref_slice %arg6[%dma_wait3A_169, %dma_wait3A_170] : memref<320000x256xf32, #tpu.memory_space<hbm>> -> memref<128x256xf32, #tpu.memory_space<hbm>>
      tpu.wait_dma2 semaphore(%arg17 : memref<!tpu.dma_semaphore, #tpu.memory_space<semaphore_mem>>) src(%arg12 : memref<128x256xf32, #tpu.memory_space<vmem>>) dst(%dma_wait3A_171 : memref<128x256xf32, #tpu.memory_space<hbm>>)
    } else {
    }
    %mul3A_128 = arith.constant 2 : i32
    %mul3A_129 = arith.muli %mul3A_128, %while3A_117#0 : i32
    %add3A_130 = arith.constant 128 : i32
    %add3A_131 = arith.addi %mul3A_129, %add3A_130 : i32
    %sub3A_132 = arith.constant 1 : i32
    %sub3A_133 = arith.subi %add3A_131, %sub3A_132 : i32
    %jit3A_134 = arith.constant 128 : i32
    %div3A_135 = arith.divsi %sub3A_133, %jit3A_134 : i32
    %sign3A_136 = arith.constant 0 : i32
    %sign3A_137 = arith.cmpi sgt, %sub3A_133, %sign3A_136 : i32
    %sign3A_138 = arith.extui %sign3A_137 : i1 to i32
    %sign3A_139 = arith.constant 0 : i32
    %sign3A_140 = arith.cmpi slt, %sub3A_133, %sign3A_139 : i32
    %sign3A_141 = arith.extui %sign3A_140 : i1 to i32
    %sign3A_142 = arith.subi %sign3A_138, %sign3A_141 : i32
    %sign3A_143 = arith.constant 0 : i32
    %sign3A_144 = arith.cmpi sgt, %jit3A_134, %sign3A_143 : i32
    %sign3A_145 = arith.extui %sign3A_144 : i1 to i32
    %sign3A_146 = arith.constant 0 : i32
    %sign3A_147 = arith.cmpi slt, %jit3A_134, %sign3A_146 : i32
    %sign3A_148 = arith.extui %sign3A_147 : i1 to i32
    %sign3A_149 = arith.subi %sign3A_145, %sign3A_148 : i32
    %ne3A_150 = arith.cmpi ne, %sign3A_142, %sign3A_149 : i32
    %rem3A_151 = arith.remsi %sub3A_133, %jit3A_134 : i32
    %ne3A_152 = arith.constant 0 : i32
    %ne3A_153 = arith.cmpi ne, %rem3A_151, %ne3A_152 : i32
    %and3A_154 = arith.andi %ne3A_150, %ne3A_153 : i1
    %sub3A_155 = arith.constant 1 : i32
    %sub3A_156 = arith.subi %div3A_135, %sub3A_155 : i32
    %select_n3A_157 = arith.select %and3A_154, %sub3A_156, %div3A_135 : i32
    %while3A_158 = arith.constant 0 : i32
    %while3A_159 = arith.subi %select_n3A_157, %while3A_158 : i32
    %while3A_160 = arith.addi %while3A_158, %while3A_159 : i32
    %while3A_161 = arith.constant 1 : i32
    %while3A_162 = arith.divsi %while3A_159, %while3A_161 : i32
    %while3A_163 = arith.muli %while3A_162, %while3A_161 : i32
    %while3A_164 = arith.addi %while3A_158, %while3A_163 : i32
    %while3A_165 = arith.constant 1 : i32
    scf.for %while3A_167 = %while3A_158 to %while3A_164 step %while3A_165  : i32 {
      %mul3A_168 = arith.constant 64 : i32
      %mul3A_169 = arith.muli %while3A_167, %mul3A_168 : i32
      %add3A_170 = arith.constant 0 : i32
      %add3A_171 = arith.addi %mul3A_169, %add3A_170 : i32
      %get3A = arith.index_cast %add3A_171 : i32 to index
      %get3A_172 = tpu.vector_load %arg9[%get3A] {strides = array<i32>} : memref<10112xi32, #tpu.memory_space<vmem>>, vector<16xi32>,
      %get3A_173 = arith.index_cast %add3A_171 : i32 to index
      %get3A_174 = tpu.vector_load %arg10[%get3A_173] {strides = array<i32>} : memref<10112xi32, #tpu.memory_space<vmem>>, vector<16xi32>,
      %get3A_175 = arith.index_cast %add3A_171 : i32 to index
      %get3A_176 = tpu.vector_load %arg11[%get3A_175] {strides = array<i32>} : memref<10112xi32, #tpu.memory_space<vmem>>, vector<16xi32>,
      %add3A_177 = arith.constant 0 : i32
      %add3A_178 = vector.broadcast %add3A_177 : i32 to vector<16xi32>
      %add3A_179 = arith.addi %add3A_178, %iota3A : vector<16xi32>
      %add3A_180 = vector.broadcast %add3A_171 : i32 to vector<16xi32>
      %add3A_181 = arith.addi %add3A_180, %iota3A : vector<16xi32>
      %lt3A = vector.broadcast %while3A_117#0 : i32 to vector<16xi32>
      %lt3A_182 = arith.cmpi slt, %add3A_181, %lt3A : vector<16xi32>
      %mul3A_183 = arith.constant 2 : i32
      %mul3A_184 = vector.broadcast %mul3A_183 : i32 to vector<16xi32>
      %mul3A_185 = arith.muli %mul3A_184, %add3A_179 : vector<16xi32>
      %add3A_186 = vector.broadcast %add3A_69 : i32 to vector<16xi32>
      %add3A_187 = arith.addi %add3A_186, %mul3A_185 : vector<16xi32>
      %select_n3A_188 = arith.select %lt3A_182, %get3A_172, %add3A_187 : vector<16xi1>, vector<16xi32>
      %mul3A_189 = arith.constant 2 : i32
      %mul3A_190 = vector.broadcast %mul3A_189 : i32 to vector<16xi32>
      %mul3A_191 = arith.muli %mul3A_190, %add3A_179 : vector<16xi32>
      %add3A_192 = vector.broadcast %add3A_69 : i32 to vector<16xi32>
      %add3A_193 = arith.addi %add3A_192, %mul3A_191 : vector<16xi32>
      %add3A_194 = arith.constant 1 : i32
      %add3A_195 = vector.broadcast %add3A_194 : i32 to vector<16xi32>
      %add3A_196 = arith.addi %add3A_193, %add3A_195 : vector<16xi32>
      %select_n3A_197 = arith.select %lt3A_182, %get3A_174, %add3A_196 : vector<16xi1>, vector<16xi32>
      %mul3A_198 = arith.constant 2 : i32
      %mul3A_199 = vector.broadcast %mul3A_198 : i32 to vector<16xi32>
      %mul3A_200 = arith.muli %mul3A_199, %add3A_179 : vector<16xi32>
      tpu.vector_store_idx %arg15[%mul3A_200], %select_n3A_188 : memref<128xi32, #tpu.memory_space<vmem>>[vector<16xi32>], vector<16xi32>,
      %mul3A_201 = arith.constant 2 : i32
      %mul3A_202 = vector.broadcast %mul3A_201 : i32 to vector<16xi32>
      %mul3A_203 = arith.muli %mul3A_202, %add3A_179 : vector<16xi32>
      %add3A_204 = arith.constant 1 : i32
      %add3A_205 = vector.broadcast %add3A_204 : i32 to vector<16xi32>
      %add3A_206 = arith.addi %mul3A_203, %add3A_205 : vector<16xi32>
      tpu.vector_store_idx %arg15[%add3A_206], %select_n3A_197 : memref<128xi32, #tpu.memory_space<vmem>>[vector<16xi32>], vector<16xi32>,
      %broadcast_in_dim3A_207 = vector.broadcast %while3A_117#1 : i32 to vector<16xi32>
      %select_n3A_208 = arith.select %lt3A_182, %get3A_176, %broadcast_in_dim3A_207 : vector<16xi1>, vector<16xi32>
      %swap3A = arith.constant 0 : index
      %swap3A_209 = tpu.vector_load %arg16[%swap3A] {strides = array<i32>} : memref<64xi32, #tpu.memory_space<vmem>>, vector<16xi32>,
      tpu.vector_store %arg16[%swap3A], %select_n3A_208 {strides = array<i32>} : memref<64xi32, #tpu.memory_space<vmem>>, vector<16xi32>,
      %mul3A_210 = arith.constant 64 : i32
      %mul3A_211 = arith.muli %while3A_167, %mul3A_210 : i32
      %add3A_212 = arith.constant 16 : i32
      %add3A_213 = arith.addi %mul3A_211, %add3A_212 : i32
      %get3A_214 = arith.index_cast %add3A_213 : i32 to index
      %get3A_215 = tpu.vector_load %arg9[%get3A_214] {strides = array<i32>} : memref<10112xi32, #tpu.memory_space<vmem>>, vector<16xi32>,
      %get3A_216 = arith.index_cast %add3A_213 : i32 to index
      %get3A_217 = tpu.vector_load %arg10[%get3A_216] {strides = array<i32>} : memref<10112xi32, #tpu.memory_space<vmem>>, vector<16xi32>,
      %get3A_218 = arith.index_cast %add3A_213 : i32 to index
      %get3A_219 = tpu.vector_load %arg11[%get3A_218] {strides = array<i32>} : memref<10112xi32, #tpu.memory_space<vmem>>, vector<16xi32>,
      %add3A_220 = arith.constant 16 : i32
      %add3A_221 = vector.broadcast %add3A_220 : i32 to vector<16xi32>
      %add3A_222 = arith.addi %add3A_221, %iota3A : vector<16xi32>
      %add3A_223 = vector.broadcast %add3A_213 : i32 to vector<16xi32>
      %add3A_224 = arith.addi %add3A_223, %iota3A : vector<16xi32>
      %lt3A_225 = vector.broadcast %while3A_117#0 : i32 to vector<16xi32>
      %lt3A_226 = arith.cmpi slt, %add3A_224, %lt3A_225 : vector<16xi32>
      %mul3A_227 = arith.constant 2 : i32
      %mul3A_228 = vector.broadcast %mul3A_227 : i32 to vector<16xi32>
      %mul3A_229 = arith.muli %mul3A_228, %add3A_222 : vector<16xi32>
      %add3A_230 = vector.broadcast %add3A_69 : i32 to vector<16xi32>
      %add3A_231 = arith.addi %add3A_230, %mul3A_229 : vector<16xi32>
      %select_n3A_232 = arith.select %lt3A_226, %get3A_215, %add3A_231 : vector<16xi1>, vector<16xi32>
      %mul3A_233 = arith.constant 2 : i32
      %mul3A_234 = vector.broadcast %mul3A_233 : i32 to vector<16xi32>
      %mul3A_235 = arith.muli %mul3A_234, %add3A_222 : vector<16xi32>
      %add3A_236 = vector.broadcast %add3A_69 : i32 to vector<16xi32>
      %add3A_237 = arith.addi %add3A_236, %mul3A_235 : vector<16xi32>
      %add3A_238 = arith.constant 1 : i32
      %add3A_239 = vector.broadcast %add3A_238 : i32 to vector<16xi32>
      %add3A_240 = arith.addi %add3A_237, %add3A_239 : vector<16xi32>
      %select_n3A_241 = arith.select %lt3A_226, %get3A_217, %add3A_240 : vector<16xi1>, vector<16xi32>
      %mul3A_242 = arith.constant 2 : i32
      %mul3A_243 = vector.broadcast %mul3A_242 : i32 to vector<16xi32>
      %mul3A_244 = arith.muli %mul3A_243, %add3A_222 : vector<16xi32>
      tpu.vector_store_idx %arg15[%mul3A_244], %select_n3A_232 : memref<128xi32, #tpu.memory_space<vmem>>[vector<16xi32>], vector<16xi32>,
      %mul3A_245 = arith.constant 2 : i32
      %mul3A_246 = vector.broadcast %mul3A_245 : i32 to vector<16xi32>
      %mul3A_247 = arith.muli %mul3A_246, %add3A_222 : vector<16xi32>
      %add3A_248 = arith.constant 1 : i32
      %add3A_249 = vector.broadcast %add3A_248 : i32 to vector<16xi32>
      %add3A_250 = arith.addi %mul3A_247, %add3A_249 : vector<16xi32>
      tpu.vector_store_idx %arg15[%add3A_250], %select_n3A_241 : memref<128xi32, #tpu.memory_space<vmem>>[vector<16xi32>], vector<16xi32>,
      %broadcast_in_dim3A_251 = vector.broadcast %while3A_117#1 : i32 to vector<16xi32>
      %select_n3A_252 = arith.select %lt3A_226, %get3A_219, %broadcast_in_dim3A_251 : vector<16xi1>, vector<16xi32>
      %swap3A_253 = arith.constant 16 : index
      %swap3A_254 = tpu.vector_load %arg16[%swap3A_253] {strides = array<i32>} : memref<64xi32, #tpu.memory_space<vmem>>, vector<16xi32>,
      tpu.vector_store %arg16[%swap3A_253], %select_n3A_252 {strides = array<i32>} : memref<64xi32, #tpu.memory_space<vmem>>, vector<16xi32>,
      %mul3A_255 = arith.constant 64 : i32
      %mul3A_256 = arith.muli %while3A_167, %mul3A_255 : i32
      %add3A_257 = arith.constant 32 : i32
      %add3A_258 = arith.addi %mul3A_256, %add3A_257 : i32
      %get3A_259 = arith.index_cast %add3A_258 : i32 to index
      %get3A_260 = tpu.vector_load %arg9[%get3A_259] {strides = array<i32>} : memref<10112xi32, #tpu.memory_space<vmem>>, vector<16xi32>,
      %get3A_261 = arith.index_cast %add3A_258 : i32 to index
      %get3A_262 = tpu.vector_load %arg10[%get3A_261] {strides = array<i32>} : memref<10112xi32, #tpu.memory_space<vmem>>, vector<16xi32>,
      %get3A_263 = arith.index_cast %add3A_258 : i32 to index
      %get3A_264 = tpu.vector_load %arg11[%get3A_263] {strides = array<i32>} : memref<10112xi32, #tpu.memory_space<vmem>>, vector<16xi32>,
      %add3A_265 = arith.constant 32 : i32
      %add3A_266 = vector.broadcast %add3A_265 : i32 to vector<16xi32>
      %add3A_267 = arith.addi %add3A_266, %iota3A : vector<16xi32>
      %add3A_268 = vector.broadcast %add3A_258 : i32 to vector<16xi32>
      %add3A_269 = arith.addi %add3A_268, %iota3A : vector<16xi32>
      %lt3A_270 = vector.broadcast %while3A_117#0 : i32 to vector<16xi32>
      %lt3A_271 = arith.cmpi slt, %add3A_269, %lt3A_270 : vector<16xi32>
      %mul3A_272 = arith.constant 2 : i32
      %mul3A_273 = vector.broadcast %mul3A_272 : i32 to vector<16xi32>
      %mul3A_274 = arith.muli %mul3A_273, %add3A_267 : vector<16xi32>
      %add3A_275 = vector.broadcast %add3A_69 : i32 to vector<16xi32>
      %add3A_276 = arith.addi %add3A_275, %mul3A_274 : vector<16xi32>
      %select_n3A_277 = arith.select %lt3A_271, %get3A_260, %add3A_276 : vector<16xi1>, vector<16xi32>
      %mul3A_278 = arith.constant 2 : i32
      %mul3A_279 = vector.broadcast %mul3A_278 : i32 to vector<16xi32>
      %mul3A_280 = arith.muli %mul3A_279, %add3A_267 : vector<16xi32>
      %add3A_281 = vector.broadcast %add3A_69 : i32 to vector<16xi32>
      %add3A_282 = arith.addi %add3A_281, %mul3A_280 : vector<16xi32>
      %add3A_283 = arith.constant 1 : i32
      %add3A_284 = vector.broadcast %add3A_283 : i32 to vector<16xi32>
      %add3A_285 = arith.addi %add3A_282, %add3A_284 : vector<16xi32>
      %select_n3A_286 = arith.select %lt3A_271, %get3A_262, %add3A_285 : vector<16xi1>, vector<16xi32>
      %mul3A_287 = arith.constant 2 : i32
      %mul3A_288 = vector.broadcast %mul3A_287 : i32 to vector<16xi32>
      %mul3A_289 = arith.muli %mul3A_288, %add3A_267 : vector<16xi32>
      tpu.vector_store_idx %arg15[%mul3A_289], %select_n3A_277 : memref<128xi32, #tpu.memory_space<vmem>>[vector<16xi32>], vector<16xi32>,
      %mul3A_290 = arith.constant 2 : i32
      %mul3A_291 = vector.broadcast %mul3A_290 : i32 to vector<16xi32>
      %mul3A_292 = arith.muli %mul3A_291, %add3A_267 : vector<16xi32>
      %add3A_293 = arith.constant 1 : i32
      %add3A_294 = vector.broadcast %add3A_293 : i32 to vector<16xi32>
      %add3A_295 = arith.addi %mul3A_292, %add3A_294 : vector<16xi32>
      tpu.vector_store_idx %arg15[%add3A_295], %select_n3A_286 : memref<128xi32, #tpu.memory_space<vmem>>[vector<16xi32>], vector<16xi32>,
      %broadcast_in_dim3A_296 = vector.broadcast %while3A_117#1 : i32 to vector<16xi32>
      %select_n3A_297 = arith.select %lt3A_271, %get3A_264, %broadcast_in_dim3A_296 : vector<16xi1>, vector<16xi32>
      %swap3A_298 = arith.constant 32 : index
      %swap3A_299 = tpu.vector_load %arg16[%swap3A_298] {strides = array<i32>} : memref<64xi32, #tpu.memory_space<vmem>>, vector<16xi32>,
      tpu.vector_store %arg16[%swap3A_298], %select_n3A_297 {strides = array<i32>} : memref<64xi32, #tpu.memory_space<vmem>>, vector<16xi32>,
      %mul3A_300 = arith.constant 64 : i32
      %mul3A_301 = arith.muli %while3A_167, %mul3A_300 : i32
      %add3A_302 = arith.constant 48 : i32
      %add3A_303 = arith.addi %mul3A_301, %add3A_302 : i32
      %get3A_304 = arith.index_cast %add3A_303 : i32 to index
      %get3A_305 = tpu.vector_load %arg9[%get3A_304] {strides = array<i32>} : memref<10112xi32, #tpu.memory_space<vmem>>, vector<16xi32>,
      %get3A_306 = arith.index_cast %add3A_303 : i32 to index
      %get3A_307 = tpu.vector_load %arg10[%get3A_306] {strides = array<i32>} : memref<10112xi32, #tpu.memory_space<vmem>>, vector<16xi32>,
      %get3A_308 = arith.index_cast %add3A_303 : i32 to index
      %get3A_309 = tpu.vector_load %arg11[%get3A_308] {strides = array<i32>} : memref<10112xi32, #tpu.memory_space<vmem>>, vector<16xi32>,
      %add3A_310 = arith.constant 48 : i32
      %add3A_311 = vector.broadcast %add3A_310 : i32 to vector<16xi32>
      %add3A_312 = arith.addi %add3A_311, %iota3A : vector<16xi32>
      %add3A_313 = vector.broadcast %add3A_303 : i32 to vector<16xi32>
      %add3A_314 = arith.addi %add3A_313, %iota3A : vector<16xi32>
      %lt3A_315 = vector.broadcast %while3A_117#0 : i32 to vector<16xi32>
      %lt3A_316 = arith.cmpi slt, %add3A_314, %lt3A_315 : vector<16xi32>
      %mul3A_317 = arith.constant 2 : i32
      %mul3A_318 = vector.broadcast %mul3A_317 : i32 to vector<16xi32>
      %mul3A_319 = arith.muli %mul3A_318, %add3A_312 : vector<16xi32>
      %add3A_320 = vector.broadcast %add3A_69 : i32 to vector<16xi32>
      %add3A_321 = arith.addi %add3A_320, %mul3A_319 : vector<16xi32>
      %select_n3A_322 = arith.select %lt3A_316, %get3A_305, %add3A_321 : vector<16xi1>, vector<16xi32>
      %mul3A_323 = arith.constant 2 : i32
      %mul3A_324 = vector.broadcast %mul3A_323 : i32 to vector<16xi32>
      %mul3A_325 = arith.muli %mul3A_324, %add3A_312 : vector<16xi32>
      %add3A_326 = vector.broadcast %add3A_69 : i32 to vector<16xi32>
      %add3A_327 = arith.addi %add3A_326, %mul3A_325 : vector<16xi32>
      %add3A_328 = arith.constant 1 : i32
      %add3A_329 = vector.broadcast %add3A_328 : i32 to vector<16xi32>
      %add3A_330 = arith.addi %add3A_327, %add3A_329 : vector<16xi32>
      %select_n3A_331 = arith.select %lt3A_316, %get3A_307, %add3A_330 : vector<16xi1>, vector<16xi32>
      %mul3A_332 = arith.constant 2 : i32
      %mul3A_333 = vector.broadcast %mul3A_332 : i32 to vector<16xi32>
      %mul3A_334 = arith.muli %mul3A_333, %add3A_312 : vector<16xi32>
      tpu.vector_store_idx %arg15[%mul3A_334], %select_n3A_322 : memref<128xi32, #tpu.memory_space<vmem>>[vector<16xi32>], vector<16xi32>,
      %mul3A_335 = arith.constant 2 : i32
      %mul3A_336 = vector.broadcast %mul3A_335 : i32 to vector<16xi32>
      %mul3A_337 = arith.muli %mul3A_336, %add3A_312 : vector<16xi32>
      %add3A_338 = arith.constant 1 : i32
      %add3A_339 = vector.broadcast %add3A_338 : i32 to vector<16xi32>
      %add3A_340 = arith.addi %mul3A_337, %add3A_339 : vector<16xi32>
      tpu.vector_store_idx %arg15[%add3A_340], %select_n3A_331 : memref<128xi32, #tpu.memory_space<vmem>>[vector<16xi32>], vector<16xi32>,
      %broadcast_in_dim3A_341 = vector.broadcast %while3A_117#1 : i32 to vector<16xi32>
      %select_n3A_342 = arith.select %lt3A_316, %get3A_309, %broadcast_in_dim3A_341 : vector<16xi1>, vector<16xi32>
      %swap3A_343 = arith.constant 48 : index
      %swap3A_344 = tpu.vector_load %arg16[%swap3A_343] {strides = array<i32>} : memref<64xi32, #tpu.memory_space<vmem>>, vector<16xi32>,
      tpu.vector_store %arg16[%swap3A_343], %select_n3A_342 {strides = array<i32>} : memref<64xi32, #tpu.memory_space<vmem>>, vector<16xi32>,
      %dma_start3A = arith.constant 0 : i32
      %dma_start3A_345 = arith.constant 0 : i32
      %dma_start3A_346 = tpu.memref_slice %arg5[%dma_start3A, %dma_start3A_345] : memref<18304x128xf32, #tpu.memory_space<hbm>> -> memref<18304x128xf32, #tpu.memory_space<hbm>>
      tpu.enqueue_indirect_dma source(%dma_start3A_346 : memref<18304x128xf32, #tpu.memory_space<hbm>>) target(%arg13 : memref<128x128xf32, #tpu.memory_space<vmem>>) offsets(%arg15 : memref<128xi32, #tpu.memory_space<vmem>>) semaphore(%arg18 : memref<!tpu.dma_semaphore, #tpu.memory_space<semaphore_mem>>)
      %dma_wait3A = arith.constant 0 : i32
      %dma_wait3A_347 = arith.constant 0 : i32
      %dma_wait3A_348 = tpu.memref_slice %arg5[%dma_wait3A, %dma_wait3A_347] : memref<18304x128xf32, #tpu.memory_space<hbm>> -> memref<18304x128xf32, #tpu.memory_space<hbm>>
      tpu.wait_indirect_dma semaphore(%arg18 : memref<!tpu.dma_semaphore, #tpu.memory_space<semaphore_mem>>) src(%dma_wait3A_348 : memref<18304x128xf32, #tpu.memory_space<hbm>>) dst(%arg13 : memref<128x128xf32, #tpu.memory_space<vmem>>)
      %scan3A_349 = arith.constant 0 : i32
      %scan3A_350 = arith.constant 64 : i32
      %scan3A_351 = arith.addi %scan3A_349, %scan3A_350 : i32
      %scan3A_352 = arith.constant 1 : i32
      scf.for %scan3A_360 = %scan3A_349 to %scan3A_351 step %scan3A_352  : i32 {
        %mul3A_361 = arith.constant 2 : i32
        %mul3A_362 = arith.muli %mul3A_361, %scan3A_360 : i32
        %add3A_363 = arith.constant 0 : i32
        %add3A_364 = arith.addi %mul3A_362, %add3A_363 : i32
        %get3A_365 = arith.index_cast %add3A_364 : i32 to index
        %get3A_366 = arith.constant 0 : index
        %get3A_367 = tpu.vector_load %arg13[%get3A_365, %get3A_366] {strides = array<i32>} : memref<128x128xf32, #tpu.memory_space<vmem>>, vector<16xf32>,
        %swap3A_368 = arith.index_cast %scan3A_360 : i32 to index
        %swap3A_369 = arith.constant 0 : index
        %swap3A_370 = tpu.vector_load %arg14[%swap3A_368, %swap3A_369] {strides = array<i32>} : memref<64x256xf32, #tpu.memory_space<vmem>>, vector<16xf32>,
        tpu.vector_store %arg14[%swap3A_368, %swap3A_369], %get3A_367 {strides = array<i32>} : memref<64x256xf32, #tpu.memory_space<vmem>>, vector<16xf32>,
        %mul3A_371 = arith.constant 2 : i32
        %mul3A_372 = arith.muli %mul3A_371, %scan3A_360 : i32
        %add3A_373 = arith.constant 0 : i32
        %add3A_374 = arith.addi %mul3A_372, %add3A_373 : i32
        %get3A_375 = arith.index_cast %add3A_374 : i32 to index
        %get3A_376 = arith.constant 16 : index
        %get3A_377 = tpu.vector_load %arg13[%get3A_375, %get3A_376] {strides = array<i32>} : memref<128x128xf32, #tpu.memory_space<vmem>>, vector<16xf32>,
        %swap3A_378 = arith.index_cast %scan3A_360 : i32 to index
        %swap3A_379 = arith.constant 16 : index
        %swap3A_380 = tpu.vector_load %arg14[%swap3A_378, %swap3A_379] {strides = array<i32>} : memref<64x256xf32, #tpu.memory_space<vmem>>, vector<16xf32>,
        tpu.vector_store %arg14[%swap3A_378, %swap3A_379], %get3A_377 {strides = array<i32>} : memref<64x256xf32, #tpu.memory_space<vmem>>, vector<16xf32>,
        %mul3A_381 = arith.constant 2 : i32
        %mul3A_382 = arith.muli %mul3A_381, %scan3A_360 : i32
        %add3A_383 = arith.constant 0 : i32
        %add3A_384 = arith.addi %mul3A_382, %add3A_383 : i32
        %get3A_385 = arith.index_cast %add3A_384 : i32 to index
        %get3A_386 = arith.constant 32 : index
        %get3A_387 = tpu.vector_load %arg13[%get3A_385, %get3A_386] {strides = array<i32>} : memref<128x128xf32, #tpu.memory_space<vmem>>, vector<16xf32>,
        %swap3A_388 = arith.index_cast %scan3A_360 : i32 to index
        %swap3A_389 = arith.constant 32 : index
        %swap3A_390 = tpu.vector_load %arg14[%swap3A_388, %swap3A_389] {strides = array<i32>} : memref<64x256xf32, #tpu.memory_space<vmem>>, vector<16xf32>,
        tpu.vector_store %arg14[%swap3A_388, %swap3A_389], %get3A_387 {strides = array<i32>} : memref<64x256xf32, #tpu.memory_space<vmem>>, vector<16xf32>,
        %mul3A_391 = arith.constant 2 : i32
        %mul3A_392 = arith.muli %mul3A_391, %scan3A_360 : i32
        %add3A_393 = arith.constant 0 : i32
        %add3A_394 = arith.addi %mul3A_392, %add3A_393 : i32
        %get3A_395 = arith.index_cast %add3A_394 : i32 to index
        %get3A_396 = arith.constant 48 : index
        %get3A_397 = tpu.vector_load %arg13[%get3A_395, %get3A_396] {strides = array<i32>} : memref<128x128xf32, #tpu.memory_space<vmem>>, vector<16xf32>,
        %swap3A_398 = arith.index_cast %scan3A_360 : i32 to index
        %swap3A_399 = arith.constant 48 : index
        %swap3A_400 = tpu.vector_load %arg14[%swap3A_398, %swap3A_399] {strides = array<i32>} : memref<64x256xf32, #tpu.memory_space<vmem>>, vector<16xf32>,
        tpu.vector_store %arg14[%swap3A_398, %swap3A_399], %get3A_397 {strides = array<i32>} : memref<64x256xf32, #tpu.memory_space<vmem>>, vector<16xf32>,
        %mul3A_401 = arith.constant 2 : i32
        %mul3A_402 = arith.muli %mul3A_401, %scan3A_360 : i32
        %add3A_403 = arith.constant 0 : i32
        %add3A_404 = arith.addi %mul3A_402, %add3A_403 : i32
        %get3A_405 = arith.index_cast %add3A_404 : i32 to index
        %get3A_406 = arith.constant 64 : index
        %get3A_407 = tpu.vector_load %arg13[%get3A_405, %get3A_406] {strides = array<i32>} : memref<128x128xf32, #tpu.memory_space<vmem>>, vector<16xf32>,
        %swap3A_408 = arith.index_cast %scan3A_360 : i32 to index
        %swap3A_409 = arith.constant 64 : index
        %swap3A_410 = tpu.vector_load %arg14[%swap3A_408, %swap3A_409] {strides = array<i32>} : memref<64x256xf32, #tpu.memory_space<vmem>>, vector<16xf32>,
        tpu.vector_store %arg14[%swap3A_408, %swap3A_409], %get3A_407 {strides = array<i32>} : memref<64x256xf32, #tpu.memory_space<vmem>>, vector<16xf32>,
        %mul3A_411 = arith.constant 2 : i32
        %mul3A_412 = arith.muli %mul3A_411, %scan3A_360 : i32
        %add3A_413 = arith.constant 0 : i32
        %add3A_414 = arith.addi %mul3A_412, %add3A_413 : i32
        %get3A_415 = arith.index_cast %add3A_414 : i32 to index
        %get3A_416 = arith.constant 80 : index
        %get3A_417 = tpu.vector_load %arg13[%get3A_415, %get3A_416] {strides = array<i32>} : memref<128x128xf32, #tpu.memory_space<vmem>>, vector<16xf32>,
        %swap3A_418 = arith.index_cast %scan3A_360 : i32 to index
        %swap3A_419 = arith.constant 80 : index
        %swap3A_420 = tpu.vector_load %arg14[%swap3A_418, %swap3A_419] {strides = array<i32>} : memref<64x256xf32, #tpu.memory_space<vmem>>, vector<16xf32>,
        tpu.vector_store %arg14[%swap3A_418, %swap3A_419], %get3A_417 {strides = array<i32>} : memref<64x256xf32, #tpu.memory_space<vmem>>, vector<16xf32>,
        %mul3A_421 = arith.constant 2 : i32
        %mul3A_422 = arith.muli %mul3A_421, %scan3A_360 : i32
        %add3A_423 = arith.constant 0 : i32
        %add3A_424 = arith.addi %mul3A_422, %add3A_423 : i32
        %get3A_425 = arith.index_cast %add3A_424 : i32 to index
        %get3A_426 = arith.constant 96 : index
        %get3A_427 = tpu.vector_load %arg13[%get3A_425, %get3A_426] {strides = array<i32>} : memref<128x128xf32, #tpu.memory_space<vmem>>, vector<16xf32>,
        %swap3A_428 = arith.index_cast %scan3A_360 : i32 to index
        %swap3A_429 = arith.constant 96 : index
        %swap3A_430 = tpu.vector_load %arg14[%swap3A_428, %swap3A_429] {strides = array<i32>} : memref<64x256xf32, #tpu.memory_space<vmem>>, vector<16xf32>,
        tpu.vector_store %arg14[%swap3A_428, %swap3A_429], %get3A_427 {strides = array<i32>} : memref<64x256xf32, #tpu.memory_space<vmem>>, vector<16xf32>,
        %mul3A_431 = arith.constant 2 : i32
        %mul3A_432 = arith.muli %mul3A_431, %scan3A_360 : i32
        %add3A_433 = arith.constant 0 : i32
        %add3A_434 = arith.addi %mul3A_432, %add3A_433 : i32
        %get3A_435 = arith.index_cast %add3A_434 : i32 to index
        %get3A_436 = arith.constant 112 : index
        %get3A_437 = tpu.vector_load %arg13[%get3A_435, %get3A_436] {strides = array<i32>} : memref<128x128xf32, #tpu.memory_space<vmem>>, vector<16xf32>,
        %swap3A_438 = arith.index_cast %scan3A_360 : i32 to index
        %swap3A_439 = arith.constant 112 : index
        %swap3A_440 = tpu.vector_load %arg14[%swap3A_438, %swap3A_439] {strides = array<i32>} : memref<64x256xf32, #tpu.memory_space<vmem>>, vector<16xf32>,
        tpu.vector_store %arg14[%swap3A_438, %swap3A_439], %get3A_437 {strides = array<i32>} : memref<64x256xf32, #tpu.memory_space<vmem>>, vector<16xf32>,
        %mul3A_441 = arith.constant 2 : i32
        %mul3A_442 = arith.muli %mul3A_441, %scan3A_360 : i32
        %add3A_443 = arith.constant 1 : i32
        %add3A_444 = arith.addi %mul3A_442, %add3A_443 : i32
        %get3A_445 = arith.index_cast %add3A_444 : i32 to index
        %get3A_446 = arith.constant 0 : index
        %get3A_447 = tpu.vector_load %arg13[%get3A_445, %get3A_446] {strides = array<i32>} : memref<128x128xf32, #tpu.memory_space<vmem>>, vector<16xf32>,
        %swap3A_448 = arith.index_cast %scan3A_360 : i32 to index
        %swap3A_449 = arith.constant 128 : index
        %swap3A_450 = tpu.vector_load %arg14[%swap3A_448, %swap3A_449] {strides = array<i32>} : memref<64x256xf32, #tpu.memory_space<vmem>>, vector<16xf32>,
        tpu.vector_store %arg14[%swap3A_448, %swap3A_449], %get3A_447 {strides = array<i32>} : memref<64x256xf32, #tpu.memory_space<vmem>>, vector<16xf32>,
        %mul3A_451 = arith.constant 2 : i32
        %mul3A_452 = arith.muli %mul3A_451, %scan3A_360 : i32
        %add3A_453 = arith.constant 1 : i32
        %add3A_454 = arith.addi %mul3A_452, %add3A_453 : i32
        %get3A_455 = arith.index_cast %add3A_454 : i32 to index
        %get3A_456 = arith.constant 16 : index
        %get3A_457 = tpu.vector_load %arg13[%get3A_455, %get3A_456] {strides = array<i32>} : memref<128x128xf32, #tpu.memory_space<vmem>>, vector<16xf32>,
        %swap3A_458 = arith.index_cast %scan3A_360 : i32 to index
        %swap3A_459 = arith.constant 144 : index
        %swap3A_460 = tpu.vector_load %arg14[%swap3A_458, %swap3A_459] {strides = array<i32>} : memref<64x256xf32, #tpu.memory_space<vmem>>, vector<16xf32>,
        tpu.vector_store %arg14[%swap3A_458, %swap3A_459], %get3A_457 {strides = array<i32>} : memref<64x256xf32, #tpu.memory_space<vmem>>, vector<16xf32>,
        %mul3A_461 = arith.constant 2 : i32
        %mul3A_462 = arith.muli %mul3A_461, %scan3A_360 : i32
        %add3A_463 = arith.constant 1 : i32
        %add3A_464 = arith.addi %mul3A_462, %add3A_463 : i32
        %get3A_465 = arith.index_cast %add3A_464 : i32 to index
        %get3A_466 = arith.constant 32 : index
        %get3A_467 = tpu.vector_load %arg13[%get3A_465, %get3A_466] {strides = array<i32>} : memref<128x128xf32, #tpu.memory_space<vmem>>, vector<16xf32>,
        %swap3A_468 = arith.index_cast %scan3A_360 : i32 to index
        %swap3A_469 = arith.constant 160 : index
        %swap3A_470 = tpu.vector_load %arg14[%swap3A_468, %swap3A_469] {strides = array<i32>} : memref<64x256xf32, #tpu.memory_space<vmem>>, vector<16xf32>,
        tpu.vector_store %arg14[%swap3A_468, %swap3A_469], %get3A_467 {strides = array<i32>} : memref<64x256xf32, #tpu.memory_space<vmem>>, vector<16xf32>,
        %mul3A_471 = arith.constant 2 : i32
        %mul3A_472 = arith.muli %mul3A_471, %scan3A_360 : i32
        %add3A_473 = arith.constant 1 : i32
        %add3A_474 = arith.addi %mul3A_472, %add3A_473 : i32
        %get3A_475 = arith.index_cast %add3A_474 : i32 to index
        %get3A_476 = arith.constant 48 : index
        %get3A_477 = tpu.vector_load %arg13[%get3A_475, %get3A_476] {strides = array<i32>} : memref<128x128xf32, #tpu.memory_space<vmem>>, vector<16xf32>,
        %swap3A_478 = arith.index_cast %scan3A_360 : i32 to index
        %swap3A_479 = arith.constant 176 : index
        %swap3A_480 = tpu.vector_load %arg14[%swap3A_478, %swap3A_479] {strides = array<i32>} : memref<64x256xf32, #tpu.memory_space<vmem>>, vector<16xf32>,
        tpu.vector_store %arg14[%swap3A_478, %swap3A_479], %get3A_477 {strides = array<i32>} : memref<64x256xf32, #tpu.memory_space<vmem>>, vector<16xf32>,
        %mul3A_481 = arith.constant 2 : i32
        %mul3A_482 = arith.muli %mul3A_481, %scan3A_360 : i32
        %add3A_483 = arith.constant 1 : i32
        %add3A_484 = arith.addi %mul3A_482, %add3A_483 : i32
        %get3A_485 = arith.index_cast %add3A_484 : i32 to index
        %get3A_486 = arith.constant 64 : index
        %get3A_487 = tpu.vector_load %arg13[%get3A_485, %get3A_486] {strides = array<i32>} : memref<128x128xf32, #tpu.memory_space<vmem>>, vector<16xf32>,
        %swap3A_488 = arith.index_cast %scan3A_360 : i32 to index
        %swap3A_489 = arith.constant 192 : index
        %swap3A_490 = tpu.vector_load %arg14[%swap3A_488, %swap3A_489] {strides = array<i32>} : memref<64x256xf32, #tpu.memory_space<vmem>>, vector<16xf32>,
        tpu.vector_store %arg14[%swap3A_488, %swap3A_489], %get3A_487 {strides = array<i32>} : memref<64x256xf32, #tpu.memory_space<vmem>>, vector<16xf32>,
        %mul3A_491 = arith.constant 2 : i32
        %mul3A_492 = arith.muli %mul3A_491, %scan3A_360 : i32
        %add3A_493 = arith.constant 1 : i32
        %add3A_494 = arith.addi %mul3A_492, %add3A_493 : i32
        %get3A_495 = arith.index_cast %add3A_494 : i32 to index
        %get3A_496 = arith.constant 80 : index
        %get3A_497 = tpu.vector_load %arg13[%get3A_495, %get3A_496] {strides = array<i32>} : memref<128x128xf32, #tpu.memory_space<vmem>>, vector<16xf32>,
        %swap3A_498 = arith.index_cast %scan3A_360 : i32 to index
        %swap3A_499 = arith.constant 208 : index
        %swap3A_500 = tpu.vector_load %arg14[%swap3A_498, %swap3A_499] {strides = array<i32>} : memref<64x256xf32, #tpu.memory_space<vmem>>, vector<16xf32>,
        tpu.vector_store %arg14[%swap3A_498, %swap3A_499], %get3A_497 {strides = array<i32>} : memref<64x256xf32, #tpu.memory_space<vmem>>, vector<16xf32>,
        %mul3A_501 = arith.constant 2 : i32
        %mul3A_502 = arith.muli %mul3A_501, %scan3A_360 : i32
        %add3A_503 = arith.constant 1 : i32
        %add3A_504 = arith.addi %mul3A_502, %add3A_503 : i32
        %get3A_505 = arith.index_cast %add3A_504 : i32 to index
        %get3A_506 = arith.constant 96 : index
        %get3A_507 = tpu.vector_load %arg13[%get3A_505, %get3A_506] {strides = array<i32>} : memref<128x128xf32, #tpu.memory_space<vmem>>, vector<16xf32>,
        %swap3A_508 = arith.index_cast %scan3A_360 : i32 to index
        %swap3A_509 = arith.constant 224 : index
        %swap3A_510 = tpu.vector_load %arg14[%swap3A_508, %swap3A_509] {strides = array<i32>} : memref<64x256xf32, #tpu.memory_space<vmem>>, vector<16xf32>,
        tpu.vector_store %arg14[%swap3A_508, %swap3A_509], %get3A_507 {strides = array<i32>} : memref<64x256xf32, #tpu.memory_space<vmem>>, vector<16xf32>,
        %mul3A_511 = arith.constant 2 : i32
        %mul3A_512 = arith.muli %mul3A_511, %scan3A_360 : i32
        %add3A_513 = arith.constant 1 : i32
        %add3A_514 = arith.addi %mul3A_512, %add3A_513 : i32
        %get3A_515 = arith.index_cast %add3A_514 : i32 to index
        %get3A_516 = arith.constant 112 : index
        %get3A_517 = tpu.vector_load %arg13[%get3A_515, %get3A_516] {strides = array<i32>} : memref<128x128xf32, #tpu.memory_space<vmem>>, vector<16xf32>,
        %swap3A_518 = arith.index_cast %scan3A_360 : i32 to index
        %swap3A_519 = arith.constant 240 : index
        %swap3A_520 = tpu.vector_load %arg14[%swap3A_518, %swap3A_519] {strides = array<i32>} : memref<64x256xf32, #tpu.memory_space<vmem>>, vector<16xf32>,
        tpu.vector_store %arg14[%swap3A_518, %swap3A_519], %get3A_517 {strides = array<i32>} : memref<64x256xf32, #tpu.memory_space<vmem>>, vector<16xf32>,
      }
      %scan3A_353 = arith.constant 64 : i32
      %dma_start3A_354 = arith.constant 0 : i32
      %dma_start3A_355 = arith.constant 0 : i32
      %dma_start3A_356 = tpu.memref_slice %arg6[%dma_start3A_354, %dma_start3A_355] : memref<320000x256xf32, #tpu.memory_space<hbm>> -> memref<320000x256xf32, #tpu.memory_space<hbm>>
      tpu.enqueue_indirect_dma source(%arg14 : memref<64x256xf32, #tpu.memory_space<vmem>>) target(%dma_start3A_356 : memref<320000x256xf32, #tpu.memory_space<hbm>>) offsets(%arg16 : memref<64xi32, #tpu.memory_space<vmem>>) semaphore(%arg19 : memref<!tpu.dma_semaphore, #tpu.memory_space<semaphore_mem>>)
      %dma_wait3A_357 = arith.constant 0 : i32
      %dma_wait3A_358 = arith.constant 0 : i32
      %dma_wait3A_359 = tpu.memref_slice %arg6[%dma_wait3A_357, %dma_wait3A_358] : memref<320000x256xf32, #tpu.memory_space<hbm>> -> memref<320000x256xf32, #tpu.memory_space<hbm>>
      tpu.wait_indirect_dma semaphore(%arg19 : memref<!tpu.dma_semaphore, #tpu.memory_space<semaphore_mem>>) src(%arg14 : memref<64x256xf32, #tpu.memory_space<vmem>>) dst(%dma_wait3A_359 : memref<320000x256xf32, #tpu.memory_space<hbm>>)
    }
    %while3A_166 = arith.constant 1 : i32
    scf.for %while3A_167 = %while3A_164 to %while3A_160 step %while3A_166  : i32 {
      %mul3A_168 = arith.constant 64 : i32
      %mul3A_169 = arith.muli %while3A_167, %mul3A_168 : i32
      %add3A_170 = arith.constant 0 : i32
      %add3A_171 = arith.addi %mul3A_169, %add3A_170 : i32
      %get3A = arith.index_cast %add3A_171 : i32 to index
      %get3A_172 = tpu.vector_load %arg9[%get3A] {strides = array<i32>} : memref<10112xi32, #tpu.memory_space<vmem>>, vector<16xi32>,
      %get3A_173 = arith.index_cast %add3A_171 : i32 to index
      %get3A_174 = tpu.vector_load %arg10[%get3A_173] {strides = array<i32>} : memref<10112xi32, #tpu.memory_space<vmem>>, vector<16xi32>,
      %get3A_175 = arith.index_cast %add3A_171 : i32 to index
      %get3A_176 = tpu.vector_load %arg11[%get3A_175] {strides = array<i32>} : memref<10112xi32, #tpu.memory_space<vmem>>, vector<16xi32>,
      %add3A_177 = arith.constant 0 : i32
      %add3A_178 = vector.broadcast %add3A_177 : i32 to vector<16xi32>
      %add3A_179 = arith.addi %add3A_178, %iota3A : vector<16xi32>
      %add3A_180 = vector.broadcast %add3A_171 : i32 to vector<16xi32>
      %add3A_181 = arith.addi %add3A_180, %iota3A : vector<16xi32>
      %lt3A = vector.broadcast %while3A_117#0 : i32 to vector<16xi32>
      %lt3A_182 = arith.cmpi slt, %add3A_181, %lt3A : vector<16xi32>
      %mul3A_183 = arith.constant 2 : i32
      %mul3A_184 = vector.broadcast %mul3A_183 : i32 to vector<16xi32>
      %mul3A_185 = arith.muli %mul3A_184, %add3A_179 : vector<16xi32>
      %add3A_186 = vector.broadcast %add3A_69 : i32 to vector<16xi32>
      %add3A_187 = arith.addi %add3A_186, %mul3A_185 : vector<16xi32>
      %select_n3A_188 = arith.select %lt3A_182, %get3A_172, %add3A_187 : vector<16xi1>, vector<16xi32>
      %mul3A_189 = arith.constant 2 : i32
      %mul3A_190 = vector.broadcast %mul3A_189 : i32 to vector<16xi32>
      %mul3A_191 = arith.muli %mul3A_190, %add3A_179 : vector<16xi32>
      %add3A_192 = vector.broadcast %add3A_69 : i32 to vector<16xi32>
      %add3A_193 = arith.addi %add3A_192, %mul3A_191 : vector<16xi32>
      %add3A_194 = arith.constant 1 : i32
      %add3A_195 = vector.broadcast %add3A_194 : i32 to vector<16xi32>
      %add3A_196 = arith.addi %add3A_193, %add3A_195 : vector<16xi32>
      %select_n3A_197 = arith.select %lt3A_182, %get3A_174, %add3A_196 : vector<16xi1>, vector<16xi32>
      %mul3A_198 = arith.constant 2 : i32
      %mul3A_199 = vector.broadcast %mul3A_198 : i32 to vector<16xi32>
      %mul3A_200 = arith.muli %mul3A_199, %add3A_179 : vector<16xi32>
      tpu.vector_store_idx %arg15[%mul3A_200], %select_n3A_188 : memref<128xi32, #tpu.memory_space<vmem>>[vector<16xi32>], vector<16xi32>,
      %mul3A_201 = arith.constant 2 : i32
      %mul3A_202 = vector.broadcast %mul3A_201 : i32 to vector<16xi32>
      %mul3A_203 = arith.muli %mul3A_202, %add3A_179 : vector<16xi32>
      %add3A_204 = arith.constant 1 : i32
      %add3A_205 = vector.broadcast %add3A_204 : i32 to vector<16xi32>
      %add3A_206 = arith.addi %mul3A_203, %add3A_205 : vector<16xi32>
      tpu.vector_store_idx %arg15[%add3A_206], %select_n3A_197 : memref<128xi32, #tpu.memory_space<vmem>>[vector<16xi32>], vector<16xi32>,
      %broadcast_in_dim3A_207 = vector.broadcast %while3A_117#1 : i32 to vector<16xi32>
      %select_n3A_208 = arith.select %lt3A_182, %get3A_176, %broadcast_in_dim3A_207 : vector<16xi1>, vector<16xi32>
      %swap3A = arith.constant 0 : index
      %swap3A_209 = tpu.vector_load %arg16[%swap3A] {strides = array<i32>} : memref<64xi32, #tpu.memory_space<vmem>>, vector<16xi32>,
      tpu.vector_store %arg16[%swap3A], %select_n3A_208 {strides = array<i32>} : memref<64xi32, #tpu.memory_space<vmem>>, vector<16xi32>,
      %mul3A_210 = arith.constant 64 : i32
      %mul3A_211 = arith.muli %while3A_167, %mul3A_210 : i32
      %add3A_212 = arith.constant 16 : i32
      %add3A_213 = arith.addi %mul3A_211, %add3A_212 : i32
      %get3A_214 = arith.index_cast %add3A_213 : i32 to index
      %get3A_215 = tpu.vector_load %arg9[%get3A_214] {strides = array<i32>} : memref<10112xi32, #tpu.memory_space<vmem>>, vector<16xi32>,
      %get3A_216 = arith.index_cast %add3A_213 : i32 to index
      %get3A_217 = tpu.vector_load %arg10[%get3A_216] {strides = array<i32>} : memref<10112xi32, #tpu.memory_space<vmem>>, vector<16xi32>,
      %get3A_218 = arith.index_cast %add3A_213 : i32 to index
      %get3A_219 = tpu.vector_load %arg11[%get3A_218] {strides = array<i32>} : memref<10112xi32, #tpu.memory_space<vmem>>, vector<16xi32>,
      %add3A_220 = arith.constant 16 : i32
      %add3A_221 = vector.broadcast %add3A_220 : i32 to vector<16xi32>
      %add3A_222 = arith.addi %add3A_221, %iota3A : vector<16xi32>
      %add3A_223 = vector.broadcast %add3A_213 : i32 to vector<16xi32>
      %add3A_224 = arith.addi %add3A_223, %iota3A : vector<16xi32>
      %lt3A_225 = vector.broadcast %while3A_117#0 : i32 to vector<16xi32>
      %lt3A_226 = arith.cmpi slt, %add3A_224, %lt3A_225 : vector<16xi32>
      %mul3A_227 = arith.constant 2 : i32
      %mul3A_228 = vector.broadcast %mul3A_227 : i32 to vector<16xi32>
      %mul3A_229 = arith.muli %mul3A_228, %add3A_222 : vector<16xi32>
      %add3A_230 = vector.broadcast %add3A_69 : i32 to vector<16xi32>
      %add3A_231 = arith.addi %add3A_230, %mul3A_229 : vector<16xi32>
      %select_n3A_232 = arith.select %lt3A_226, %get3A_215, %add3A_231 : vector<16xi1>, vector<16xi32>
      %mul3A_233 = arith.constant 2 : i32
      %mul3A_234 = vector.broadcast %mul3A_233 : i32 to vector<16xi32>
      %mul3A_235 = arith.muli %mul3A_234, %add3A_222 : vector<16xi32>
      %add3A_236 = vector.broadcast %add3A_69 : i32 to vector<16xi32>
      %add3A_237 = arith.addi %add3A_236, %mul3A_235 : vector<16xi32>
      %add3A_238 = arith.constant 1 : i32
      %add3A_239 = vector.broadcast %add3A_238 : i32 to vector<16xi32>
      %add3A_240 = arith.addi %add3A_237, %add3A_239 : vector<16xi32>
      %select_n3A_241 = arith.select %lt3A_226, %get3A_217, %add3A_240 : vector<16xi1>, vector<16xi32>
      %mul3A_242 = arith.constant 2 : i32
      %mul3A_243 = vector.broadcast %mul3A_242 : i32 to vector<16xi32>
      %mul3A_244 = arith.muli %mul3A_243, %add3A_222 : vector<16xi32>
      tpu.vector_store_idx %arg15[%mul3A_244], %select_n3A_232 : memref<128xi32, #tpu.memory_space<vmem>>[vector<16xi32>], vector<16xi32>,
      %mul3A_245 = arith.constant 2 : i32
      %mul3A_246 = vector.broadcast %mul3A_245 : i32 to vector<16xi32>
      %mul3A_247 = arith.muli %mul3A_246, %add3A_222 : vector<16xi32>
      %add3A_248 = arith.constant 1 : i32
      %add3A_249 = vector.broadcast %add3A_248 : i32 to vector<16xi32>
      %add3A_250 = arith.addi %mul3A_247, %add3A_249 : vector<16xi32>
      tpu.vector_store_idx %arg15[%add3A_250], %select_n3A_241 : memref<128xi32, #tpu.memory_space<vmem>>[vector<16xi32>], vector<16xi32>,
      %broadcast_in_dim3A_251 = vector.broadcast %while3A_117#1 : i32 to vector<16xi32>
      %select_n3A_252 = arith.select %lt3A_226, %get3A_219, %broadcast_in_dim3A_251 : vector<16xi1>, vector<16xi32>
      %swap3A_253 = arith.constant 16 : index
      %swap3A_254 = tpu.vector_load %arg16[%swap3A_253] {strides = array<i32>} : memref<64xi32, #tpu.memory_space<vmem>>, vector<16xi32>,
      tpu.vector_store %arg16[%swap3A_253], %select_n3A_252 {strides = array<i32>} : memref<64xi32, #tpu.memory_space<vmem>>, vector<16xi32>,
      %mul3A_255 = arith.constant 64 : i32
      %mul3A_256 = arith.muli %while3A_167, %mul3A_255 : i32
      %add3A_257 = arith.constant 32 : i32
      %add3A_258 = arith.addi %mul3A_256, %add3A_257 : i32
      %get3A_259 = arith.index_cast %add3A_258 : i32 to index
      %get3A_260 = tpu.vector_load %arg9[%get3A_259] {strides = array<i32>} : memref<10112xi32, #tpu.memory_space<vmem>>, vector<16xi32>,
      %get3A_261 = arith.index_cast %add3A_258 : i32 to index
      %get3A_262 = tpu.vector_load %arg10[%get3A_261] {strides = array<i32>} : memref<10112xi32, #tpu.memory_space<vmem>>, vector<16xi32>,
      %get3A_263 = arith.index_cast %add3A_258 : i32 to index
      %get3A_264 = tpu.vector_load %arg11[%get3A_263] {strides = array<i32>} : memref<10112xi32, #tpu.memory_space<vmem>>, vector<16xi32>,
      %add3A_265 = arith.constant 32 : i32
      %add3A_266 = vector.broadcast %add3A_265 : i32 to vector<16xi32>
      %add3A_267 = arith.addi %add3A_266, %iota3A : vector<16xi32>
      %add3A_268 = vector.broadcast %add3A_258 : i32 to vector<16xi32>
      %add3A_269 = arith.addi %add3A_268, %iota3A : vector<16xi32>
      %lt3A_270 = vector.broadcast %while3A_117#0 : i32 to vector<16xi32>
      %lt3A_271 = arith.cmpi slt, %add3A_269, %lt3A_270 : vector<16xi32>
      %mul3A_272 = arith.constant 2 : i32
      %mul3A_273 = vector.broadcast %mul3A_272 : i32 to vector<16xi32>
      %mul3A_274 = arith.muli %mul3A_273, %add3A_267 : vector<16xi32>
      %add3A_275 = vector.broadcast %add3A_69 : i32 to vector<16xi32>
      %add3A_276 = arith.addi %add3A_275, %mul3A_274 : vector<16xi32>
      %select_n3A_277 = arith.select %lt3A_271, %get3A_260, %add3A_276 : vector<16xi1>, vector<16xi32>
      %mul3A_278 = arith.constant 2 : i32
      %mul3A_279 = vector.broadcast %mul3A_278 : i32 to vector<16xi32>
      %mul3A_280 = arith.muli %mul3A_279, %add3A_267 : vector<16xi32>
      %add3A_281 = vector.broadcast %add3A_69 : i32 to vector<16xi32>
      %add3A_282 = arith.addi %add3A_281, %mul3A_280 : vector<16xi32>
      %add3A_283 = arith.constant 1 : i32
      %add3A_284 = vector.broadcast %add3A_283 : i32 to vector<16xi32>
      %add3A_285 = arith.addi %add3A_282, %add3A_284 : vector<16xi32>
      %select_n3A_286 = arith.select %lt3A_271, %get3A_262, %add3A_285 : vector<16xi1>, vector<16xi32>
      %mul3A_287 = arith.constant 2 : i32
      %mul3A_288 = vector.broadcast %mul3A_287 : i32 to vector<16xi32>
      %mul3A_289 = arith.muli %mul3A_288, %add3A_267 : vector<16xi32>
      tpu.vector_store_idx %arg15[%mul3A_289], %select_n3A_277 : memref<128xi32, #tpu.memory_space<vmem>>[vector<16xi32>], vector<16xi32>,
      %mul3A_290 = arith.constant 2 : i32
      %mul3A_291 = vector.broadcast %mul3A_290 : i32 to vector<16xi32>
      %mul3A_292 = arith.muli %mul3A_291, %add3A_267 : vector<16xi32>
      %add3A_293 = arith.constant 1 : i32
      %add3A_294 = vector.broadcast %add3A_293 : i32 to vector<16xi32>
      %add3A_295 = arith.addi %mul3A_292, %add3A_294 : vector<16xi32>
      tpu.vector_store_idx %arg15[%add3A_295], %select_n3A_286 : memref<128xi32, #tpu.memory_space<vmem>>[vector<16xi32>], vector<16xi32>,
      %broadcast_in_dim3A_296 = vector.broadcast %while3A_117#1 : i32 to vector<16xi32>
      %select_n3A_297 = arith.select %lt3A_271, %get3A_264, %broadcast_in_dim3A_296 : vector<16xi1>, vector<16xi32>
      %swap3A_298 = arith.constant 32 : index
      %swap3A_299 = tpu.vector_load %arg16[%swap3A_298] {strides = array<i32>} : memref<64xi32, #tpu.memory_space<vmem>>, vector<16xi32>,
      tpu.vector_store %arg16[%swap3A_298], %select_n3A_297 {strides = array<i32>} : memref<64xi32, #tpu.memory_space<vmem>>, vector<16xi32>,
      %mul3A_300 = arith.constant 64 : i32
      %mul3A_301 = arith.muli %while3A_167, %mul3A_300 : i32
      %add3A_302 = arith.constant 48 : i32
      %add3A_303 = arith.addi %mul3A_301, %add3A_302 : i32
      %get3A_304 = arith.index_cast %add3A_303 : i32 to index
      %get3A_305 = tpu.vector_load %arg9[%get3A_304] {strides = array<i32>} : memref<10112xi32, #tpu.memory_space<vmem>>, vector<16xi32>,
      %get3A_306 = arith.index_cast %add3A_303 : i32 to index
      %get3A_307 = tpu.vector_load %arg10[%get3A_306] {strides = array<i32>} : memref<10112xi32, #tpu.memory_space<vmem>>, vector<16xi32>,
      %get3A_308 = arith.index_cast %add3A_303 : i32 to index
      %get3A_309 = tpu.vector_load %arg11[%get3A_308] {strides = array<i32>} : memref<10112xi32, #tpu.memory_space<vmem>>, vector<16xi32>,
      %add3A_310 = arith.constant 48 : i32
      %add3A_311 = vector.broadcast %add3A_310 : i32 to vector<16xi32>
      %add3A_312 = arith.addi %add3A_311, %iota3A : vector<16xi32>
      %add3A_313 = vector.broadcast %add3A_303 : i32 to vector<16xi32>
      %add3A_314 = arith.addi %add3A_313, %iota3A : vector<16xi32>
      %lt3A_315 = vector.broadcast %while3A_117#0 : i32 to vector<16xi32>
      %lt3A_316 = arith.cmpi slt, %add3A_314, %lt3A_315 : vector<16xi32>
      %mul3A_317 = arith.constant 2 : i32
      %mul3A_318 = vector.broadcast %mul3A_317 : i32 to vector<16xi32>
      %mul3A_319 = arith.muli %mul3A_318, %add3A_312 : vector<16xi32>
      %add3A_320 = vector.broadcast %add3A_69 : i32 to vector<16xi32>
      %add3A_321 = arith.addi %add3A_320, %mul3A_319 : vector<16xi32>
      %select_n3A_322 = arith.select %lt3A_316, %get3A_305, %add3A_321 : vector<16xi1>, vector<16xi32>
      %mul3A_323 = arith.constant 2 : i32
      %mul3A_324 = vector.broadcast %mul3A_323 : i32 to vector<16xi32>
      %mul3A_325 = arith.muli %mul3A_324, %add3A_312 : vector<16xi32>
      %add3A_326 = vector.broadcast %add3A_69 : i32 to vector<16xi32>
      %add3A_327 = arith.addi %add3A_326, %mul3A_325 : vector<16xi32>
      %add3A_328 = arith.constant 1 : i32
      %add3A_329 = vector.broadcast %add3A_328 : i32 to vector<16xi32>
      %add3A_330 = arith.addi %add3A_327, %add3A_329 : vector<16xi32>
      %select_n3A_331 = arith.select %lt3A_316, %get3A_307, %add3A_330 : vector<16xi1>, vector<16xi32>
      %mul3A_332 = arith.constant 2 : i32
      %mul3A_333 = vector.broadcast %mul3A_332 : i32 to vector<16xi32>
      %mul3A_334 = arith.muli %mul3A_333, %add3A_312 : vector<16xi32>
      tpu.vector_store_idx %arg15[%mul3A_334], %select_n3A_322 : memref<128xi32, #tpu.memory_space<vmem>>[vector<16xi32>], vector<16xi32>,
      %mul3A_335 = arith.constant 2 : i32
      %mul3A_336 = vector.broadcast %mul3A_335 : i32 to vector<16xi32>
      %mul3A_337 = arith.muli %mul3A_336, %add3A_312 : vector<16xi32>
      %add3A_338 = arith.constant 1 : i32
      %add3A_339 = vector.broadcast %add3A_338 : i32 to vector<16xi32>
      %add3A_340 = arith.addi %mul3A_337, %add3A_339 : vector<16xi32>
      tpu.vector_store_idx %arg15[%add3A_340], %select_n3A_331 : memref<128xi32, #tpu.memory_space<vmem>>[vector<16xi32>], vector<16xi32>,
      %broadcast_in_dim3A_341 = vector.broadcast %while3A_117#1 : i32 to vector<16xi32>
      %select_n3A_342 = arith.select %lt3A_316, %get3A_309, %broadcast_in_dim3A_341 : vector<16xi1>, vector<16xi32>
      %swap3A_343 = arith.constant 48 : index
      %swap3A_344 = tpu.vector_load %arg16[%swap3A_343] {strides = array<i32>} : memref<64xi32, #tpu.memory_space<vmem>>, vector<16xi32>,
      tpu.vector_store %arg16[%swap3A_343], %select_n3A_342 {strides = array<i32>} : memref<64xi32, #tpu.memory_space<vmem>>, vector<16xi32>,
      %dma_start3A = arith.constant 0 : i32
      %dma_start3A_345 = arith.constant 0 : i32
      %dma_start3A_346 = tpu.memref_slice %arg5[%dma_start3A, %dma_start3A_345] : memref<18304x128xf32, #tpu.memory_space<hbm>> -> memref<18304x128xf32, #tpu.memory_space<hbm>>
      tpu.enqueue_indirect_dma source(%dma_start3A_346 : memref<18304x128xf32, #tpu.memory_space<hbm>>) target(%arg13 : memref<128x128xf32, #tpu.memory_space<vmem>>) offsets(%arg15 : memref<128xi32, #tpu.memory_space<vmem>>) semaphore(%arg18 : memref<!tpu.dma_semaphore, #tpu.memory_space<semaphore_mem>>)
      %dma_wait3A = arith.constant 0 : i32
      %dma_wait3A_347 = arith.constant 0 : i32
      %dma_wait3A_348 = tpu.memref_slice %arg5[%dma_wait3A, %dma_wait3A_347] : memref<18304x128xf32, #tpu.memory_space<hbm>> -> memref<18304x128xf32, #tpu.memory_space<hbm>>
      tpu.wait_indirect_dma semaphore(%arg18 : memref<!tpu.dma_semaphore, #tpu.memory_space<semaphore_mem>>) src(%dma_wait3A_348 : memref<18304x128xf32, #tpu.memory_space<hbm>>) dst(%arg13 : memref<128x128xf32, #tpu.memory_space<vmem>>)
      %scan3A_349 = arith.constant 0 : i32
      %scan3A_350 = arith.constant 64 : i32
      %scan3A_351 = arith.addi %scan3A_349, %scan3A_350 : i32
      %scan3A_352 = arith.constant 1 : i32
      scf.for %scan3A_360 = %scan3A_349 to %scan3A_351 step %scan3A_352  : i32 {
        %mul3A_361 = arith.constant 2 : i32
        %mul3A_362 = arith.muli %mul3A_361, %scan3A_360 : i32
        %add3A_363 = arith.constant 0 : i32
        %add3A_364 = arith.addi %mul3A_362, %add3A_363 : i32
        %get3A_365 = arith.index_cast %add3A_364 : i32 to index
        %get3A_366 = arith.constant 0 : index
        %get3A_367 = tpu.vector_load %arg13[%get3A_365, %get3A_366] {strides = array<i32>} : memref<128x128xf32, #tpu.memory_space<vmem>>, vector<16xf32>,
        %swap3A_368 = arith.index_cast %scan3A_360 : i32 to index
        %swap3A_369 = arith.constant 0 : index
        %swap3A_370 = tpu.vector_load %arg14[%swap3A_368, %swap3A_369] {strides = array<i32>} : memref<64x256xf32, #tpu.memory_space<vmem>>, vector<16xf32>,
        tpu.vector_store %arg14[%swap3A_368, %swap3A_369], %get3A_367 {strides = array<i32>} : memref<64x256xf32, #tpu.memory_space<vmem>>, vector<16xf32>,
        %mul3A_371 = arith.constant 2 : i32
        %mul3A_372 = arith.muli %mul3A_371, %scan3A_360 : i32
        %add3A_373 = arith.constant 0 : i32
        %add3A_374 = arith.addi %mul3A_372, %add3A_373 : i32
        %get3A_375 = arith.index_cast %add3A_374 : i32 to index
        %get3A_376 = arith.constant 16 : index
        %get3A_377 = tpu.vector_load %arg13[%get3A_375, %get3A_376] {strides = array<i32>} : memref<128x128xf32, #tpu.memory_space<vmem>>, vector<16xf32>,
        %swap3A_378 = arith.index_cast %scan3A_360 : i32 to index
        %swap3A_379 = arith.constant 16 : index
        %swap3A_380 = tpu.vector_load %arg14[%swap3A_378, %swap3A_379] {strides = array<i32>} : memref<64x256xf32, #tpu.memory_space<vmem>>, vector<16xf32>,
        tpu.vector_store %arg14[%swap3A_378, %swap3A_379], %get3A_377 {strides = array<i32>} : memref<64x256xf32, #tpu.memory_space<vmem>>, vector<16xf32>,
        %mul3A_381 = arith.constant 2 : i32
        %mul3A_382 = arith.muli %mul3A_381, %scan3A_360 : i32
        %add3A_383 = arith.constant 0 : i32
        %add3A_384 = arith.addi %mul3A_382, %add3A_383 : i32
        %get3A_385 = arith.index_cast %add3A_384 : i32 to index
        %get3A_386 = arith.constant 32 : index
        %get3A_387 = tpu.vector_load %arg13[%get3A_385, %get3A_386] {strides = array<i32>} : memref<128x128xf32, #tpu.memory_space<vmem>>, vector<16xf32>,
        %swap3A_388 = arith.index_cast %scan3A_360 : i32 to index
        %swap3A_389 = arith.constant 32 : index
        %swap3A_390 = tpu.vector_load %arg14[%swap3A_388, %swap3A_389] {strides = array<i32>} : memref<64x256xf32, #tpu.memory_space<vmem>>, vector<16xf32>,
        tpu.vector_store %arg14[%swap3A_388, %swap3A_389], %get3A_387 {strides = array<i32>} : memref<64x256xf32, #tpu.memory_space<vmem>>, vector<16xf32>,
        %mul3A_391 = arith.constant 2 : i32
        %mul3A_392 = arith.muli %mul3A_391, %scan3A_360 : i32
        %add3A_393 = arith.constant 0 : i32
        %add3A_394 = arith.addi %mul3A_392, %add3A_393 : i32
        %get3A_395 = arith.index_cast %add3A_394 : i32 to index
        %get3A_396 = arith.constant 48 : index
        %get3A_397 = tpu.vector_load %arg13[%get3A_395, %get3A_396] {strides = array<i32>} : memref<128x128xf32, #tpu.memory_space<vmem>>, vector<16xf32>,
        %swap3A_398 = arith.index_cast %scan3A_360 : i32 to index
        %swap3A_399 = arith.constant 48 : index
        %swap3A_400 = tpu.vector_load %arg14[%swap3A_398, %swap3A_399] {strides = array<i32>} : memref<64x256xf32, #tpu.memory_space<vmem>>, vector<16xf32>,
        tpu.vector_store %arg14[%swap3A_398, %swap3A_399], %get3A_397 {strides = array<i32>} : memref<64x256xf32, #tpu.memory_space<vmem>>, vector<16xf32>,
        %mul3A_401 = arith.constant 2 : i32
        %mul3A_402 = arith.muli %mul3A_401, %scan3A_360 : i32
        %add3A_403 = arith.constant 0 : i32
        %add3A_404 = arith.addi %mul3A_402, %add3A_403 : i32
        %get3A_405 = arith.index_cast %add3A_404 : i32 to index
        %get3A_406 = arith.constant 64 : index
        %get3A_407 = tpu.vector_load %arg13[%get3A_405, %get3A_406] {strides = array<i32>} : memref<128x128xf32, #tpu.memory_space<vmem>>, vector<16xf32>,
        %swap3A_408 = arith.index_cast %scan3A_360 : i32 to index
        %swap3A_409 = arith.constant 64 : index
        %swap3A_410 = tpu.vector_load %arg14[%swap3A_408, %swap3A_409] {strides = array<i32>} : memref<64x256xf32, #tpu.memory_space<vmem>>, vector<16xf32>,
        tpu.vector_store %arg14[%swap3A_408, %swap3A_409], %get3A_407 {strides = array<i32>} : memref<64x256xf32, #tpu.memory_space<vmem>>, vector<16xf32>,
        %mul3A_411 = arith.constant 2 : i32
        %mul3A_412 = arith.muli %mul3A_411, %scan3A_360 : i32
        %add3A_413 = arith.constant 0 : i32
        %add3A_414 = arith.addi %mul3A_412, %add3A_413 : i32
        %get3A_415 = arith.index_cast %add3A_414 : i32 to index
        %get3A_416 = arith.constant 80 : index
        %get3A_417 = tpu.vector_load %arg13[%get3A_415, %get3A_416] {strides = array<i32>} : memref<128x128xf32, #tpu.memory_space<vmem>>, vector<16xf32>,
        %swap3A_418 = arith.index_cast %scan3A_360 : i32 to index
        %swap3A_419 = arith.constant 80 : index
        %swap3A_420 = tpu.vector_load %arg14[%swap3A_418, %swap3A_419] {strides = array<i32>} : memref<64x256xf32, #tpu.memory_space<vmem>>, vector<16xf32>,
        tpu.vector_store %arg14[%swap3A_418, %swap3A_419], %get3A_417 {strides = array<i32>} : memref<64x256xf32, #tpu.memory_space<vmem>>, vector<16xf32>,
        %mul3A_421 = arith.constant 2 : i32
        %mul3A_422 = arith.muli %mul3A_421, %scan3A_360 : i32
        %add3A_423 = arith.constant 0 : i32
        %add3A_424 = arith.addi %mul3A_422, %add3A_423 : i32
        %get3A_425 = arith.index_cast %add3A_424 : i32 to index
        %get3A_426 = arith.constant 96 : index
        %get3A_427 = tpu.vector_load %arg13[%get3A_425, %get3A_426] {strides = array<i32>} : memref<128x128xf32, #tpu.memory_space<vmem>>, vector<16xf32>,
        %swap3A_428 = arith.index_cast %scan3A_360 : i32 to index
        %swap3A_429 = arith.constant 96 : index
        %swap3A_430 = tpu.vector_load %arg14[%swap3A_428, %swap3A_429] {strides = array<i32>} : memref<64x256xf32, #tpu.memory_space<vmem>>, vector<16xf32>,
        tpu.vector_store %arg14[%swap3A_428, %swap3A_429], %get3A_427 {strides = array<i32>} : memref<64x256xf32, #tpu.memory_space<vmem>>, vector<16xf32>,
        %mul3A_431 = arith.constant 2 : i32
        %mul3A_432 = arith.muli %mul3A_431, %scan3A_360 : i32
        %add3A_433 = arith.constant 0 : i32
        %add3A_434 = arith.addi %mul3A_432, %add3A_433 : i32
        %get3A_435 = arith.index_cast %add3A_434 : i32 to index
        %get3A_436 = arith.constant 112 : index
        %get3A_437 = tpu.vector_load %arg13[%get3A_435, %get3A_436] {strides = array<i32>} : memref<128x128xf32, #tpu.memory_space<vmem>>, vector<16xf32>,
        %swap3A_438 = arith.index_cast %scan3A_360 : i32 to index
        %swap3A_439 = arith.constant 112 : index
        %swap3A_440 = tpu.vector_load %arg14[%swap3A_438, %swap3A_439] {strides = array<i32>} : memref<64x256xf32, #tpu.memory_space<vmem>>, vector<16xf32>,
        tpu.vector_store %arg14[%swap3A_438, %swap3A_439], %get3A_437 {strides = array<i32>} : memref<64x256xf32, #tpu.memory_space<vmem>>, vector<16xf32>,
        %mul3A_441 = arith.constant 2 : i32
        %mul3A_442 = arith.muli %mul3A_441, %scan3A_360 : i32
        %add3A_443 = arith.constant 1 : i32
        %add3A_444 = arith.addi %mul3A_442, %add3A_443 : i32
        %get3A_445 = arith.index_cast %add3A_444 : i32 to index
        %get3A_446 = arith.constant 0 : index
        %get3A_447 = tpu.vector_load %arg13[%get3A_445, %get3A_446] {strides = array<i32>} : memref<128x128xf32, #tpu.memory_space<vmem>>, vector<16xf32>,
        %swap3A_448 = arith.index_cast %scan3A_360 : i32 to index
        %swap3A_449 = arith.constant 128 : index
        %swap3A_450 = tpu.vector_load %arg14[%swap3A_448, %swap3A_449] {strides = array<i32>} : memref<64x256xf32, #tpu.memory_space<vmem>>, vector<16xf32>,
        tpu.vector_store %arg14[%swap3A_448, %swap3A_449], %get3A_447 {strides = array<i32>} : memref<64x256xf32, #tpu.memory_space<vmem>>, vector<16xf32>,
        %mul3A_451 = arith.constant 2 : i32
        %mul3A_452 = arith.muli %mul3A_451, %scan3A_360 : i32
        %add3A_453 = arith.constant 1 : i32
        %add3A_454 = arith.addi %mul3A_452, %add3A_453 : i32
        %get3A_455 = arith.index_cast %add3A_454 : i32 to index
        %get3A_456 = arith.constant 16 : index
        %get3A_457 = tpu.vector_load %arg13[%get3A_455, %get3A_456] {strides = array<i32>} : memref<128x128xf32, #tpu.memory_space<vmem>>, vector<16xf32>,
        %swap3A_458 = arith.index_cast %scan3A_360 : i32 to index
        %swap3A_459 = arith.constant 144 : index
        %swap3A_460 = tpu.vector_load %arg14[%swap3A_458, %swap3A_459] {strides = array<i32>} : memref<64x256xf32, #tpu.memory_space<vmem>>, vector<16xf32>,
        tpu.vector_store %arg14[%swap3A_458, %swap3A_459], %get3A_457 {strides = array<i32>} : memref<64x256xf32, #tpu.memory_space<vmem>>, vector<16xf32>,
        %mul3A_461 = arith.constant 2 : i32
        %mul3A_462 = arith.muli %mul3A_461, %scan3A_360 : i32
        %add3A_463 = arith.constant 1 : i32
        %add3A_464 = arith.addi %mul3A_462, %add3A_463 : i32
        %get3A_465 = arith.index_cast %add3A_464 : i32 to index
        %get3A_466 = arith.constant 32 : index
        %get3A_467 = tpu.vector_load %arg13[%get3A_465, %get3A_466] {strides = array<i32>} : memref<128x128xf32, #tpu.memory_space<vmem>>, vector<16xf32>,
        %swap3A_468 = arith.index_cast %scan3A_360 : i32 to index
        %swap3A_469 = arith.constant 160 : index
        %swap3A_470 = tpu.vector_load %arg14[%swap3A_468, %swap3A_469] {strides = array<i32>} : memref<64x256xf32, #tpu.memory_space<vmem>>, vector<16xf32>,
        tpu.vector_store %arg14[%swap3A_468, %swap3A_469], %get3A_467 {strides = array<i32>} : memref<64x256xf32, #tpu.memory_space<vmem>>, vector<16xf32>,
        %mul3A_471 = arith.constant 2 : i32
        %mul3A_472 = arith.muli %mul3A_471, %scan3A_360 : i32
        %add3A_473 = arith.constant 1 : i32
        %add3A_474 = arith.addi %mul3A_472, %add3A_473 : i32
        %get3A_475 = arith.index_cast %add3A_474 : i32 to index
        %get3A_476 = arith.constant 48 : index
        %get3A_477 = tpu.vector_load %arg13[%get3A_475, %get3A_476] {strides = array<i32>} : memref<128x128xf32, #tpu.memory_space<vmem>>, vector<16xf32>,
        %swap3A_478 = arith.index_cast %scan3A_360 : i32 to index
        %swap3A_479 = arith.constant 176 : index
        %swap3A_480 = tpu.vector_load %arg14[%swap3A_478, %swap3A_479] {strides = array<i32>} : memref<64x256xf32, #tpu.memory_space<vmem>>, vector<16xf32>,
        tpu.vector_store %arg14[%swap3A_478, %swap3A_479], %get3A_477 {strides = array<i32>} : memref<64x256xf32, #tpu.memory_space<vmem>>, vector<16xf32>,
        %mul3A_481 = arith.constant 2 : i32
        %mul3A_482 = arith.muli %mul3A_481, %scan3A_360 : i32
        %add3A_483 = arith.constant 1 : i32
        %add3A_484 = arith.addi %mul3A_482, %add3A_483 : i32
        %get3A_485 = arith.index_cast %add3A_484 : i32 to index
        %get3A_486 = arith.constant 64 : index
        %get3A_487 = tpu.vector_load %arg13[%get3A_485, %get3A_486] {strides = array<i32>} : memref<128x128xf32, #tpu.memory_space<vmem>>, vector<16xf32>,
        %swap3A_488 = arith.index_cast %scan3A_360 : i32 to index
        %swap3A_489 = arith.constant 192 : index
        %swap3A_490 = tpu.vector_load %arg14[%swap3A_488, %swap3A_489] {strides = array<i32>} : memref<64x256xf32, #tpu.memory_space<vmem>>, vector<16xf32>,
        tpu.vector_store %arg14[%swap3A_488, %swap3A_489], %get3A_487 {strides = array<i32>} : memref<64x256xf32, #tpu.memory_space<vmem>>, vector<16xf32>,
        %mul3A_491 = arith.constant 2 : i32
        %mul3A_492 = arith.muli %mul3A_491, %scan3A_360 : i32
        %add3A_493 = arith.constant 1 : i32
        %add3A_494 = arith.addi %mul3A_492, %add3A_493 : i32
        %get3A_495 = arith.index_cast %add3A_494 : i32 to index
        %get3A_496 = arith.constant 80 : index
        %get3A_497 = tpu.vector_load %arg13[%get3A_495, %get3A_496] {strides = array<i32>} : memref<128x128xf32, #tpu.memory_space<vmem>>, vector<16xf32>,
        %swap3A_498 = arith.index_cast %scan3A_360 : i32 to index
        %swap3A_499 = arith.constant 208 : index
        %swap3A_500 = tpu.vector_load %arg14[%swap3A_498, %swap3A_499] {strides = array<i32>} : memref<64x256xf32, #tpu.memory_space<vmem>>, vector<16xf32>,
        tpu.vector_store %arg14[%swap3A_498, %swap3A_499], %get3A_497 {strides = array<i32>} : memref<64x256xf32, #tpu.memory_space<vmem>>, vector<16xf32>,
        %mul3A_501 = arith.constant 2 : i32
        %mul3A_502 = arith.muli %mul3A_501, %scan3A_360 : i32
        %add3A_503 = arith.constant 1 : i32
        %add3A_504 = arith.addi %mul3A_502, %add3A_503 : i32
        %get3A_505 = arith.index_cast %add3A_504 : i32 to index
        %get3A_506 = arith.constant 96 : index
        %get3A_507 = tpu.vector_load %arg13[%get3A_505, %get3A_506] {strides = array<i32>} : memref<128x128xf32, #tpu.memory_space<vmem>>, vector<16xf32>,
        %swap3A_508 = arith.index_cast %scan3A_360 : i32 to index
        %swap3A_509 = arith.constant 224 : index
        %swap3A_510 = tpu.vector_load %arg14[%swap3A_508, %swap3A_509] {strides = array<i32>} : memref<64x256xf32, #tpu.memory_space<vmem>>, vector<16xf32>,
        tpu.vector_store %arg14[%swap3A_508, %swap3A_509], %get3A_507 {strides = array<i32>} : memref<64x256xf32, #tpu.memory_space<vmem>>, vector<16xf32>,
        %mul3A_511 = arith.constant 2 : i32
        %mul3A_512 = arith.muli %mul3A_511, %scan3A_360 : i32
        %add3A_513 = arith.constant 1 : i32
        %add3A_514 = arith.addi %mul3A_512, %add3A_513 : i32
        %get3A_515 = arith.index_cast %add3A_514 : i32 to index
        %get3A_516 = arith.constant 112 : index
        %get3A_517 = tpu.vector_load %arg13[%get3A_515, %get3A_516] {strides = array<i32>} : memref<128x128xf32, #tpu.memory_space<vmem>>, vector<16xf32>,
        %swap3A_518 = arith.index_cast %scan3A_360 : i32 to index
        %swap3A_519 = arith.constant 240 : index
        %swap3A_520 = tpu.vector_load %arg14[%swap3A_518, %swap3A_519] {strides = array<i32>} : memref<64x256xf32, #tpu.memory_space<vmem>>, vector<16xf32>,
        tpu.vector_store %arg14[%swap3A_518, %swap3A_519], %get3A_517 {strides = array<i32>} : memref<64x256xf32, #tpu.memory_space<vmem>>, vector<16xf32>,
      }
      %scan3A_353 = arith.constant 64 : i32
      %dma_start3A_354 = arith.constant 0 : i32
      %dma_start3A_355 = arith.constant 0 : i32
      %dma_start3A_356 = tpu.memref_slice %arg6[%dma_start3A_354, %dma_start3A_355] : memref<320000x256xf32, #tpu.memory_space<hbm>> -> memref<320000x256xf32, #tpu.memory_space<hbm>>
      tpu.enqueue_indirect_dma source(%arg14 : memref<64x256xf32, #tpu.memory_space<vmem>>) target(%dma_start3A_356 : memref<320000x256xf32, #tpu.memory_space<hbm>>) offsets(%arg16 : memref<64xi32, #tpu.memory_space<vmem>>) semaphore(%arg19 : memref<!tpu.dma_semaphore, #tpu.memory_space<semaphore_mem>>)
      %dma_wait3A_357 = arith.constant 0 : i32
      %dma_wait3A_358 = arith.constant 0 : i32
      %dma_wait3A_359 = tpu.memref_slice %arg6[%dma_wait3A_357, %dma_wait3A_358] : memref<320000x256xf32, #tpu.memory_space<hbm>> -> memref<320000x256xf32, #tpu.memory_space<hbm>>
      tpu.wait_indirect_dma semaphore(%arg19 : memref<!tpu.dma_semaphore, #tpu.memory_space<semaphore_mem>>) src(%arg14 : memref<64x256xf32, #tpu.memory_space<vmem>>) dst(%dma_wait3A_359 : memref<320000x256xf32, #tpu.memory_space<hbm>>)
    }
    return
  }
}

#map = affine_map<(d0, d1) -> (0)>
#map1 = affine_map<(d0, d1) -> (0, 0)>
module attributes {stable_mosaic.version = 14 : i64} {
  func.func @_scatter_agg_body(%arg0: i32, %arg1: i32, %arg2: memref<1600xi32, #tpu.memory_space<hbm>>, %arg3: memref<320000xi32, #tpu.memory_space<hbm>>, %arg4: memref<320000xi32, #tpu.memory_space<hbm>>, %arg5: memref<10112x128xf32, #tpu.memory_space<hbm>>, %arg6: memref<10112x128xf32, #tpu.memory_space<hbm>>, %arg7: memref<20224x128xf32, #tpu.memory_space<hbm>>, %arg8: memref<10112xi32, #tpu.memory_space<vmem>>, %arg9: memref<1600xi32, #tpu.memory_space<vmem>>, %arg10: memref<10048xi32, #tpu.memory_space<vmem>>, %arg11: memref<10048xi32, #tpu.memory_space<vmem>>, %arg12: memref<64xi32, #tpu.memory_space<vmem>>, %arg13: memref<64xi32, #tpu.memory_space<vmem>>, %arg14: memref<64x128xf32, #tpu.memory_space<vmem>>, %arg15: memref<10112x128xf32, #tpu.memory_space<vmem_shared>>, %arg16: memref<!tpu.dma_semaphore, #tpu.memory_space<semaphore_mem>>, %arg17: memref<!tpu.dma_semaphore, #tpu.memory_space<semaphore_mem>>) attributes {dimension_semantics = [#tpu.dimension_semantics<core_parallel>, #tpu.dimension_semantics<subcore_parallel>], iteration_bounds = array<i64: 2, 16>, scalar_prefetch = 0 : i64, scratch_operands = 10 : i64, tpu.core_type = #tpu.core_type<sc_vector_subcore>, window_params = [{transform_indices = #map}, {transform_indices = #map}, {transform_indices = #map}, {transform_indices = #map1}, {transform_indices = #map1}, {transform_indices = #map1}]} {
    %mul3A = arith.constant 16 : i32
    %mul3A_0 = arith.muli %arg0, %mul3A : i32
    %add3A = arith.addi %mul3A_0, %arg1 : i32
    %mul3A_1 = arith.constant 632 : i32
    %mul3A_2 = arith.muli %arg1, %mul3A_1 : i32
    %mul3A_3 = arith.constant 632 : i32
    %mul3A_4 = arith.muli %arg1, %mul3A_3 : i32
    "tpu.region"() ({
      %run_scoped3A = tpu.sem_alloc : memref<!tpu.dma_semaphore, #tpu.memory_space<semaphore_mem>>
      %dma_start3A = arith.constant 0 : i32
      %dma_start3A_152 = tpu.memref_slice %arg15[%mul3A_4, %dma_start3A] : memref<10112x128xf32, #tpu.memory_space<vmem_shared>> -> memref<632x128xf32, #tpu.memory_space<vmem_shared>>
      %dma_start3A_153 = arith.constant 0 : i32
      %dma_start3A_154 = tpu.memref_slice %arg6[%mul3A_2, %dma_start3A_153] : memref<10112x128xf32, #tpu.memory_space<hbm>> -> memref<632x128xf32, #tpu.memory_space<hbm>>
      tpu.enqueue_dma source(%dma_start3A_154 : memref<632x128xf32, #tpu.memory_space<hbm>>) target(%dma_start3A_152 : memref<632x128xf32, #tpu.memory_space<vmem_shared>>) target_semaphore(%run_scoped3A : memref<!tpu.dma_semaphore, #tpu.memory_space<semaphore_mem>>)
      %dma_wait3A = arith.constant 0 : i32
      %dma_wait3A_155 = tpu.memref_slice %arg15[%mul3A_4, %dma_wait3A] : memref<10112x128xf32, #tpu.memory_space<vmem_shared>> -> memref<632x128xf32, #tpu.memory_space<vmem_shared>>
      %dma_wait3A_156 = arith.constant 0 : i32
      %dma_wait3A_157 = tpu.memref_slice %arg6[%mul3A_2, %dma_wait3A_156] : memref<10112x128xf32, #tpu.memory_space<hbm>> -> memref<632x128xf32, #tpu.memory_space<hbm>>
      tpu.wait_dma2 semaphore(%run_scoped3A : memref<!tpu.dma_semaphore, #tpu.memory_space<semaphore_mem>>) src(%dma_wait3A_157 : memref<632x128xf32, #tpu.memory_space<hbm>>) dst(%dma_wait3A_155 : memref<632x128xf32, #tpu.memory_space<vmem_shared>>)
      tpu.yield
    }) : () -> ()
    "tpu.region"() ({
      %run_scoped3A = tpu.sem_alloc : memref<!tpu.dma_semaphore, #tpu.memory_space<semaphore_mem>>
      tpu.enqueue_dma source(%arg2 : memref<1600xi32, #tpu.memory_space<hbm>>) target(%arg9 : memref<1600xi32, #tpu.memory_space<vmem>>) target_semaphore(%run_scoped3A : memref<!tpu.dma_semaphore, #tpu.memory_space<semaphore_mem>>)
      tpu.wait_dma2 semaphore(%run_scoped3A : memref<!tpu.dma_semaphore, #tpu.memory_space<semaphore_mem>>) src(%arg2 : memref<1600xi32, #tpu.memory_space<hbm>>) dst(%arg9 : memref<1600xi32, #tpu.memory_space<vmem>>)
      tpu.yield
    }) : () -> ()
    %scan3A = arith.constant 0 : i32
    %scan3A_5 = arith.constant 632 : i32
    %scan3A_6 = arith.addi %scan3A, %scan3A_5 : i32
    %scan3A_7 = arith.constant 1 : i32
    scf.for %scan3A_152 = %scan3A to %scan3A_6 step %scan3A_7  : i32 {
      %broadcast_in_dim3A_153 = arith.constant 0 : i32
      %broadcast_in_dim3A_154 = vector.broadcast %broadcast_in_dim3A_153 : i32 to vector<16xi32>
      %mul3A_155 = arith.constant 16 : i32
      %mul3A_156 = arith.muli %scan3A_152, %mul3A_155 : i32
      %swap3A = arith.index_cast %mul3A_156 : i32 to index
      %swap3A_157 = tpu.vector_load %arg8[%swap3A] {strides = array<i32>} : memref<10112xi32, #tpu.memory_space<vmem>>, vector<16xi32>,
      tpu.vector_store %arg8[%swap3A], %broadcast_in_dim3A_154 {strides = array<i32>} : memref<10112xi32, #tpu.memory_space<vmem>>, vector<16xi32>,
    }
    %scan3A_8 = arith.constant 632 : i32
    %broadcast_in_dim3A = arith.constant 1 : i32
    %broadcast_in_dim3A_9 = vector.broadcast %broadcast_in_dim3A : i32 to vector<16xi32>
    %scan3A_10 = arith.constant 0 : i32
    %scan3A_11 = arith.constant 100 : i32
    %scan3A_12 = arith.addi %scan3A_10, %scan3A_11 : i32
    %scan3A_13 = arith.constant 1 : i32
    scf.for %scan3A_152 = %scan3A_10 to %scan3A_12 step %scan3A_13  : i32 {
      %mul3A_153 = arith.constant 16 : i32
      %mul3A_154 = arith.muli %scan3A_152, %mul3A_153 : i32
      %get3A = arith.index_cast %mul3A_154 : i32 to index
      %get3A_155 = tpu.vector_load %arg9[%get3A] {strides = array<i32>} : memref<1600xi32, #tpu.memory_space<vmem>>, vector<16xi32>,
      tpu.vector_store_idx %arg8[%get3A_155], %broadcast_in_dim3A_9 : memref<10112xi32, #tpu.memory_space<vmem>>[vector<16xi32>], vector<16xi32>,
    }
    %scan3A_14 = arith.constant 100 : i32
    %mul3A_15 = arith.constant 156 : i32
    %mul3A_16 = arith.muli %add3A, %mul3A_15 : i32
    %jit3A = arith.constant 4 : i32
    %div3A = arith.divsi %add3A, %jit3A : i32
    %sign3A = arith.constant 0 : i32
    %sign3A_17 = arith.cmpi sgt, %add3A, %sign3A : i32
    %sign3A_18 = arith.extui %sign3A_17 : i1 to i32
    %sign3A_19 = arith.constant 0 : i32
    %sign3A_20 = arith.cmpi slt, %add3A, %sign3A_19 : i32
    %sign3A_21 = arith.extui %sign3A_20 : i1 to i32
    %sign3A_22 = arith.subi %sign3A_18, %sign3A_21 : i32
    %sign3A_23 = arith.constant 0 : i32
    %sign3A_24 = arith.cmpi sgt, %jit3A, %sign3A_23 : i32
    %sign3A_25 = arith.extui %sign3A_24 : i1 to i32
    %sign3A_26 = arith.constant 0 : i32
    %sign3A_27 = arith.cmpi slt, %jit3A, %sign3A_26 : i32
    %sign3A_28 = arith.extui %sign3A_27 : i1 to i32
    %sign3A_29 = arith.subi %sign3A_25, %sign3A_28 : i32
    %ne3A = arith.cmpi ne, %sign3A_22, %sign3A_29 : i32
    %rem3A = arith.remsi %add3A, %jit3A : i32
    %ne3A_30 = arith.constant 0 : i32
    %ne3A_31 = arith.cmpi ne, %rem3A, %ne3A_30 : i32
    %and3A = arith.andi %ne3A, %ne3A_31 : i1
    %sub3A = arith.constant 1 : i32
    %sub3A_32 = arith.subi %div3A, %sub3A : i32
    %select_n3A = arith.select %and3A, %sub3A_32, %div3A : i32
    %add3A_33 = arith.addi %mul3A_16, %select_n3A : i32
    %add3A_34 = arith.constant 1 : i32
    %add3A_35 = arith.addi %add3A, %add3A_34 : i32
    %mul3A_36 = arith.constant 156 : i32
    %mul3A_37 = arith.muli %add3A_35, %mul3A_36 : i32
    %add3A_38 = arith.constant 1 : i32
    %add3A_39 = arith.addi %add3A, %add3A_38 : i32
    %jit3A_40 = arith.constant 4 : i32
    %div3A_41 = arith.divsi %add3A_39, %jit3A_40 : i32
    %sign3A_42 = arith.constant 0 : i32
    %sign3A_43 = arith.cmpi sgt, %add3A_39, %sign3A_42 : i32
    %sign3A_44 = arith.extui %sign3A_43 : i1 to i32
    %sign3A_45 = arith.constant 0 : i32
    %sign3A_46 = arith.cmpi slt, %add3A_39, %sign3A_45 : i32
    %sign3A_47 = arith.extui %sign3A_46 : i1 to i32
    %sign3A_48 = arith.subi %sign3A_44, %sign3A_47 : i32
    %sign3A_49 = arith.constant 0 : i32
    %sign3A_50 = arith.cmpi sgt, %jit3A_40, %sign3A_49 : i32
    %sign3A_51 = arith.extui %sign3A_50 : i1 to i32
    %sign3A_52 = arith.constant 0 : i32
    %sign3A_53 = arith.cmpi slt, %jit3A_40, %sign3A_52 : i32
    %sign3A_54 = arith.extui %sign3A_53 : i1 to i32
    %sign3A_55 = arith.subi %sign3A_51, %sign3A_54 : i32
    %ne3A_56 = arith.cmpi ne, %sign3A_48, %sign3A_55 : i32
    %rem3A_57 = arith.remsi %add3A_39, %jit3A_40 : i32
    %ne3A_58 = arith.constant 0 : i32
    %ne3A_59 = arith.cmpi ne, %rem3A_57, %ne3A_58 : i32
    %and3A_60 = arith.andi %ne3A_56, %ne3A_59 : i1
    %sub3A_61 = arith.constant 1 : i32
    %sub3A_62 = arith.subi %div3A_41, %sub3A_61 : i32
    %select_n3A_63 = arith.select %and3A_60, %sub3A_62, %div3A_41 : i32
    %add3A_64 = arith.addi %mul3A_37, %select_n3A_63 : i32
    %mul3A_65 = arith.constant 64 : i32
    %mul3A_66 = arith.muli %add3A_33, %mul3A_65 : i32
    "tpu.region"() ({
      %run_scoped3A = tpu.sem_alloc : memref<!tpu.dma_semaphore, #tpu.memory_space<semaphore_mem>>
      %dma_start3A = tpu.memref_slice %arg3[%mul3A_66] : memref<320000xi32, #tpu.memory_space<hbm>> -> memref<10048xi32, #tpu.memory_space<hbm>>
      %dma_start3A_152 = tpu.memref_slice %arg3[%mul3A_66] : memref<320000xi32, #tpu.memory_space<hbm>> -> memref<10048xi32, #tpu.memory_space<hbm>>
      tpu.enqueue_dma source(%dma_start3A_152 : memref<10048xi32, #tpu.memory_space<hbm>>) target(%arg10 : memref<10048xi32, #tpu.memory_space<vmem>>) target_semaphore(%run_scoped3A : memref<!tpu.dma_semaphore, #tpu.memory_space<semaphore_mem>>)
      %dma_wait3A = tpu.memref_slice %arg3[%mul3A_66] : memref<320000xi32, #tpu.memory_space<hbm>> -> memref<10048xi32, #tpu.memory_space<hbm>>
      %dma_wait3A_153 = tpu.memref_slice %arg3[%mul3A_66] : memref<320000xi32, #tpu.memory_space<hbm>> -> memref<10048xi32, #tpu.memory_space<hbm>>
      tpu.wait_dma2 semaphore(%run_scoped3A : memref<!tpu.dma_semaphore, #tpu.memory_space<semaphore_mem>>) src(%dma_wait3A_153 : memref<10048xi32, #tpu.memory_space<hbm>>) dst(%arg10 : memref<10048xi32, #tpu.memory_space<vmem>>)
      tpu.yield
    }) : () -> ()
    "tpu.region"() ({
      %run_scoped3A = tpu.sem_alloc : memref<!tpu.dma_semaphore, #tpu.memory_space<semaphore_mem>>
      %dma_start3A = tpu.memref_slice %arg4[%mul3A_66] : memref<320000xi32, #tpu.memory_space<hbm>> -> memref<10048xi32, #tpu.memory_space<hbm>>
      %dma_start3A_152 = tpu.memref_slice %arg4[%mul3A_66] : memref<320000xi32, #tpu.memory_space<hbm>> -> memref<10048xi32, #tpu.memory_space<hbm>>
      tpu.enqueue_dma source(%dma_start3A_152 : memref<10048xi32, #tpu.memory_space<hbm>>) target(%arg11 : memref<10048xi32, #tpu.memory_space<vmem>>) target_semaphore(%run_scoped3A : memref<!tpu.dma_semaphore, #tpu.memory_space<semaphore_mem>>)
      %dma_wait3A = tpu.memref_slice %arg4[%mul3A_66] : memref<320000xi32, #tpu.memory_space<hbm>> -> memref<10048xi32, #tpu.memory_space<hbm>>
      %dma_wait3A_153 = tpu.memref_slice %arg4[%mul3A_66] : memref<320000xi32, #tpu.memory_space<hbm>> -> memref<10048xi32, #tpu.memory_space<hbm>>
      tpu.wait_dma2 semaphore(%run_scoped3A : memref<!tpu.dma_semaphore, #tpu.memory_space<semaphore_mem>>) src(%dma_wait3A_153 : memref<10048xi32, #tpu.memory_space<hbm>>) dst(%arg11 : memref<10048xi32, #tpu.memory_space<vmem>>)
      tpu.yield
    }) : () -> ()
    %barrier3A = arith.constant 0 : index
    tpu.barrier barrier_id(%barrier3A)
    %sub3A_67 = arith.subi %add3A_64, %add3A_33 : i32
    %mul3A_68 = arith.constant 64 : i32
    %mul3A_69 = arith.muli %sub3A_67, %mul3A_68 : i32
    %iota3A = tpu.iota {dimensions = array<i32: 0>} : vector<16xi32>
    %jit3A_70 = arith.constant 16 : i32
    %div3A_71 = arith.divsi %mul3A_69, %jit3A_70 : i32
    %sign3A_72 = arith.constant 0 : i32
    %sign3A_73 = arith.cmpi sgt, %mul3A_69, %sign3A_72 : i32
    %sign3A_74 = arith.extui %sign3A_73 : i1 to i32
    %sign3A_75 = arith.constant 0 : i32
    %sign3A_76 = arith.cmpi slt, %mul3A_69, %sign3A_75 : i32
    %sign3A_77 = arith.extui %sign3A_76 : i1 to i32
    %sign3A_78 = arith.subi %sign3A_74, %sign3A_77 : i32
    %sign3A_79 = arith.constant 0 : i32
    %sign3A_80 = arith.cmpi sgt, %jit3A_70, %sign3A_79 : i32
    %sign3A_81 = arith.extui %sign3A_80 : i1 to i32
    %sign3A_82 = arith.constant 0 : i32
    %sign3A_83 = arith.cmpi slt, %jit3A_70, %sign3A_82 : i32
    %sign3A_84 = arith.extui %sign3A_83 : i1 to i32
    %sign3A_85 = arith.subi %sign3A_81, %sign3A_84 : i32
    %ne3A_86 = arith.cmpi ne, %sign3A_78, %sign3A_85 : i32
    %rem3A_87 = arith.remsi %mul3A_69, %jit3A_70 : i32
    %ne3A_88 = arith.constant 0 : i32
    %ne3A_89 = arith.cmpi ne, %rem3A_87, %ne3A_88 : i32
    %and3A_90 = arith.andi %ne3A_86, %ne3A_89 : i1
    %sub3A_91 = arith.constant 1 : i32
    %sub3A_92 = arith.subi %div3A_71, %sub3A_91 : i32
    %select_n3A_93 = arith.select %and3A_90, %sub3A_92, %div3A_71 : i32
    %while3A = arith.constant 0 : i32
    %while3A_94 = arith.constant 0 : i32
    %while3A_95 = arith.subi %select_n3A_93, %while3A : i32
    %while3A_96 = arith.addi %while3A, %while3A_95 : i32
    %while3A_97 = arith.constant 1 : i32
    %while3A_98 = arith.divsi %while3A_95, %while3A_97 : i32
    %while3A_99 = arith.muli %while3A_98, %while3A_97 : i32
    %while3A_100 = arith.addi %while3A, %while3A_99 : i32
    %while3A_101 = arith.constant 1 : i32
    %while3A_102 = scf.for %while3A_152 = %while3A to %while3A_100 step %while3A_101 iter_args(%while3A_153 = %while3A_94) -> (i32)  : i32 {
      %mul3A_154 = arith.constant 16 : i32
      %mul3A_155 = arith.muli %while3A_152, %mul3A_154 : i32
      %get3A = arith.index_cast %mul3A_155 : i32 to index
      %get3A_156 = tpu.vector_load %arg10[%get3A] {strides = array<i32>} : memref<10048xi32, #tpu.memory_space<vmem>>, vector<16xi32>,
      %get3A_157 = arith.index_cast %mul3A_155 : i32 to index
      %get3A_158 = tpu.vector_load %arg11[%get3A_157] {strides = array<i32>} : memref<10048xi32, #tpu.memory_space<vmem>>, vector<16xi32>,
      %gather3A = tpu.vector_load_idx %arg8[%get3A_156] : memref<10112xi32, #tpu.memory_space<vmem>>[vector<16xi32>], vector<16xi32>,
      %gather3A_159 = tpu.vector_load_idx %arg8[%get3A_158] : memref<10112xi32, #tpu.memory_space<vmem>>[vector<16xi32>], vector<16xi32>,
      %and3A_160 = arith.andi %gather3A, %gather3A_159 : vector<16xi32>
      %ne3A_161 = arith.constant 0 : i32
      %ne3A_162 = vector.broadcast %ne3A_161 : i32 to vector<16xi32>
      %ne3A_163 = arith.cmpi ne, %and3A_160, %ne3A_162 : vector<16xi32>
      %convert_element_type3A_164 = arith.extui %ne3A_163 : vector<16xi1> to vector<16xi32>
      %broadcast_in_dim3A_165 = arith.constant true
      %broadcast_in_dim3A_166 = vector.broadcast %broadcast_in_dim3A_165 : i1 to vector<16xi1>
      %masked_cumsum3A = tpu.scan <sum>, %convert_element_type3A_164 masked %broadcast_in_dim3A_166 : vector<16xi32>, vector<16xi1> -> vector<16xi32>
      %add3A_167 = vector.broadcast %while3A_153 : i32 to vector<16xi32>
      %add3A_168 = arith.addi %add3A_167, %masked_cumsum3A : vector<16xi32>
      %sub3A_169 = arith.subi %add3A_168, %convert_element_type3A_164 : vector<16xi32>
      tpu.vector_store_idx %arg10[%sub3A_169], %get3A_156 masked %ne3A_163 : memref<10048xi32, #tpu.memory_space<vmem>>[vector<16xi32>], vector<16xi32>, vector<16xi1>
      tpu.vector_store_idx %arg11[%sub3A_169], %get3A_158 masked %ne3A_163 : memref<10048xi32, #tpu.memory_space<vmem>>[vector<16xi32>], vector<16xi32>, vector<16xi1>
      %slice3A = vector.extract_strided_slice %masked_cumsum3A {offsets = [15], sizes = [1], strides = [1]} : vector<16xi32> to vector<1xi32>
      %squeeze3A = vector.extract %slice3A[0] : i32 from vector<1xi32>
      %add3A_170 = arith.addi %while3A_153, %squeeze3A : i32
      scf.yield %add3A_170 : i32
    }
    %while3A_103 = arith.constant 1 : i32
    %while3A_104 = scf.for %while3A_152 = %while3A_100 to %while3A_96 step %while3A_103 iter_args(%while3A_153 = %while3A_102) -> (i32)  : i32 {
      %mul3A_154 = arith.constant 16 : i32
      %mul3A_155 = arith.muli %while3A_152, %mul3A_154 : i32
      %get3A = arith.index_cast %mul3A_155 : i32 to index
      %get3A_156 = tpu.vector_load %arg10[%get3A] {strides = array<i32>} : memref<10048xi32, #tpu.memory_space<vmem>>, vector<16xi32>,
      %get3A_157 = arith.index_cast %mul3A_155 : i32 to index
      %get3A_158 = tpu.vector_load %arg11[%get3A_157] {strides = array<i32>} : memref<10048xi32, #tpu.memory_space<vmem>>, vector<16xi32>,
      %gather3A = tpu.vector_load_idx %arg8[%get3A_156] : memref<10112xi32, #tpu.memory_space<vmem>>[vector<16xi32>], vector<16xi32>,
      %gather3A_159 = tpu.vector_load_idx %arg8[%get3A_158] : memref<10112xi32, #tpu.memory_space<vmem>>[vector<16xi32>], vector<16xi32>,
      %and3A_160 = arith.andi %gather3A, %gather3A_159 : vector<16xi32>
      %ne3A_161 = arith.constant 0 : i32
      %ne3A_162 = vector.broadcast %ne3A_161 : i32 to vector<16xi32>
      %ne3A_163 = arith.cmpi ne, %and3A_160, %ne3A_162 : vector<16xi32>
      %convert_element_type3A_164 = arith.extui %ne3A_163 : vector<16xi1> to vector<16xi32>
      %broadcast_in_dim3A_165 = arith.constant true
      %broadcast_in_dim3A_166 = vector.broadcast %broadcast_in_dim3A_165 : i1 to vector<16xi1>
      %masked_cumsum3A = tpu.scan <sum>, %convert_element_type3A_164 masked %broadcast_in_dim3A_166 : vector<16xi32>, vector<16xi1> -> vector<16xi32>
      %add3A_167 = vector.broadcast %while3A_153 : i32 to vector<16xi32>
      %add3A_168 = arith.addi %add3A_167, %masked_cumsum3A : vector<16xi32>
      %sub3A_169 = arith.subi %add3A_168, %convert_element_type3A_164 : vector<16xi32>
      tpu.vector_store_idx %arg10[%sub3A_169], %get3A_156 masked %ne3A_163 : memref<10048xi32, #tpu.memory_space<vmem>>[vector<16xi32>], vector<16xi32>, vector<16xi1>
      tpu.vector_store_idx %arg11[%sub3A_169], %get3A_158 masked %ne3A_163 : memref<10048xi32, #tpu.memory_space<vmem>>[vector<16xi32>], vector<16xi32>, vector<16xi1>
      %slice3A = vector.extract_strided_slice %masked_cumsum3A {offsets = [15], sizes = [1], strides = [1]} : vector<16xi32> to vector<1xi32>
      %squeeze3A = vector.extract %slice3A[0] : i32 from vector<1xi32>
      %add3A_170 = arith.addi %while3A_153, %squeeze3A : i32
      scf.yield %add3A_170 : i32
    }
    %add3A_105 = arith.constant 64 : i32
    %add3A_106 = arith.addi %while3A_104, %add3A_105 : i32
    %sub3A_107 = arith.constant 1 : i32
    %sub3A_108 = arith.subi %add3A_106, %sub3A_107 : i32
    %jit3A_109 = arith.constant 64 : i32
    %div3A_110 = arith.divsi %sub3A_108, %jit3A_109 : i32
    %sign3A_111 = arith.constant 0 : i32
    %sign3A_112 = arith.cmpi sgt, %sub3A_108, %sign3A_111 : i32
    %sign3A_113 = arith.extui %sign3A_112 : i1 to i32
    %sign3A_114 = arith.constant 0 : i32
    %sign3A_115 = arith.cmpi slt, %sub3A_108, %sign3A_114 : i32
    %sign3A_116 = arith.extui %sign3A_115 : i1 to i32
    %sign3A_117 = arith.subi %sign3A_113, %sign3A_116 : i32
    %sign3A_118 = arith.constant 0 : i32
    %sign3A_119 = arith.cmpi sgt, %jit3A_109, %sign3A_118 : i32
    %sign3A_120 = arith.extui %sign3A_119 : i1 to i32
    %sign3A_121 = arith.constant 0 : i32
    %sign3A_122 = arith.cmpi slt, %jit3A_109, %sign3A_121 : i32
    %sign3A_123 = arith.extui %sign3A_122 : i1 to i32
    %sign3A_124 = arith.subi %sign3A_120, %sign3A_123 : i32
    %ne3A_125 = arith.cmpi ne, %sign3A_117, %sign3A_124 : i32
    %rem3A_126 = arith.remsi %sub3A_108, %jit3A_109 : i32
    %ne3A_127 = arith.constant 0 : i32
    %ne3A_128 = arith.cmpi ne, %rem3A_126, %ne3A_127 : i32
    %and3A_129 = arith.andi %ne3A_125, %ne3A_128 : i1
    %sub3A_130 = arith.constant 1 : i32
    %sub3A_131 = arith.subi %div3A_110, %sub3A_130 : i32
    %select_n3A_132 = arith.select %and3A_129, %sub3A_131, %div3A_110 : i32
    %while3A_133 = arith.constant 0 : i32
    %while3A_134 = arith.subi %select_n3A_132, %while3A_133 : i32
    %while3A_135 = arith.addi %while3A_133, %while3A_134 : i32
    %while3A_136 = arith.constant 1 : i32
    %while3A_137 = arith.divsi %while3A_134, %while3A_136 : i32
    %while3A_138 = arith.muli %while3A_137, %while3A_136 : i32
    %while3A_139 = arith.addi %while3A_133, %while3A_138 : i32
    %while3A_140 = arith.constant 1 : i32
    scf.for %while3A_152 = %while3A_133 to %while3A_139 step %while3A_140  : i32 {
      %mul3A_153 = arith.constant 64 : i32
      %mul3A_154 = arith.muli %while3A_152, %mul3A_153 : i32
      %gt3A_155 = arith.constant 0 : i32
      %gt3A_156 = arith.cmpi sgt, %while3A_152, %gt3A_155 : i32
      %convert_element_type3A_157 = arith.extui %gt3A_156 : i1 to i32
      %cond3A_158 = arith.constant 0 : i32
      %cond3A_159 = arith.cmpi ne, %convert_element_type3A_157, %cond3A_158 : i32
      scf.if %cond3A_159 {
        %dma_wait3A_264 = arith.constant 0 : i32
        %dma_wait3A_265 = arith.constant 0 : i32
        %dma_wait3A_266 = tpu.memref_slice %arg15[%dma_wait3A_264, %dma_wait3A_265] : memref<10112x128xf32, #tpu.memory_space<vmem_shared>> -> memref<64x128xf32, #tpu.memory_space<vmem_shared>>
        %dma_wait3A_267 = arith.constant 0 : i32
        %dma_wait3A_268 = arith.constant 0 : i32
        %dma_wait3A_269 = tpu.memref_slice %arg15[%dma_wait3A_267, %dma_wait3A_268] : memref<10112x128xf32, #tpu.memory_space<vmem_shared>> -> memref<64x128xf32, #tpu.memory_space<vmem_shared>>
        tpu.wait_dma2 semaphore(%arg17 : memref<!tpu.dma_semaphore, #tpu.memory_space<semaphore_mem>>) src(%arg14 : memref<64x128xf32, #tpu.memory_space<vmem>>) dst(%dma_wait3A_269 : memref<64x128xf32, #tpu.memory_space<vmem_shared>>)
      } else {
      }
      %add3A_160 = arith.constant 0 : i32
      %add3A_161 = arith.addi %mul3A_154, %add3A_160 : i32
      %add3A_162 = vector.broadcast %add3A_161 : i32 to vector<16xi32>
      %add3A_163 = arith.addi %add3A_162, %iota3A : vector<16xi32>
      %add3A_164 = arith.constant 0 : i32
      %add3A_165 = arith.addi %mul3A_154, %add3A_164 : i32
      %get3A = arith.index_cast %add3A_165 : i32 to index
      %get3A_166 = tpu.vector_load %arg10[%get3A] {strides = array<i32>} : memref<10048xi32, #tpu.memory_space<vmem>>, vector<16xi32>,
      %add3A_167 = arith.constant 0 : i32
      %add3A_168 = arith.addi %mul3A_154, %add3A_167 : i32
      %get3A_169 = arith.index_cast %add3A_168 : i32 to index
      %get3A_170 = tpu.vector_load %arg11[%get3A_169] {strides = array<i32>} : memref<10048xi32, #tpu.memory_space<vmem>>, vector<16xi32>,
      %lt3A = vector.broadcast %while3A_104 : i32 to vector<16xi32>
      %lt3A_171 = arith.cmpi slt, %add3A_163, %lt3A : vector<16xi32>
      %add3A_172 = arith.constant 0 : i32
      %add3A_173 = vector.broadcast %add3A_172 : i32 to vector<16xi32>
      %add3A_174 = arith.addi %iota3A, %add3A_173 : vector<16xi32>
      %select_n3A_175 = arith.select %lt3A_171, %get3A_166, %add3A_174 : vector<16xi1>, vector<16xi32>
      %swap3A = arith.constant 0 : index
      %swap3A_176 = tpu.vector_load %arg12[%swap3A] {strides = array<i32>} : memref<64xi32, #tpu.memory_space<vmem>>, vector<16xi32>,
      tpu.vector_store %arg12[%swap3A], %select_n3A_175 {strides = array<i32>} : memref<64xi32, #tpu.memory_space<vmem>>, vector<16xi32>,
      %jit3A_177 = arith.constant 10000 : i32
      %broadcast_in_dim3A_178 = vector.broadcast %jit3A_177 : i32 to vector<16xi32>
      %select_n3A_179 = arith.select %lt3A_171, %get3A_170, %broadcast_in_dim3A_178 : vector<16xi1>, vector<16xi32>
      %swap3A_180 = arith.constant 0 : index
      %swap3A_181 = tpu.vector_load %arg13[%swap3A_180] {strides = array<i32>} : memref<64xi32, #tpu.memory_space<vmem>>, vector<16xi32>,
      tpu.vector_store %arg13[%swap3A_180], %select_n3A_179 {strides = array<i32>} : memref<64xi32, #tpu.memory_space<vmem>>, vector<16xi32>,
      %add3A_182 = arith.constant 16 : i32
      %add3A_183 = arith.addi %mul3A_154, %add3A_182 : i32
      %add3A_184 = vector.broadcast %add3A_183 : i32 to vector<16xi32>
      %add3A_185 = arith.addi %add3A_184, %iota3A : vector<16xi32>
      %add3A_186 = arith.constant 16 : i32
      %add3A_187 = arith.addi %mul3A_154, %add3A_186 : i32
      %get3A_188 = arith.index_cast %add3A_187 : i32 to index
      %get3A_189 = tpu.vector_load %arg10[%get3A_188] {strides = array<i32>} : memref<10048xi32, #tpu.memory_space<vmem>>, vector<16xi32>,
      %add3A_190 = arith.constant 16 : i32
      %add3A_191 = arith.addi %mul3A_154, %add3A_190 : i32
      %get3A_192 = arith.index_cast %add3A_191 : i32 to index
      %get3A_193 = tpu.vector_load %arg11[%get3A_192] {strides = array<i32>} : memref<10048xi32, #tpu.memory_space<vmem>>, vector<16xi32>,
      %lt3A_194 = vector.broadcast %while3A_104 : i32 to vector<16xi32>
      %lt3A_195 = arith.cmpi slt, %add3A_185, %lt3A_194 : vector<16xi32>
      %add3A_196 = arith.constant 16 : i32
      %add3A_197 = vector.broadcast %add3A_196 : i32 to vector<16xi32>
      %add3A_198 = arith.addi %iota3A, %add3A_197 : vector<16xi32>
      %select_n3A_199 = arith.select %lt3A_195, %get3A_189, %add3A_198 : vector<16xi1>, vector<16xi32>
      %swap3A_200 = arith.constant 16 : index
      %swap3A_201 = tpu.vector_load %arg12[%swap3A_200] {strides = array<i32>} : memref<64xi32, #tpu.memory_space<vmem>>, vector<16xi32>,
      tpu.vector_store %arg12[%swap3A_200], %select_n3A_199 {strides = array<i32>} : memref<64xi32, #tpu.memory_space<vmem>>, vector<16xi32>,
      %jit3A_202 = arith.constant 10000 : i32
      %broadcast_in_dim3A_203 = vector.broadcast %jit3A_202 : i32 to vector<16xi32>
      %select_n3A_204 = arith.select %lt3A_195, %get3A_193, %broadcast_in_dim3A_203 : vector<16xi1>, vector<16xi32>
      %swap3A_205 = arith.constant 16 : index
      %swap3A_206 = tpu.vector_load %arg13[%swap3A_205] {strides = array<i32>} : memref<64xi32, #tpu.memory_space<vmem>>, vector<16xi32>,
      tpu.vector_store %arg13[%swap3A_205], %select_n3A_204 {strides = array<i32>} : memref<64xi32, #tpu.memory_space<vmem>>, vector<16xi32>,
      %add3A_207 = arith.constant 32 : i32
      %add3A_208 = arith.addi %mul3A_154, %add3A_207 : i32
      %add3A_209 = vector.broadcast %add3A_208 : i32 to vector<16xi32>
      %add3A_210 = arith.addi %add3A_209, %iota3A : vector<16xi32>
      %add3A_211 = arith.constant 32 : i32
      %add3A_212 = arith.addi %mul3A_154, %add3A_211 : i32
      %get3A_213 = arith.index_cast %add3A_212 : i32 to index
      %get3A_214 = tpu.vector_load %arg10[%get3A_213] {strides = array<i32>} : memref<10048xi32, #tpu.memory_space<vmem>>, vector<16xi32>,
      %add3A_215 = arith.constant 32 : i32
      %add3A_216 = arith.addi %mul3A_154, %add3A_215 : i32
      %get3A_217 = arith.index_cast %add3A_216 : i32 to index
      %get3A_218 = tpu.vector_load %arg11[%get3A_217] {strides = array<i32>} : memref<10048xi32, #tpu.memory_space<vmem>>, vector<16xi32>,
      %lt3A_219 = vector.broadcast %while3A_104 : i32 to vector<16xi32>
      %lt3A_220 = arith.cmpi slt, %add3A_210, %lt3A_219 : vector<16xi32>
      %add3A_221 = arith.constant 32 : i32
      %add3A_222 = vector.broadcast %add3A_221 : i32 to vector<16xi32>
      %add3A_223 = arith.addi %iota3A, %add3A_222 : vector<16xi32>
      %select_n3A_224 = arith.select %lt3A_220, %get3A_214, %add3A_223 : vector<16xi1>, vector<16xi32>
      %swap3A_225 = arith.constant 32 : index
      %swap3A_226 = tpu.vector_load %arg12[%swap3A_225] {strides = array<i32>} : memref<64xi32, #tpu.memory_space<vmem>>, vector<16xi32>,
      tpu.vector_store %arg12[%swap3A_225], %select_n3A_224 {strides = array<i32>} : memref<64xi32, #tpu.memory_space<vmem>>, vector<16xi32>,
      %jit3A_227 = arith.constant 10000 : i32
      %broadcast_in_dim3A_228 = vector.broadcast %jit3A_227 : i32 to vector<16xi32>
      %select_n3A_229 = arith.select %lt3A_220, %get3A_218, %broadcast_in_dim3A_228 : vector<16xi1>, vector<16xi32>
      %swap3A_230 = arith.constant 32 : index
      %swap3A_231 = tpu.vector_load %arg13[%swap3A_230] {strides = array<i32>} : memref<64xi32, #tpu.memory_space<vmem>>, vector<16xi32>,
      tpu.vector_store %arg13[%swap3A_230], %select_n3A_229 {strides = array<i32>} : memref<64xi32, #tpu.memory_space<vmem>>, vector<16xi32>,
      %add3A_232 = arith.constant 48 : i32
      %add3A_233 = arith.addi %mul3A_154, %add3A_232 : i32
      %add3A_234 = vector.broadcast %add3A_233 : i32 to vector<16xi32>
      %add3A_235 = arith.addi %add3A_234, %iota3A : vector<16xi32>
      %add3A_236 = arith.constant 48 : i32
      %add3A_237 = arith.addi %mul3A_154, %add3A_236 : i32
      %get3A_238 = arith.index_cast %add3A_237 : i32 to index
      %get3A_239 = tpu.vector_load %arg10[%get3A_238] {strides = array<i32>} : memref<10048xi32, #tpu.memory_space<vmem>>, vector<16xi32>,
      %add3A_240 = arith.constant 48 : i32
      %add3A_241 = arith.addi %mul3A_154, %add3A_240 : i32
      %get3A_242 = arith.index_cast %add3A_241 : i32 to index
      %get3A_243 = tpu.vector_load %arg11[%get3A_242] {strides = array<i32>} : memref<10048xi32, #tpu.memory_space<vmem>>, vector<16xi32>,
      %lt3A_244 = vector.broadcast %while3A_104 : i32 to vector<16xi32>
      %lt3A_245 = arith.cmpi slt, %add3A_235, %lt3A_244 : vector<16xi32>
      %add3A_246 = arith.constant 48 : i32
      %add3A_247 = vector.broadcast %add3A_246 : i32 to vector<16xi32>
      %add3A_248 = arith.addi %iota3A, %add3A_247 : vector<16xi32>
      %select_n3A_249 = arith.select %lt3A_245, %get3A_239, %add3A_248 : vector<16xi1>, vector<16xi32>
      %swap3A_250 = arith.constant 48 : index
      %swap3A_251 = tpu.vector_load %arg12[%swap3A_250] {strides = array<i32>} : memref<64xi32, #tpu.memory_space<vmem>>, vector<16xi32>,
      tpu.vector_store %arg12[%swap3A_250], %select_n3A_249 {strides = array<i32>} : memref<64xi32, #tpu.memory_space<vmem>>, vector<16xi32>,
      %jit3A_252 = arith.constant 10000 : i32
      %broadcast_in_dim3A_253 = vector.broadcast %jit3A_252 : i32 to vector<16xi32>
      %select_n3A_254 = arith.select %lt3A_245, %get3A_243, %broadcast_in_dim3A_253 : vector<16xi1>, vector<16xi32>
      %swap3A_255 = arith.constant 48 : index
      %swap3A_256 = tpu.vector_load %arg13[%swap3A_255] {strides = array<i32>} : memref<64xi32, #tpu.memory_space<vmem>>, vector<16xi32>,
      tpu.vector_store %arg13[%swap3A_255], %select_n3A_254 {strides = array<i32>} : memref<64xi32, #tpu.memory_space<vmem>>, vector<16xi32>,
      %dma_start3A = arith.constant 0 : i32
      %dma_start3A_257 = arith.constant 0 : i32
      %dma_start3A_258 = tpu.memref_slice %arg5[%dma_start3A, %dma_start3A_257] : memref<10112x128xf32, #tpu.memory_space<hbm>> -> memref<10112x128xf32, #tpu.memory_space<hbm>>
      tpu.enqueue_indirect_dma source(%dma_start3A_258 : memref<10112x128xf32, #tpu.memory_space<hbm>>) target(%arg14 : memref<64x128xf32, #tpu.memory_space<vmem>>) offsets(%arg12 : memref<64xi32, #tpu.memory_space<vmem>>) semaphore(%arg16 : memref<!tpu.dma_semaphore, #tpu.memory_space<semaphore_mem>>)
      %dma_wait3A = arith.constant 0 : i32
      %dma_wait3A_259 = arith.constant 0 : i32
      %dma_wait3A_260 = tpu.memref_slice %arg5[%dma_wait3A, %dma_wait3A_259] : memref<10112x128xf32, #tpu.memory_space<hbm>> -> memref<10112x128xf32, #tpu.memory_space<hbm>>
      tpu.wait_indirect_dma semaphore(%arg16 : memref<!tpu.dma_semaphore, #tpu.memory_space<semaphore_mem>>) src(%dma_wait3A_260 : memref<10112x128xf32, #tpu.memory_space<hbm>>) dst(%arg14 : memref<64x128xf32, #tpu.memory_space<vmem>>)
      %dma_start3A_261 = arith.constant 0 : i32
      %dma_start3A_262 = arith.constant 0 : i32
      %dma_start3A_263 = tpu.memref_slice %arg15[%dma_start3A_261, %dma_start3A_262] : memref<10112x128xf32, #tpu.memory_space<vmem_shared>> -> memref<10112x128xf32, #tpu.memory_space<vmem_shared>>
      tpu.enqueue_indirect_dma source(%arg14 : memref<64x128xf32, #tpu.memory_space<vmem>>) target(%dma_start3A_263 : memref<10112x128xf32, #tpu.memory_space<vmem_shared>>) offsets(%arg13 : memref<64xi32, #tpu.memory_space<vmem>>) semaphore(%arg17 : memref<!tpu.dma_semaphore, #tpu.memory_space<semaphore_mem>>) {add = true}
    }
    %while3A_141 = arith.constant 1 : i32
    scf.for %while3A_152 = %while3A_139 to %while3A_135 step %while3A_141  : i32 {
      %mul3A_153 = arith.constant 64 : i32
      %mul3A_154 = arith.muli %while3A_152, %mul3A_153 : i32
      %gt3A_155 = arith.constant 0 : i32
      %gt3A_156 = arith.cmpi sgt, %while3A_152, %gt3A_155 : i32
      %convert_element_type3A_157 = arith.extui %gt3A_156 : i1 to i32
      %cond3A_158 = arith.constant 0 : i32
      %cond3A_159 = arith.cmpi ne, %convert_element_type3A_157, %cond3A_158 : i32
      scf.if %cond3A_159 {
        %dma_wait3A_264 = arith.constant 0 : i32
        %dma_wait3A_265 = arith.constant 0 : i32
        %dma_wait3A_266 = tpu.memref_slice %arg15[%dma_wait3A_264, %dma_wait3A_265] : memref<10112x128xf32, #tpu.memory_space<vmem_shared>> -> memref<64x128xf32, #tpu.memory_space<vmem_shared>>
        %dma_wait3A_267 = arith.constant 0 : i32
        %dma_wait3A_268 = arith.constant 0 : i32
        %dma_wait3A_269 = tpu.memref_slice %arg15[%dma_wait3A_267, %dma_wait3A_268] : memref<10112x128xf32, #tpu.memory_space<vmem_shared>> -> memref<64x128xf32, #tpu.memory_space<vmem_shared>>
        tpu.wait_dma2 semaphore(%arg17 : memref<!tpu.dma_semaphore, #tpu.memory_space<semaphore_mem>>) src(%arg14 : memref<64x128xf32, #tpu.memory_space<vmem>>) dst(%dma_wait3A_269 : memref<64x128xf32, #tpu.memory_space<vmem_shared>>)
      } else {
      }
      %add3A_160 = arith.constant 0 : i32
      %add3A_161 = arith.addi %mul3A_154, %add3A_160 : i32
      %add3A_162 = vector.broadcast %add3A_161 : i32 to vector<16xi32>
      %add3A_163 = arith.addi %add3A_162, %iota3A : vector<16xi32>
      %add3A_164 = arith.constant 0 : i32
      %add3A_165 = arith.addi %mul3A_154, %add3A_164 : i32
      %get3A = arith.index_cast %add3A_165 : i32 to index
      %get3A_166 = tpu.vector_load %arg10[%get3A] {strides = array<i32>} : memref<10048xi32, #tpu.memory_space<vmem>>, vector<16xi32>,
      %add3A_167 = arith.constant 0 : i32
      %add3A_168 = arith.addi %mul3A_154, %add3A_167 : i32
      %get3A_169 = arith.index_cast %add3A_168 : i32 to index
      %get3A_170 = tpu.vector_load %arg11[%get3A_169] {strides = array<i32>} : memref<10048xi32, #tpu.memory_space<vmem>>, vector<16xi32>,
      %lt3A = vector.broadcast %while3A_104 : i32 to vector<16xi32>
      %lt3A_171 = arith.cmpi slt, %add3A_163, %lt3A : vector<16xi32>
      %add3A_172 = arith.constant 0 : i32
      %add3A_173 = vector.broadcast %add3A_172 : i32 to vector<16xi32>
      %add3A_174 = arith.addi %iota3A, %add3A_173 : vector<16xi32>
      %select_n3A_175 = arith.select %lt3A_171, %get3A_166, %add3A_174 : vector<16xi1>, vector<16xi32>
      %swap3A = arith.constant 0 : index
      %swap3A_176 = tpu.vector_load %arg12[%swap3A] {strides = array<i32>} : memref<64xi32, #tpu.memory_space<vmem>>, vector<16xi32>,
      tpu.vector_store %arg12[%swap3A], %select_n3A_175 {strides = array<i32>} : memref<64xi32, #tpu.memory_space<vmem>>, vector<16xi32>,
      %jit3A_177 = arith.constant 10000 : i32
      %broadcast_in_dim3A_178 = vector.broadcast %jit3A_177 : i32 to vector<16xi32>
      %select_n3A_179 = arith.select %lt3A_171, %get3A_170, %broadcast_in_dim3A_178 : vector<16xi1>, vector<16xi32>
      %swap3A_180 = arith.constant 0 : index
      %swap3A_181 = tpu.vector_load %arg13[%swap3A_180] {strides = array<i32>} : memref<64xi32, #tpu.memory_space<vmem>>, vector<16xi32>,
      tpu.vector_store %arg13[%swap3A_180], %select_n3A_179 {strides = array<i32>} : memref<64xi32, #tpu.memory_space<vmem>>, vector<16xi32>,
      %add3A_182 = arith.constant 16 : i32
      %add3A_183 = arith.addi %mul3A_154, %add3A_182 : i32
      %add3A_184 = vector.broadcast %add3A_183 : i32 to vector<16xi32>
      %add3A_185 = arith.addi %add3A_184, %iota3A : vector<16xi32>
      %add3A_186 = arith.constant 16 : i32
      %add3A_187 = arith.addi %mul3A_154, %add3A_186 : i32
      %get3A_188 = arith.index_cast %add3A_187 : i32 to index
      %get3A_189 = tpu.vector_load %arg10[%get3A_188] {strides = array<i32>} : memref<10048xi32, #tpu.memory_space<vmem>>, vector<16xi32>,
      %add3A_190 = arith.constant 16 : i32
      %add3A_191 = arith.addi %mul3A_154, %add3A_190 : i32
      %get3A_192 = arith.index_cast %add3A_191 : i32 to index
      %get3A_193 = tpu.vector_load %arg11[%get3A_192] {strides = array<i32>} : memref<10048xi32, #tpu.memory_space<vmem>>, vector<16xi32>,
      %lt3A_194 = vector.broadcast %while3A_104 : i32 to vector<16xi32>
      %lt3A_195 = arith.cmpi slt, %add3A_185, %lt3A_194 : vector<16xi32>
      %add3A_196 = arith.constant 16 : i32
      %add3A_197 = vector.broadcast %add3A_196 : i32 to vector<16xi32>
      %add3A_198 = arith.addi %iota3A, %add3A_197 : vector<16xi32>
      %select_n3A_199 = arith.select %lt3A_195, %get3A_189, %add3A_198 : vector<16xi1>, vector<16xi32>
      %swap3A_200 = arith.constant 16 : index
      %swap3A_201 = tpu.vector_load %arg12[%swap3A_200] {strides = array<i32>} : memref<64xi32, #tpu.memory_space<vmem>>, vector<16xi32>,
      tpu.vector_store %arg12[%swap3A_200], %select_n3A_199 {strides = array<i32>} : memref<64xi32, #tpu.memory_space<vmem>>, vector<16xi32>,
      %jit3A_202 = arith.constant 10000 : i32
      %broadcast_in_dim3A_203 = vector.broadcast %jit3A_202 : i32 to vector<16xi32>
      %select_n3A_204 = arith.select %lt3A_195, %get3A_193, %broadcast_in_dim3A_203 : vector<16xi1>, vector<16xi32>
      %swap3A_205 = arith.constant 16 : index
      %swap3A_206 = tpu.vector_load %arg13[%swap3A_205] {strides = array<i32>} : memref<64xi32, #tpu.memory_space<vmem>>, vector<16xi32>,
      tpu.vector_store %arg13[%swap3A_205], %select_n3A_204 {strides = array<i32>} : memref<64xi32, #tpu.memory_space<vmem>>, vector<16xi32>,
      %add3A_207 = arith.constant 32 : i32
      %add3A_208 = arith.addi %mul3A_154, %add3A_207 : i32
      %add3A_209 = vector.broadcast %add3A_208 : i32 to vector<16xi32>
      %add3A_210 = arith.addi %add3A_209, %iota3A : vector<16xi32>
      %add3A_211 = arith.constant 32 : i32
      %add3A_212 = arith.addi %mul3A_154, %add3A_211 : i32
      %get3A_213 = arith.index_cast %add3A_212 : i32 to index
      %get3A_214 = tpu.vector_load %arg10[%get3A_213] {strides = array<i32>} : memref<10048xi32, #tpu.memory_space<vmem>>, vector<16xi32>,
      %add3A_215 = arith.constant 32 : i32
      %add3A_216 = arith.addi %mul3A_154, %add3A_215 : i32
      %get3A_217 = arith.index_cast %add3A_216 : i32 to index
      %get3A_218 = tpu.vector_load %arg11[%get3A_217] {strides = array<i32>} : memref<10048xi32, #tpu.memory_space<vmem>>, vector<16xi32>,
      %lt3A_219 = vector.broadcast %while3A_104 : i32 to vector<16xi32>
      %lt3A_220 = arith.cmpi slt, %add3A_210, %lt3A_219 : vector<16xi32>
      %add3A_221 = arith.constant 32 : i32
      %add3A_222 = vector.broadcast %add3A_221 : i32 to vector<16xi32>
      %add3A_223 = arith.addi %iota3A, %add3A_222 : vector<16xi32>
      %select_n3A_224 = arith.select %lt3A_220, %get3A_214, %add3A_223 : vector<16xi1>, vector<16xi32>
      %swap3A_225 = arith.constant 32 : index
      %swap3A_226 = tpu.vector_load %arg12[%swap3A_225] {strides = array<i32>} : memref<64xi32, #tpu.memory_space<vmem>>, vector<16xi32>,
      tpu.vector_store %arg12[%swap3A_225], %select_n3A_224 {strides = array<i32>} : memref<64xi32, #tpu.memory_space<vmem>>, vector<16xi32>,
      %jit3A_227 = arith.constant 10000 : i32
      %broadcast_in_dim3A_228 = vector.broadcast %jit3A_227 : i32 to vector<16xi32>
      %select_n3A_229 = arith.select %lt3A_220, %get3A_218, %broadcast_in_dim3A_228 : vector<16xi1>, vector<16xi32>
      %swap3A_230 = arith.constant 32 : index
      %swap3A_231 = tpu.vector_load %arg13[%swap3A_230] {strides = array<i32>} : memref<64xi32, #tpu.memory_space<vmem>>, vector<16xi32>,
      tpu.vector_store %arg13[%swap3A_230], %select_n3A_229 {strides = array<i32>} : memref<64xi32, #tpu.memory_space<vmem>>, vector<16xi32>,
      %add3A_232 = arith.constant 48 : i32
      %add3A_233 = arith.addi %mul3A_154, %add3A_232 : i32
      %add3A_234 = vector.broadcast %add3A_233 : i32 to vector<16xi32>
      %add3A_235 = arith.addi %add3A_234, %iota3A : vector<16xi32>
      %add3A_236 = arith.constant 48 : i32
      %add3A_237 = arith.addi %mul3A_154, %add3A_236 : i32
      %get3A_238 = arith.index_cast %add3A_237 : i32 to index
      %get3A_239 = tpu.vector_load %arg10[%get3A_238] {strides = array<i32>} : memref<10048xi32, #tpu.memory_space<vmem>>, vector<16xi32>,
      %add3A_240 = arith.constant 48 : i32
      %add3A_241 = arith.addi %mul3A_154, %add3A_240 : i32
      %get3A_242 = arith.index_cast %add3A_241 : i32 to index
      %get3A_243 = tpu.vector_load %arg11[%get3A_242] {strides = array<i32>} : memref<10048xi32, #tpu.memory_space<vmem>>, vector<16xi32>,
      %lt3A_244 = vector.broadcast %while3A_104 : i32 to vector<16xi32>
      %lt3A_245 = arith.cmpi slt, %add3A_235, %lt3A_244 : vector<16xi32>
      %add3A_246 = arith.constant 48 : i32
      %add3A_247 = vector.broadcast %add3A_246 : i32 to vector<16xi32>
      %add3A_248 = arith.addi %iota3A, %add3A_247 : vector<16xi32>
      %select_n3A_249 = arith.select %lt3A_245, %get3A_239, %add3A_248 : vector<16xi1>, vector<16xi32>
      %swap3A_250 = arith.constant 48 : index
      %swap3A_251 = tpu.vector_load %arg12[%swap3A_250] {strides = array<i32>} : memref<64xi32, #tpu.memory_space<vmem>>, vector<16xi32>,
      tpu.vector_store %arg12[%swap3A_250], %select_n3A_249 {strides = array<i32>} : memref<64xi32, #tpu.memory_space<vmem>>, vector<16xi32>,
      %jit3A_252 = arith.constant 10000 : i32
      %broadcast_in_dim3A_253 = vector.broadcast %jit3A_252 : i32 to vector<16xi32>
      %select_n3A_254 = arith.select %lt3A_245, %get3A_243, %broadcast_in_dim3A_253 : vector<16xi1>, vector<16xi32>
      %swap3A_255 = arith.constant 48 : index
      %swap3A_256 = tpu.vector_load %arg13[%swap3A_255] {strides = array<i32>} : memref<64xi32, #tpu.memory_space<vmem>>, vector<16xi32>,
      tpu.vector_store %arg13[%swap3A_255], %select_n3A_254 {strides = array<i32>} : memref<64xi32, #tpu.memory_space<vmem>>, vector<16xi32>,
      %dma_start3A = arith.constant 0 : i32
      %dma_start3A_257 = arith.constant 0 : i32
      %dma_start3A_258 = tpu.memref_slice %arg5[%dma_start3A, %dma_start3A_257] : memref<10112x128xf32, #tpu.memory_space<hbm>> -> memref<10112x128xf32, #tpu.memory_space<hbm>>
      tpu.enqueue_indirect_dma source(%dma_start3A_258 : memref<10112x128xf32, #tpu.memory_space<hbm>>) target(%arg14 : memref<64x128xf32, #tpu.memory_space<vmem>>) offsets(%arg12 : memref<64xi32, #tpu.memory_space<vmem>>) semaphore(%arg16 : memref<!tpu.dma_semaphore, #tpu.memory_space<semaphore_mem>>)
      %dma_wait3A = arith.constant 0 : i32
      %dma_wait3A_259 = arith.constant 0 : i32
      %dma_wait3A_260 = tpu.memref_slice %arg5[%dma_wait3A, %dma_wait3A_259] : memref<10112x128xf32, #tpu.memory_space<hbm>> -> memref<10112x128xf32, #tpu.memory_space<hbm>>
      tpu.wait_indirect_dma semaphore(%arg16 : memref<!tpu.dma_semaphore, #tpu.memory_space<semaphore_mem>>) src(%dma_wait3A_260 : memref<10112x128xf32, #tpu.memory_space<hbm>>) dst(%arg14 : memref<64x128xf32, #tpu.memory_space<vmem>>)
      %dma_start3A_261 = arith.constant 0 : i32
      %dma_start3A_262 = arith.constant 0 : i32
      %dma_start3A_263 = tpu.memref_slice %arg15[%dma_start3A_261, %dma_start3A_262] : memref<10112x128xf32, #tpu.memory_space<vmem_shared>> -> memref<10112x128xf32, #tpu.memory_space<vmem_shared>>
      tpu.enqueue_indirect_dma source(%arg14 : memref<64x128xf32, #tpu.memory_space<vmem>>) target(%dma_start3A_263 : memref<10112x128xf32, #tpu.memory_space<vmem_shared>>) offsets(%arg13 : memref<64xi32, #tpu.memory_space<vmem>>) semaphore(%arg17 : memref<!tpu.dma_semaphore, #tpu.memory_space<semaphore_mem>>) {add = true}
    }
    %gt3A = arith.constant 0 : i32
    %gt3A_142 = arith.cmpi sgt, %select_n3A_132, %gt3A : i32
    %convert_element_type3A = arith.extui %gt3A_142 : i1 to i32
    %cond3A = arith.constant 0 : i32
    %cond3A_143 = arith.cmpi ne, %convert_element_type3A, %cond3A : i32
    scf.if %cond3A_143 {
      %dma_wait3A = arith.constant 0 : i32
      %dma_wait3A_152 = arith.constant 0 : i32
      %dma_wait3A_153 = tpu.memref_slice %arg15[%dma_wait3A, %dma_wait3A_152] : memref<10112x128xf32, #tpu.memory_space<vmem_shared>> -> memref<64x128xf32, #tpu.memory_space<vmem_shared>>
      %dma_wait3A_154 = arith.constant 0 : i32
      %dma_wait3A_155 = arith.constant 0 : i32
      %dma_wait3A_156 = tpu.memref_slice %arg15[%dma_wait3A_154, %dma_wait3A_155] : memref<10112x128xf32, #tpu.memory_space<vmem_shared>> -> memref<64x128xf32, #tpu.memory_space<vmem_shared>>
      tpu.wait_dma2 semaphore(%arg17 : memref<!tpu.dma_semaphore, #tpu.memory_space<semaphore_mem>>) src(%arg14 : memref<64x128xf32, #tpu.memory_space<vmem>>) dst(%dma_wait3A_156 : memref<64x128xf32, #tpu.memory_space<vmem_shared>>)
    } else {
    }
    %barrier3A_144 = arith.constant 0 : index
    tpu.barrier barrier_id(%barrier3A_144)
    %mul3A_145 = arith.constant 632 : i32
    %mul3A_146 = arith.muli %arg1, %mul3A_145 : i32
    %mul3A_147 = arith.constant 10112 : i32
    %mul3A_148 = arith.muli %arg0, %mul3A_147 : i32
    %mul3A_149 = arith.constant 632 : i32
    %mul3A_150 = arith.muli %arg1, %mul3A_149 : i32
    %add3A_151 = arith.addi %mul3A_148, %mul3A_150 : i32
    "tpu.region"() ({
      %run_scoped3A = tpu.sem_alloc : memref<!tpu.dma_semaphore, #tpu.memory_space<semaphore_mem>>
      %dma_start3A = arith.constant 0 : i32
      %dma_start3A_152 = tpu.memref_slice %arg7[%add3A_151, %dma_start3A] : memref<20224x128xf32, #tpu.memory_space<hbm>> -> memref<632x128xf32, #tpu.memory_space<hbm>>
      %dma_start3A_153 = arith.constant 0 : i32
      %dma_start3A_154 = tpu.memref_slice %arg15[%mul3A_146, %dma_start3A_153] : memref<10112x128xf32, #tpu.memory_space<vmem_shared>> -> memref<632x128xf32, #tpu.memory_space<vmem_shared>>
      tpu.enqueue_dma source(%dma_start3A_154 : memref<632x128xf32, #tpu.memory_space<vmem_shared>>) target(%dma_start3A_152 : memref<632x128xf32, #tpu.memory_space<hbm>>) target_semaphore(%run_scoped3A : memref<!tpu.dma_semaphore, #tpu.memory_space<semaphore_mem>>)
      %dma_wait3A = arith.constant 0 : i32
      %dma_wait3A_155 = tpu.memref_slice %arg7[%add3A_151, %dma_wait3A] : memref<20224x128xf32, #tpu.memory_space<hbm>> -> memref<632x128xf32, #tpu.memory_space<hbm>>
      %dma_wait3A_156 = arith.constant 0 : i32
      %dma_wait3A_157 = tpu.memref_slice %arg15[%mul3A_146, %dma_wait3A_156] : memref<10112x128xf32, #tpu.memory_space<vmem_shared>> -> memref<632x128xf32, #tpu.memory_space<vmem_shared>>
      tpu.wait_dma2 semaphore(%run_scoped3A : memref<!tpu.dma_semaphore, #tpu.memory_space<semaphore_mem>>) src(%dma_wait3A_157 : memref<632x128xf32, #tpu.memory_space<vmem_shared>>) dst(%dma_wait3A_155 : memref<632x128xf32, #tpu.memory_space<hbm>>)
      tpu.yield
    }) : () -> ()
    return
  }
}

module attributes {stable_mosaic.version = 14 : i64} {
  func.func @body(%arg0: memref<20224x128xf32, #tpu.memory_space<vmem>>, %arg1: memref<128x128xf32, #tpu.memory_space<vmem>>, %arg2: memref<10112x128xf32, #tpu.memory_space<vmem>>) attributes {dimension_semantics = [], scalar_prefetch = 0 : i64, scratch_operands = 0 : i64, tpu.core_type = #tpu.core_type<tc>} {
    %get3A = arith.constant 0 : index
    %get3A_0 = arith.constant 0 : index
    %get3A_1 = vector.load %arg0[%get3A, %get3A_0] : memref<20224x128xf32, #tpu.memory_space<vmem>>, vector<10112x128xf32>
    %get3A_2 = arith.constant 10112 : index
    %get3A_3 = arith.constant 0 : index
    %get3A_4 = vector.load %arg0[%get3A_2, %get3A_3] : memref<20224x128xf32, #tpu.memory_space<vmem>>, vector<10112x128xf32>
    %add3A = arith.addf %get3A_1, %get3A_4 : vector<10112x128xf32>
    %get3A_5 = arith.constant 0 : index
    %get3A_6 = arith.constant 0 : index
    %get3A_7 = vector.load %arg1[%get3A_5, %get3A_6] : memref<128x128xf32, #tpu.memory_space<vmem>>, vector<128x128xf32>
    %dot_general3A = arith.constant dense<0.000000e+00> : vector<10112x128xf32>
    %dot_general3A_8 = tpu.matmul %add3A, %get3A_7, %dot_general3A {dimension_numbers = #tpu.dot_dimension_numbers<[1], [0], [0], [1], [0, 0, 1, 1], [], []>, transpose_lhs_hint = false} : vector<10112x128xf32>, vector<128x128xf32>, vector<10112x128xf32> -> vector<10112x128xf32>
    %max3A = arith.constant 0.000000e+00 : f32
    %max3A_9 = vector.broadcast %max3A : f32 to vector<10112x128xf32>
    %max3A_10 = arith.maximumf %dot_general3A_8, %max3A_9 : vector<10112x128xf32>
    %swap3A = arith.constant 0 : index
    %swap3A_11 = arith.constant 0 : index
    %swap3A_12 = vector.load %arg2[%swap3A, %swap3A_11] : memref<10112x128xf32, #tpu.memory_space<vmem>>, vector<10112x128xf32>
    tpu.vector_store %arg2[%swap3A, %swap3A_11], %max3A_10 {strides = array<i32>} : memref<10112x128xf32, #tpu.memory_space<vmem>>, vector<10112x128xf32>,
    return
  }
}

module attributes {stable_mosaic.version = 14 : i64} {
  func.func @body(%arg0: memref<20224x128xf32, #tpu.memory_space<vmem>>, %arg1: memref<128x128xf32, #tpu.memory_space<vmem>>, %arg2: memref<18304x128xf32, #tpu.memory_space<vmem>>) attributes {dimension_semantics = [], scalar_prefetch = 0 : i64, scratch_operands = 0 : i64, tpu.core_type = #tpu.core_type<tc>} {
    %get3A = arith.constant 0 : index
    %get3A_0 = arith.constant 0 : index
    %get3A_1 = vector.load %arg0[%get3A, %get3A_0] : memref<20224x128xf32, #tpu.memory_space<vmem>>, vector<10112x128xf32>
    %get3A_2 = arith.constant 10112 : index
    %get3A_3 = arith.constant 0 : index
    %get3A_4 = vector.load %arg0[%get3A_2, %get3A_3] : memref<20224x128xf32, #tpu.memory_space<vmem>>, vector<10112x128xf32>
    %add3A = arith.addf %get3A_1, %get3A_4 : vector<10112x128xf32>
    %get3A_5 = arith.constant 0 : index
    %get3A_6 = arith.constant 0 : index
    %get3A_7 = vector.load %arg1[%get3A_5, %get3A_6] : memref<128x128xf32, #tpu.memory_space<vmem>>, vector<128x128xf32>
    %dot_general3A = arith.constant dense<0.000000e+00> : vector<10112x128xf32>
    %dot_general3A_8 = tpu.matmul %add3A, %get3A_7, %dot_general3A {dimension_numbers = #tpu.dot_dimension_numbers<[1], [0], [0], [1], [0, 0, 1, 1], [], []>, transpose_lhs_hint = false} : vector<10112x128xf32>, vector<128x128xf32>, vector<10112x128xf32> -> vector<10112x128xf32>
    %iota3A = tpu.iota {dimensions = array<i32: 0>} : vector<10112x128xi32>
    %lt3A = arith.constant 10000 : i32
    %lt3A_9 = vector.broadcast %lt3A : i32 to vector<10112x128xi32>
    %lt3A_10 = arith.cmpi slt, %iota3A, %lt3A_9 : vector<10112x128xi32>
    %jit3A = arith.constant 0.000000e+00 : f32
    %broadcast_in_dim3A = vector.broadcast %jit3A : f32 to vector<10112x128xf32>
    %select_n3A = arith.select %lt3A_10, %dot_general3A_8, %broadcast_in_dim3A : vector<10112x128xi1>, vector<10112x128xf32>
    %swap3A = arith.constant 0 : index
    %swap3A_11 = arith.constant 0 : index
    %swap3A_12 = vector.load %arg2[%swap3A, %swap3A_11] : memref<18304x128xf32, #tpu.memory_space<vmem>>, vector<10112x128xf32>
    tpu.vector_store %arg2[%swap3A, %swap3A_11], %select_n3A {strides = array<i32>} : memref<18304x128xf32, #tpu.memory_space<vmem>>, vector<10112x128xf32>,
    %broadcast_in_dim3A_13 = arith.constant 0.000000e+00 : f32
    %broadcast_in_dim3A_14 = vector.broadcast %broadcast_in_dim3A_13 : f32 to vector<8192x128xf32>
    %swap3A_15 = arith.constant 10112 : index
    %swap3A_16 = arith.constant 0 : index
    %swap3A_17 = vector.load %arg2[%swap3A_15, %swap3A_16] : memref<18304x128xf32, #tpu.memory_space<vmem>>, vector<8192x128xf32>
    tpu.vector_store %arg2[%swap3A_15, %swap3A_16], %broadcast_in_dim3A_14 {strides = array<i32>} : memref<18304x128xf32, #tpu.memory_space<vmem>>, vector<8192x128xf32>,
    return
  }
}

</mosaic_0001>

<sc_bundles>
// kernel: kernel.10.cloned.1.call-start
scs
__scs_entry_jumppad:
0x0: {  	(pc) =	sbr.rel $0x88, $3  }
0x1: {  	(tag) =	ssettag $0x0;
	lr =	simm.s32 $0x1  }
0x2: {  	[smem:$0x3F9C] =	sst lr;
	_ =	strace $0xD0000000  }
0x3: {  	_ = 	snop  }
0x4: {  	_ = 	snop  }
0x5: {  	_ = 	snop  }
0x6: {  	_ = 	snop  }
0x7: {  	_ = 	snop  }
__scs_overlays_trampoline_lowered:
0x8: {  	[smem:$0x3FAB] =	sst s0  }
0x9: {  	[smem:$0x3FAC] =	sst s1  }
0xa: {  	[smem:$0x3FAD] =	sst s2  }
0xb: {  	[smem:$0x3FAE] =	sst s3  }
0xc: {  	[smem:$0x3FAF] =	sst s4  }
0xd: {  	[smem:$0x3FB0] =	sst s5  }
0xe: {  	[smem:$0x3FB1] =	sst s6  }
0xf: {  	[smem:$0x3FB2] =	sst s7  }
0x10: {  	[smem:$0x3FB3] =	sst s8  }
0x11: {  	[smem:$0x3FB4] =	sst s9;
	s0 =	simm.s32 @!p0 $0x0  }
0x12: {  	s1 =	sld [smem:$0x3F9A];
	s0 =	simm.s32 @p0 $0x1  }
0x13: {  	[smem:$0x3FB5] =	sst s0;
	s0 =	simm.s32 @!p1 $0x0  }
0x14: {  	s2 =	sld [smem:$0x3F99];
	s0 =	simm.s32 @p1 $0x1  }
0x15: {  	[smem:$0x3FB6] =	sst s0;
	s0 =	simm.s32 @!p2 $0x0  }
0x16: {  	s3 =	sld [smem:$0x3FDB];
	s0 =	simm.s32 @p2 $0x1  }
0x17: {  	s4 =	simm.s32 $0x1BF5;
	[smem:$0x3FB8] =	sst s0  }
0x18: {  	s0 =	sld [smem:$0x3F9B];
	_ =	swait.ge [sflag:s4], $0x0  }
0x19: {  	s7 =	sld [smem:$0x3F9C]  }
0x1a: {  	s8 =	sadd.s32 $0xFFFFE003, lr  }
0x1b: {  	s9 =	sadd.s32 $0xFFFFFEF7, lr;
	s5 =	simm.s32 $0xFFFFFFFF;
	p2 =	slt.u32 s8, $0xFFFFF086  }
0x1c: {  	p1 =	slt.u32 s9, $0xF7A;
	s5 =	simm.s32 @!p2 $0x0  }
0x1d: {  	s5 =	simm.s32 @p1 $0x1;
	p0 =	seq.s32 s7, s2  }
0x1e: {  	s7 =	smul.u32 @!p0 $0xF7A, s2;
	p2 =	seq.s32 @!p0 s5, $0x0  }
0x1f: {  	s9 =	smul.u32 $0xF7A, s1;
	s8 =	simm.s32 @!p0 $0x1BF5;
	p2 =	por !p2, p0  }
0x20: {  	[sflag:s8] =	ssyncset.s32 @!p0 $0xFFFFF086;
	s6 =	sadd.s32 @!p0 s3, s7;
	s7 =	simm.s32 @!p0 $0x108  }
0x21: {  	s3 =	sadd.s32 s3, s9;
	s6 =	sadd.s32 @!p0 $0x88, s6;
	s7 =	simm.s32 @p2 $0x1082  }
0x22: {  	[simem:s7], [sflag:s8] =	dma.local @!p0 [hbm:s6], $0xF7A  }
0x23: {  	s9 =	sor.u32 $0xD0000000, s2;
	s6 =	simm.s32 $0x108;
	_ =	swait.ge @!p0 [sflag:s8], $0x0  }
0x24: {  	s3 =	sadd.s32 $0x88, s3;
	s6 =	simm.s32 @!p1 $0x1082;
	[sflag:s4] =	ssyncset.s32 $0xFFFFF086  }
0x25: {  	[simem:s6], [sflag:s4] =	dma.local [hbm:s3], $0xF7A  }
0x26: {  	[smem:$0x3F9C] =	sst s1;
	(tag) =	ssettag s2;
	_ =	strace s9  }
0x27: {  	s1 =	sld [smem:$0x3FAC]  }
0x28: {  	s2 =	sld [smem:$0x3FAD]  }
0x29: {  	s4 =	sld [smem:$0x3FAF]  }
0x2a: {  	p0 =	seq.s32 s5, $0x0;
	s5 =	sld [smem:$0x3FB0]  }
0x2b: {  	s6 =	sld [smem:$0x3FB1]  }
0x2c: {  	s7 =	sld [smem:$0x3FB2]  }
0x2d: {  	s3 =	simm.s32 $0x108;
	s8 =	sld [smem:$0x3FB3]  }
0x2e: {  	s3 =	simm.s32 @!p0 $0x1082;
	s9 =	sld [smem:$0x3FB4]  }
0x2f: {  	lr =	sadd.s32 s0, s3;
	s0 =	sld [smem:$0x3FAB]  }
0x30: {  	s3 =	sld [smem:$0x3FAE]  }
0x31: {  	[smem:$0x3FB7] =	sst s10  }
0x32: {  	s10 =	sld [smem:$0x3FB5];
	_ =	sdelay $0x3  }
0x33: {  	p0 =	seq.s32 s10, $0x1;
	s10 =	sld [smem:$0x3FB7];
	_ =	sdelay $0x3  }
0x34: {  	[smem:$0x3FB7] =	sst s10  }
0x35: {  	s10 =	sld [smem:$0x3FB6];
	_ =	sdelay $0x3  }
0x36: {  	p1 =	seq.s32 s10, $0x1;
	s10 =	sld [smem:$0x3FB7];
	_ =	sdelay $0x3  }
0x37: {  	[smem:$0x3FB7] =	sst s10  }
0x38: {  	s10 =	sld [smem:$0x3FB8]  }
0x39: {  	_ = 	snop;
	(pc) =	sbr.ind lr, $3  }
0x3a: {  	_ = 	snop  }
0x3b: {  	_ = 	snop  }
0x3c: {  	p2 =	seq.s32 s10, $0x1;
	s10 =	sld [smem:$0x3FB7]  }
0x3d: {  	_ =	shalt  }
0x3e: {  	_ =	shalt  }
0x3f: {  	_ =	shalt  }
0x40: {  	_ =	shalt  }
0x41: {  	_ =	shalt  }
0x42: {  	_ =	shalt  }
0x43: {  	_ =	shalt  }
0x44: {  	_ =	shalt  }
0x45: {  	_ =	shalt  }
0x46: {  	_ =	shalt  }
0x47: {  	_ =	shalt  }
0x48: {  	_ =	shalt  }
0x49: {  	_ =	shalt  }
0x4a: {  	_ =	shalt  }
0x4b: {  	_ =	shalt  }
0x4c: {  	_ =	shalt  }
0x4d: {  	_ =	shalt  }
0x4e: {  	_ =	shalt  }
0x4f: {  	_ =	shalt  }
0x50: {  	_ =	shalt  }
0x51: {  	_ =	shalt  }
0x52: {  	_ =	shalt  }
0x53: {  	_ =	shalt  }
0x54: {  	_ =	shalt  }
0x55: {  	_ =	shalt  }
0x56: {  	_ =	shalt  }
0x57: {  	_ =	shalt  }
0x58: {  	_ =	shalt  }
0x59: {  	_ =	shalt  }
0x5a: {  	_ =	shalt  }
0x5b: {  	_ =	shalt  }
0x5c: {  	_ =	shalt  }
0x5d: {  	_ =	shalt  }
0x5e: {  	_ =	shalt  }
0x5f: {  	_ =	shalt  }
0x60: {  	_ =	shalt  }
0x61: {  	_ =	shalt  }
0x62: {  	_ =	shalt  }
0x63: {  	_ =	shalt  }
0x64: {  	_ =	shalt  }
0x65: {  	_ =	shalt  }
0x66: {  	_ =	shalt  }
0x67: {  	_ =	shalt  }
0x68: {  	_ =	shalt  }
0x69: {  	_ =	shalt  }
0x6a: {  	_ =	shalt  }
0x6b: {  	_ =	shalt  }
0x6c: {  	_ =	shalt  }
0x6d: {  	_ =	shalt  }
0x6e: {  	_ =	shalt  }
0x6f: {  	_ =	shalt  }
0x70: {  	_ =	shalt  }
0x71: {  	_ =	shalt  }
0x72: {  	_ =	shalt  }
0x73: {  	_ =	shalt  }
0x74: {  	_ =	shalt  }
0x75: {  	_ =	shalt  }
0x76: {  	_ =	shalt  }
0x77: {  	_ =	shalt  }
0x78: {  	_ =	shalt  }
0x79: {  	_ =	shalt  }
0x7a: {  	_ =	shalt  }
0x7b: {  	_ =	shalt  }
0x7c: {  	_ =	shalt  }
0x7d: {  	_ =	shalt  }
0x7e: {  	_ =	shalt  }
0x7f: {  	_ =	shalt  }
0x80: {  	_ =	shalt  }
0x81: {  	_ =	shalt  }
0x82: {  	_ =	shalt  }
0x83: {  	_ =	shalt  }
0x84: {  	_ =	shalt  }
0x85: {  	_ =	shalt  }
0x86: {  	_ =	shalt  }
0x87: {  	_ =	shalt  }
.Lfunc_end0:
.L_simem_size_0:
called_computation.1_lowered:
.L_overlay_start_0:
0x88: {  	s2 =	sld [smem:$0x3FD9]  }
0x89: {  	s3 =	sld [smem:$0x3FFE];
	_ =	sdelay $0x1  }
0x8a: {  	s1 =	srdreg.scid  }
0x8b: {  	s0 =	sand.u32 $0x1, s1  }
0x8c: {  	s17 =	sshll.u32 s0, $0xA;
	s2 =	sadd.s32 s3, s2  }
0x8d: {  	s2 =	sadd.s32 s2, s17  }
0x8e: {  	[smem:$0x3FC3] =	sst s2  }
0x8f: {  	_ = 	snop  }
0x90: {  	s2 =	sld [smem:$0x3FD0];
	(tm) =	ssettm $0x1  }
0x91: {  	s18 =	sld [smem:$0x3FFB];
	_ =	sdelay $0x3  }
0x92: {  	_ =	strace s18  }
0x93: {  	s3 =	sld [smem:$0x3FFC];
	_ =	sdelay $0x3  }
0x94: {  	_ =	strace s3  }
0x95: {  	s3 =	sld [smem:$0x3FFD];
	_ =	sdelay $0x3  }
0x96: {  	_ =	strace s3  }
0x97: {  	_ =	strace $0x8FFFFFFF  }
0x98: {  	s19 =	sld [smem:$0x3FDB];
	_ =	sdelay $0x1  }
0x99: {  	s4 =	simm.s32 $_scs_section_size  }
0x9a: {  	s5 =	simm.s32 $_size__tile_overlayer_lowered;
	s6 =	simm.s32 $_tile_overlayer_lowered  }
0x9b: {  	s22 =	simm.s32 $0x1BFF;
	s21 =	sshll.u32 s6, $0x1;
	s3 =	sadd.s32 s4, s19  }
0x9c: {  	s7 =	simm.s32 $0x0;
	s20 =	sshll.u32 s5, $0x1;
	s5 =	sadd.s32 s21, s3  }
0x9d: {  	[timem:s7], [sflag:s22] =	dma.local [hbm:s5], s20  }
0x9e: {  	_ =	swait.ge [sflag:s22], s20  }
0x9f: {  	s4 =	ssub.s32 $0x0, s20;
	[sflag:s22] =	ssyncset.done $0x0  }
0xa0: {  	[sflag:s22] =	ssyncadd.s32 s4;
	_ =	sdelay $0x1  }
0xa1: {  	s23 =	simm.s32 $0x1B8B  }
0xa2: {  	_ =	swait.ge [sflag:s23], $0x1  }
0xa3: {  	[sflag:s23] =	ssyncset.done $0x0  }
0xa4: {  	s25 =	simm.s32 $0x1B8E;
	s24 =	sld [smem:$0x3FFE];
	[sflag:s23] =	ssyncadd.s32 $0xFFFFFFFF  }
0xa5: {  	s26 =	simm.s32 $execute0_lowered;
	[smem:$0x3FD2] =	sst s25  }
0xa6: {  	s5 =	sshll.u32 s26, $0x1;
	_ =	strace $0x80000049;
	[dreg:$0x1] =	wrdreg $0xFFFFFFFF  }
0xa7: {  	s28 =	simm.s32 $_size_execute0_lowered;
	s3 =	sadd.s32 s3, s5;
	[dreg:$0x0] =	wrdreg $0x0  }
0xa8: {  	s5 =	sshll.u32 s28, $0x1;
	[dreg:$0x2] =	wrdreg s3  }
0xa9: {  	[dreg:$0x3] =	wrdreg s5  }
0xaa: {  	[dreg:$0x4] =	wrdreg $0xC0  }
0xab: {  	_ =	task [dreg:s7], $0x5FFFF  }
0xac: {  	[dreg:$0x1] =	wrdreg $0xFFFFFFFF  }
0xad: {  	[dreg:$0x0] =	wrdreg $0x60  }
0xae: {  	[dreg:$0x2] =	wrdreg s24  }
0xaf: {  	[dreg:$0x3] =	wrdreg s2  }
0xb0: {  	[dreg:$0x4] =	wrdreg $0x9E000  }
0xb1: {  	[dreg:$0x5] =	wrdreg $0x9  }
0xb2: {  	_ =	task.clear_ibuf [dreg:s7], $0x6FFFF;
	_ =	strace $0x90000049  }
0xb3: {  	s29 =	simm.s32 $0x9;
	_ =	strace $0x8000004B  }
0xb4: {  	_ =	swait.ge [sflag:s29], $0x1  }
0xb5: {  	[sflag:s29] =	ssyncadd.s32 $0xFFFFFFFF  }
0xb6: {  	_ =	strace $0x9000004B  }
0xb7: {  	_ =	sfence  }
0xb8: {  	s30 =	sld [smem:$0x0];
	_ =	sdelay $0x2  }
0xb9: {  	s31 =	sshll.u32 s1, $0xD;
	s1 =	sshrl.u32 s1, $0x2  }
0xba: {  	s3 =	sand.u32 $0x4000, s31;
	s1 =	sadd.s32 s1, s30  }
0xbb: {  	s0 =	sor.u32 s3, s0;
	s1 =	sshll.u32 s1, $0x11  }
0xbc: {  	s0 =	sor.u32 s1, s0  }
0xbd: {  	s0 =	sadd.s32 $0x8F2B, s0  }
0xbe: {  	[sflag:s0] =	ssyncadd.remote.s32 $0x1  }
0xbf: {  	_ =	sfence.sel $0xFFFF  }
0xc0: {  	[dreg:$0x0] =	wrdreg $0xFFFFFFFF;
	(pc) =	sbr.abs _section_cstart, $3  }
0xc1: {  	[dreg:$0x1] =	wrdreg $0xFFFFFFFF  }
0xc2: {  	_ =	task.clear_ibuf [dreg:s7], $0x2FFFF;
	_ =	strace $0x9FFFFFFF  }
0xc3: {  	(tm) =	ssettm $0x7FFFFFFF  }
tec
execute0_lowered:
.L_overlay_start_1:
0x0: {  	(tag) =	ssettag $0x1  }
0x1: {  	s7 =	rddreg [dreg:$0x0]  }
0x2: {  	s12 =	rddreg [dreg:$0x1]  }
0x3: {  	s0 =	srdreg.scid;
	s2 =	rddreg [dreg:$0x2];
	s5 =	simm.s32 $0x1  }
0x4: {  	s3 =	simm.s32 $0x0;
	s19 =	simm.s32 $0x40;
	s20 =	simm.s32 $0x7D00  }
0x5: {  	s21 =	simm.s32 $0x7E00;
	s22 =	simm.s32 $0x7D80;
	s23 =	simm.s32 $0x2  }
0x6: {  	s24 =	simm.s32 $0x0;
	s8 =	sand.u32 $0x1, s0;
	s0 =	stileid.u32  }
0x7: {  	[smem:$0x7FF] =	sst s3;
	s1 =	sshll.u32 s8, $0x4;
	s13 =	smul.u32 $0x2780, s0  }
0x8: {  	s29 =	sand.u32 $0x3, s0;
	s15 =	ssub.s32 $0x2, s8;
	s16 =	smul.u32 $0x4F000, s0  }
0x9: {  	s30 =	sshll.u32 s0, $0x6;
	s18 =	smul.u32 $0x27800, s8;
	s9 =	sor.u32 s0, s1  }
0xa: {  	p1 =	sne.s32 s29, $0x0;
	s1 =	rddreg [dreg:$0x3];
	_ =	strace $0x8000004A  }
0xb: {  	s17 =	sshrl.u32 s15, $0x1;
	s8 =	sor.u32 $0x1C03, s30;
	p0 =	seq.s32 s9, $0x0  }
0xc: {  	s10 =	smul.u32 $0x9C, s9;
	s4 =	sshrl.u32 s9, $0x2;
	p0 =	por !p1, !p0  }
0xd: {  	s15 =	ssub.s32 s15, s17;
	s16 =	sshrl.u32 s16, $0x2;
	p0 =	por !p0, !p0  }
0xe: {  	s9 =	sadd.s32 $0x1, s9;
	s4 =	sadd.s32 s4, s10;
	s5 =	simm.s32 @!p0 $0x0  }
0xf: {  	s17 =	simm.s32 $0x2E00;
	s9 =	sshrl.u32 s9, $0x2;
	s11 =	ssub.s32 s4, s5  }
0x10: {  	s16 =	sadd.s32 s16, s2;
	s10 =	sadd.s32 s9, s10;
	s6 =	sshll.u32 s11, $0x3  }
0x11: {  	s4 =	sadd.s32 $0x1200, s7;
	s11 =	ssub.s32 s10, s11;
	s6 =	sand.u32 $0x1FFFFFF8, s6  }
0x12: {  	s5 =	simm.s32 $0x1;
	s31 =	sadd.s32 $0x9C, s11;
	s14 =	sadd.s32 s6, s7  }
.Ltmp0:
0x13: {  	s6 =	sadd.s32 $0x15000, s7;
	s7 =	sadd.s32 s13, s7;
	(pc) =	sbr.rel .LBB2_1-.Ltmp0, $4  }
0x14: {  	s13 =	sadd.s32 s13, s18;
	s11 =	sshll.u32 s31, $0x2;
	p0 =	slt.s32 s31, $0x1  }
0x15: {  	s18 =	simm.s32 $0x5580;
	s7 =	sadd.s32 $0x3C800, s7;
	s9 =	sadd.s32 $0xB200, s14  }
0x16: {  	v0 =	vimm.s32 $0x0;
	v1 =	vimm.s32 $0x1;
	v2 =	vlaneseq.u32;
	s10 =	sadd.s32 $0x1400, s14;
	s12 =	sadd.s32 s12, s13;
	s13 =	smax.u32 s15, $0x1  }
0x17: {  	v3 =	vor.u32 $0x10, v2;
	v4 =	vor.u32 $0x20, v2;
	v5 =	vor.u32 $0x30, v2;
	s14 =	sshrl.u32 s16, $0x3;
	s15 =	simm.s32 $0x3;
	s16 =	simm.s32 $0x2780  }
.LBB2_15:
0x18: {  	[tilespmem:$0x7DB0] =	vst v7  }
0x19: {  	[tilespmem:s21], [sflag:$0x1] =	stream.indirect.gather [hbm4b:s6+s19], $0x80, s20, s19, $0xb8;
	[tilespmem:$0x1DA00] =	vst v63  }
0x1a: {  	_ =	swait.ge [sflag:s5], $0x2000  }
0x1b: {  	[sflag:s5] =	ssyncset.done $0x0  }
0x1c: {  	[sflag:s5] =	ssyncadd.s32 $0xFFFFE000  }
0x1d: {  	[spmem:s2] =	stream.indirect.scatter.add.f32 [tilespmem:s21], [sflag:$0x2], $0x80, s22, s19, $0xb8;
	[tilespmem:$0x1DA00] =	vst v63  }
0x1e: {  	_ =	swait.ge [sflag:s23], $0x2000  }
0x1f: {  	[sflag:s23] =	ssyncset.done $0x0  }
0x20: {  	[sflag:s23] =	ssyncadd.s32 $0xFFFFE000  }
.LBB2_16:
0x21: {  	s24 =	sadd.s32 $0x1, s24  }
0x22: {  	p1 =	sne.s32 s24, s13  }
.Ltmp1:
0x23: {  	[bflag:$0x0] =	sbarrier.arrive $0xFFFF;
	(pc) =	sbr.rel @!p1 .LBB2_17-.Ltmp1, $4  }
0x24: {  	[hbm:s12], [sflag:s8] =	dma.local [spmem:s14], $0x2780  }
0x25: {  	_ =	swait.ge [sflag:s15], $0x2780  }
0x26: {  	[sflag:s15] =	ssyncset.done $0x0  }
0x27: {  	[sflag:s15] =	ssyncadd.s32 $0xFFFFD880  }
.LBB2_1:
0x28: {  	[spmem:s14], [sflag:s8] =	dma.local [hbm:s7], $0x2780  }
0x29: {  	_ =	swait.ge [sflag:s15], $0x2780  }
0x2a: {  	[sflag:s15] =	ssyncset.done $0x0  }
0x2b: {  	[sflag:s15] =	ssyncadd.s32 $0xFFFFD880  }
0x2c: {  	[tilespmem:s16], [sflag:$0x3] =	stream.linear.gather [hbm4b:s4+s3], $0x680, $0x38;
	[tilespmem:$0x1DA00] =	vst v63  }
0x2d: {  	_ =	swait.ge [sflag:s15], $0x680  }
0x2e: {  	[sflag:s15] =	ssyncset.done $0x0  }
0x2f: {  	s25 =	simm.s32 $0x0;
	[sflag:s15] =	ssyncadd.s32 $0xFFFFF980  }
.LBB2_2:
0x30: {  	p1 =	sne.s32 s25, $0x9DC0  }
.Ltmp2:
0x31: {  	_ = 	snop;
	(pc) =	sbr.rel @p1 .LBB2_2-.Ltmp2, $3  }
0x32: {  	_ =	sdelay $0x1  }
0x33: {  	s26 =	sshra.s32 s25, $0x2  }
0x34: {  	s25 =	sadd.s32 $0x40, s25;
	[tilespmem:s26+$0x0] =	vst v0  }
0x35: {  	s26 =	simm.s32 $0x0;
	s25 =	simm.s32 $0x40  }
.LBB2_4:
0x36: {  	p1 =	sne.s32 s25, $0x18C0;
	v6 =	vld [tilespmem:s26+$0x2780];
	_ =	sdelay $0x3  }
.Ltmp3:
0x37: {  	(pc) =	sbr.rel @p1 .LBB2_4-.Ltmp3, $2  }
0x38: {  	_ =	sdelay $0x2  }
0x39: {  	s26 =	sshra.s32 s25, $0x2;
	s25 =	sadd.s32 $0x40, s25;
	[tilespmem:v6+s3+$0x0] =	vst.idx.msk $0xffff, v1  }
0x3a: {  	v6 =	vld [tilespmem:s26+$0x2780];
	_ =	sdelay $0x7  }
0x3b: {  	s25 =	simm.s32 $0x0;
	s26 =	simm.s32 $0x2E00;
	[tilespmem:v6+s3+$0x0] =	vst.idx.msk $0xffff, v1  }
0x3c: {  	[tilespmem:s26], [sflag:$0x3] =	stream.linear.gather [hbm4b:s9+s25], $0x2740, $0x38;
	[tilespmem:$0x1DA00] =	vst v63  }
0x3d: {  	_ =	swait.ge [sflag:s15], $0x2740  }
0x3e: {  	[sflag:s15] =	ssyncset.done $0x0  }
0x3f: {  	s30 =	simm.s32 $0x5580;
	[sflag:s15] =	ssyncadd.s32 $0xFFFFD8C0  }
0x40: {  	[tilespmem:s30], [sflag:$0x3] =	stream.linear.gather [hbm4b:s10+s25], $0x2740, $0x38;
	[tilespmem:$0x1DA00] =	vst v63  }
.Ltmp4:
0x41: {  	_ =	swait.ge [sflag:s15], $0x2740;
	(pc) =	sbr.rel @p0 .LBB2_12-.Ltmp4, $3  }
0x42: {  	[sflag:s15] =	ssyncset.done $0x0  }
0x43: {  	[sflag:s15] =	ssyncadd.s32 $0xFFFFD8C0  }
0x44: {  	[bflag:$0x0] =	sbarrier.arrive $0xFFFF;
	_ =	sdelay $0x1  }
0x45: {  	v6 =	vld [tilespmem:s26+$0x0];
	_ =	sdelay $0x1  }
0x46: {  	s29 =	sadd.s32 $0x1, s25  }
0x47: {  	p2 =	slt.u32 s29, s11  }
.Ltmp5:
0x48: {  	_ = 	snop;
	(pc) =	sbr.rel @!p2 .LBB2_7-.Ltmp5, $3  }
0x49: {  	_ =	sdelay $0x1  }
0x4a: {  	v7 =	vld [tilespmem:s30+$0x0]  }
0x4b: {  	p1 =	por $0x0, $0x0;
	v8 =	vld.idx.msk [tilespmem:v6+s3+$0x0], $0xffff  }
0x4c: {  	_ =	sdelay $0x6  }
0x4d: {  	v9 =	vld.idx.msk [tilespmem:v7+s3+$0x0], $0xffff;
	_ =	sdelay $0x4  }
0x4e: {  	v8 =	vand.u32 v8, v9  }
0x4f: {  	vm0 =	vne.s32 v8, $0x0  }
0x50: {  	v8 =	vsel vm0, $0x1, v0  }
0x51: {  	(xrf0) =	vadd.scan.msk.s32 $0xffff, v8;
	_ =	sdelay $0x4  }
0x52: {  	v8 =	vsel vm0, $0xFFFFFFFF, v0  }
0x53: {  	v8 =	vadd.s32 s25, v8;
	v9, _, _ =	vpop (xrf0)  }
0x54: {  	v8 =	vadd.s32 v9, v8;
	(v2sf) =	vpush v9, $0xF;
	_ =	sdelay $0x4  }
0x55: {  	[tilespmem:v8+s17+$0x0] =	vst.idx.msk vm0, v6  }
0x56: {  	s28 =	sadd.s32 $0x10, s26;
	[tilespmem:v8+s18+$0x0] =	vst.idx.msk vm0, v7  }
0x57: {  	s30 =	sadd.s32 $0x10, s30;
	v6 =	vld [tilespmem:s28+$0x0]  }
0x58: {  	v7 =	vld [tilespmem:s30+$0x0]  }
0x59: {  	s29 =	sadd.s32 $0x1, s29  }
0x5a: {  	p2 =	slt.u32 s29, s11  }
.Ltmp6:
0x5b: {  	_ = 	snop;
	(pc) =	sbr.rel @!p2 .LBB2_9-.Ltmp6, $2  }
0x5c: {  	_ =	sdelay $0x2  }
0x5d: {  	p1 =	por $0x1, $0x1;
	s26 =	simm.s32 $0x0;
	v8 =	vld.idx.msk [tilespmem:v6+s3+$0x0], $0xffff;
	s31 =	spop (v2sf)  }
.LBB2_10:
0x5e: {  	s29 =	sadd.s32 $0x1, s29;
	v9 =	vld.idx.msk [tilespmem:v7+s3+$0x0], $0xffff;
	s26 =	sadd.s32 s26, s31  }
0x5f: {  	p2 =	slt.u32 s29, s11;
	_ =	sdelay $0x4  }
0x60: {  	v8 =	vand.u32 v8, v9  }
0x61: {  	vm0 =	vne.s32 v8, $0x0  }
0x62: {  	v8 =	vsel vm0, $0xFFFFFFFF, v0;
	v9 =	vsel vm0, $0x1, v0  }
0x63: {  	(xrf0) =	vadd.scan.msk.s32 $0xffff, v9;
	_ =	sdelay $0x5  }
0x64: {  	v8 =	vadd.s32 s26, v8;
	v9, _, _ =	vpop (xrf0)  }
0x65: {  	v8 =	vadd.s32 v9, v8;
	(v2sf) =	vpush v9, $0xF;
	_ =	sdelay $0x4  }
0x66: {  	[tilespmem:v8+s17+$0x0] =	vst.idx.msk vm0, v6  }
0x67: {  	s28 =	sadd.s32 $0x10, s28;
	[tilespmem:v8+s18+$0x0] =	vst.idx.msk vm0, v7  }
0x68: {  	s30 =	sadd.s32 $0x10, s30;
	v6 =	vld [tilespmem:s28+$0x0]  }
0x69: {  	v7 =	vld [tilespmem:s30+$0x0];
	_ =	sdelay $0x2  }
.Ltmp7:
0x6a: {  	(pc) =	sbr.rel @p2 .LBB2_10-.Ltmp7, $2  }
0x6b: {  	_ =	sdelay $0x2  }
0x6c: {  	v8 =	vld.idx.msk [tilespmem:v6+s3+$0x0], $0xffff;
	s31 =	spop (v2sf)  }
.LBB2_11:
0x6d: {  	_ =	sdelay $0x3  }
0x6e: {  	v9 =	vld.idx.msk [tilespmem:v7+s3+$0x0], $0xffff;
	_ =	sdelay $0x4  }
0x6f: {  	v8 =	vand.u32 v8, v9  }
0x70: {  	vm0 =	vne.s32 v8, $0x0  }
0x71: {  	v8 =	vsel vm0, $0x1, v0  }
0x72: {  	(xrf0) =	vadd.scan.msk.s32 $0xffff, v8;
	_ =	sdelay $0x5  }
0x73: {  	v8, _, _ =	vpop (xrf0)  }
0x74: {  	(v2sf) =	vpush v8, $0xF;
	_ =	sdelay $0x6  }
0x75: {  	s26 =	sadd.s32 @p1 s26, s31  }
0x76: {  	s25 =	smov.u32 @p1 s26;
	v63 =	vsel vm0, $0xFFFFFFFF, v0  }
0x77: {  	v9 =	vadd.s32 s25, v63  }
0x78: {  	v8 =	vadd.s32 v8, v9;
	_ =	sdelay $0x4  }
0x79: {  	[tilespmem:v8+s17+$0x0] =	vst.idx.msk vm0, v6;
	s31 =	spop (v2sf)  }
0x7a: {  	[tilespmem:v8+s18+$0x0] =	vst.idx.msk vm0, v7;
	s25 =	sadd.s32 s25, s31  }
.LBB2_12:
0x7b: {  	s26 =	sadd.s32 $0x3F, s25  }
0x7c: {  	s28 =	sand.u32 $0x3F, s26  }
0x7d: {  	s29 =	sshra.s32 s26, $0x1F;
	p1 =	slt.s32 s26, $0x1;
	p2 =	sne.s32 s28, $0x0  }
0x7e: {  	s31 =	sshrl.u32 s29, $0x1A;
	p1 =	por !p1, !p2  }
0x7f: {  	s28 =	simm.s32 $0x1;
	s26 =	sadd.s32 s31, s26;
	p1 =	por !p1, !p1  }
0x80: {  	s26 =	sshra.s32 s26, $0x6;
	s28 =	simm.s32 @!p1 $0x0  }
0x81: {  	s29 =	ssub.s32 s26, s28  }
0x82: {  	p1 =	slt.s32 s29, $0x1  }
.Ltmp8:
0x83: {  	_ = 	snop;
	(pc) =	sbr.rel @p1 .LBB2_16-.Ltmp8, $1  }
0x84: {  	_ =	sdelay $0x3  }
0x85: {  	p1 =	por $0x1, $0x1  }
0x86: {  	s28 =	simm.s32 @!p1 $0x2  }
0x87: {  	_ =	swait.ge @!p1 [sflag:s28], $0x2000  }
0x88: {  	[sflag:s28] =	ssyncset.done @!p1 $0x0  }
0x89: {  	s26 =	simm.s32 $0x2E20;
	[sflag:s28] =	ssyncadd.s32 @!p1 $0xFFFFE000  }
0x8a: {  	s30 =	simm.s32 $0x55A0;
	v7 =	vld [tilespmem:s26+$0xFFFFFFE0]  }
0x8b: {  	v8 =	vld [tilespmem:s30+$0xFFFFFFE0]  }
0x8c: {  	s28 =	simm.s32 $0x0  }
0x8d: {  	v6 =	vmov s25;
	v9 =	vor.u32 s28, v2  }
0x8e: {  	vm0 =	vlt.s32 v9, v6  }
0x8f: {  	v7 =	vsel vm0, v7, v2  }
0x90: {  	[tilespmem:$0x7D00] =	vst v7;
	v7 =	vnsel vm0, $0x2710, v8  }
0x91: {  	[tilespmem:$0x7D80] =	vst v7  }
0x92: {  	v7 =	vld [tilespmem:s26+$0xFFFFFFF0]  }
0x93: {  	v8 =	vld [tilespmem:s30+$0xFFFFFFF0]  }
0x94: {  	s31 =	simm.s32 $0x10  }
0x95: {  	v61 =	vor.u32 s31, v2  }
0x96: {  	vm13 =	vlt.s32 v61, v6  }
0x97: {  	v7 =	vsel vm13, v7, v3  }
0x98: {  	[tilespmem:$0x7D10] =	vst v7;
	v7 =	vnsel vm13, $0x2710, v8  }
0x99: {  	[tilespmem:$0x7D90] =	vst v7  }
0x9a: {  	v7 =	vld [tilespmem:s26+$0x0]  }
0x9b: {  	v8 =	vld [tilespmem:s30+$0x0]  }
0x9c: {  	s31 =	simm.s32 $0x20  }
0x9d: {  	v62 =	vor.u32 s31, v2  }
0x9e: {  	vm14 =	vlt.s32 v62, v6  }
0x9f: {  	v7 =	vsel vm14, v7, v4  }
0xa0: {  	[tilespmem:$0x7D20] =	vst v7;
	v7 =	vnsel vm14, $0x2710, v8  }
0xa1: {  	[tilespmem:$0x7DA0] =	vst v7  }
0xa2: {  	s25 =	sadd.s32 $0xFFFFFFFF, s29;
	v7 =	vld [tilespmem:s26+$0x10]  }
0xa3: {  	p1 =	sne.s32 s25, $0x0;
	v8 =	vld [tilespmem:s30+$0x10]  }
.Ltmp9:
0xa4: {  	s31 =	simm.s32 $0x30;
	(pc) =	sbr.rel @!p1 .LBB2_15-.Ltmp9, $4  }
0xa5: {  	v63 =	vor.u32 s31, v2  }
0xa6: {  	vm15 =	vlt.s32 v63, v6  }
0xa7: {  	v7 =	vsel vm15, v7, v5  }
0xa8: {  	s29 =	simm.s32 $0x55E0;
	[tilespmem:$0x7D30] =	vst v7;
	v7 =	vnsel vm15, $0x2710, v8  }
.LBB2_14:
0xa9: {  	s25 =	sadd.s32 $0xFFFFFFFF, s25;
	[tilespmem:$0x7DB0] =	vst v7;
	s28 =	sadd.s32 $0x40, s28;
	s26 =	sadd.s32 $0x40, s26  }
0xaa: {  	[tilespmem:s21], [sflag:$0x1] =	stream.indirect.gather [hbm4b:s6+s19], $0x80, s20, s19, $0xb8;
	[tilespmem:$0x1DA00] =	vst v63  }
0xab: {  	p1 =	sne.s32 s25, $0x0;
	_ =	swait.ge [sflag:s5], $0x2000  }
0xac: {  	p2 =	seq.s32 s28, $0x0;
	[sflag:s5] =	ssyncset.done $0x0  }
0xad: {  	s30 =	simm.s32 @!p2 $0x2;
	[sflag:s5] =	ssyncadd.s32 $0xFFFFE000  }
0xae: {  	[spmem:s2] =	stream.indirect.scatter.add.f32 [tilespmem:s21], [sflag:$0x2], $0x80, s22, s19, $0xb8;
	[tilespmem:$0x1DA00] =	vst v63  }
0xaf: {  	_ =	swait.ge @!p2 [sflag:s30], $0x2000  }
0xb0: {  	[sflag:s30] =	ssyncset.done @!p2 $0x0  }
0xb1: {  	[sflag:s30] =	ssyncadd.s32 @!p2 $0xFFFFE000  }
0xb2: {  	v7 =	vld [tilespmem:s26+$0xFFFFFFE0]  }
0xb3: {  	v8 =	vld [tilespmem:s29+$0xFFFFFFE0];
	_ =	sdelay $0x1  }
0xb4: {  	v9 =	vor.u32 s28, v2  }
0xb5: {  	vm0 =	vlt.s32 v9, v6  }
0xb6: {  	v7 =	vsel vm0, v7, v2  }
0xb7: {  	[tilespmem:$0x7D00] =	vst v7;
	v7 =	vnsel vm0, $0x2710, v8  }
0xb8: {  	[tilespmem:$0x7D80] =	vst v7  }
0xb9: {  	v7 =	vld [tilespmem:s26+$0xFFFFFFF0]  }
0xba: {  	v8 =	vld [tilespmem:s29+$0xFFFFFFF0]  }
0xbb: {  	s30 =	sadd.s32 $0x10, s28  }
0xbc: {  	v9 =	vor.u32 s30, v2  }
0xbd: {  	vm0 =	vlt.s32 v9, v6  }
0xbe: {  	v7 =	vsel vm0, v7, v3  }
0xbf: {  	[tilespmem:$0x7D10] =	vst v7;
	v7 =	vnsel vm0, $0x2710, v8  }
0xc0: {  	[tilespmem:$0x7D90] =	vst v7  }
0xc1: {  	v7 =	vld [tilespmem:s26+$0x0]  }
0xc2: {  	v8 =	vld [tilespmem:s29+$0x0]  }
0xc3: {  	s30 =	sadd.s32 $0x20, s28  }
0xc4: {  	v9 =	vor.u32 s30, v2  }
0xc5: {  	vm0 =	vlt.s32 v9, v6  }
0xc6: {  	v7 =	vsel vm0, v7, v4  }
0xc7: {  	[tilespmem:$0x7D20] =	vst v7;
	v7 =	vnsel vm0, $0x2710, v8  }
0xc8: {  	[tilespmem:$0x7DA0] =	vst v7  }
0xc9: {  	v7 =	vld [tilespmem:s26+$0x10]  }
0xca: {  	v8 =	vld [tilespmem:s29+$0x10]  }
.Ltmp10:
0xcb: {  	s30 =	sadd.s32 $0x30, s28;
	(pc) =	sbr.rel @p1 .LBB2_14-.Ltmp10, $4  }
0xcc: {  	v9 =	vor.u32 s30, v2  }
0xcd: {  	vm0 =	vlt.s32 v9, v6  }
0xce: {  	v7 =	vsel vm0, v7, v5  }
0xcf: {  	s29 =	sadd.s32 $0x40, s29;
	[tilespmem:$0x7D30] =	vst v7;
	v7 =	vnsel vm0, $0x2710, v8  }
.Ltmp11:
0xd0: {  	_ = 	snop;
	(pc) =	sbr.rel .LBB2_15-.Ltmp11, $1  }
0xd1: {  	_ =	sdelay $0x3  }
.LBB2_7:
.Ltmp12:
0xd2: {  	(pc) =	sbr.rel .LBB2_11-.Ltmp12, $2  }
0xd3: {  	_ =	sdelay $0x2  }
0xd4: {  	s26 =	simm.s32 $0x0  }
.LBB2_9:
.Ltmp13:
0xd5: {  	(pc) =	sbr.rel .LBB2_11-.Ltmp13, $2  }
0xd6: {  	_ =	sdelay $0x2  }
0xd7: {  	s26 =	simm.s32 $0x0  }
.LBB2_17:
0xd8: {  	_ =	sfence.sel $0x180000  }
0xd9: {  	[bflag:$0x0] =	sbarrier.arrive $0xFFFF  }
0xda: {  	p0 =	sne.s32 s0, $0x0;
	_ =	strace $0x9000004A  }
0xdb: {  	s0 =	sadd.s32 @!p0 $0x100000, s1;
	[bflag:$0x2] =	sbarrier.arrive $0xFFFF  }
0xdc: {  	[sflag:s0] =	ssyncadd.tile.s32 @!p0 $0x1;
	_ =	shalt  }
.Lfunc_end2:
_tile_overlayer_lowered:
.L_overlay_start_2:
0xdd: {  	(tag) =	ssettag $0x2  }
0xde: {  	s0 =	rddreg [dreg:$0x0];
	s2 =	stileid.u32  }
0xdf: {  	s1 =	rddreg [dreg:$0x1];
	p0 =	sne.s32 s2, $0x0  }
0xe0: {  	s3 =	rddreg [dreg:$0x2];
	[bflag:$0x3] =	sbarrier.arrive $0xFFFF;
	s2 =	simm.s32 @!p0 $0x1C03  }
0xe1: {  	[timem:s3], [sflag:s2] =	dma.local @!p0 [hbm:s0], s1  }
0xe2: {  	s0 =	simm.s32 @!p0 $0x3  }
0xe3: {  	_ =	swait.ge @!p0 [sflag:s0], s1  }
0xe4: {  	s1 =	ssub.s32 @!p0 $0x0, s1;
	[sflag:s0] =	ssyncset.done @!p0 $0x0  }
0xe5: {  	[sflag:s0] =	ssyncadd.s32 @!p0 s1  }
0xe6: {  	[bflag:$0x3] =	sbarrier.arrive $0xFFFF  }
0xe7: {  	_ =	shalt  }

// kernel: kernel.13.cloned.1.call-start
scs
__scs_entry_jumppad:
0x0: {  	(pc) =	sbr.rel $0x88, $3  }
0x1: {  	(tag) =	ssettag $0x0;
	lr =	simm.s32 $0x1  }
0x2: {  	[smem:$0x3F9C] =	sst lr;
	_ =	strace $0xD0000000  }
0x3: {  	_ = 	snop  }
0x4: {  	_ = 	snop  }
0x5: {  	_ = 	snop  }
0x6: {  	_ = 	snop  }
0x7: {  	_ = 	snop  }
__scs_overlays_trampoline_lowered:
0x8: {  	[smem:$0x3FAB] =	sst s0  }
0x9: {  	[smem:$0x3FAC] =	sst s1  }
0xa: {  	[smem:$0x3FAD] =	sst s2  }
0xb: {  	[smem:$0x3FAE] =	sst s3  }
0xc: {  	[smem:$0x3FAF] =	sst s4  }
0xd: {  	[smem:$0x3FB0] =	sst s5  }
0xe: {  	[smem:$0x3FB1] =	sst s6  }
0xf: {  	[smem:$0x3FB2] =	sst s7  }
0x10: {  	[smem:$0x3FB3] =	sst s8  }
0x11: {  	[smem:$0x3FB4] =	sst s9;
	s0 =	simm.s32 @!p0 $0x0  }
0x12: {  	s1 =	sld [smem:$0x3F9A];
	s0 =	simm.s32 @p0 $0x1  }
0x13: {  	[smem:$0x3FB5] =	sst s0;
	s0 =	simm.s32 @!p1 $0x0  }
0x14: {  	s2 =	sld [smem:$0x3F99];
	s0 =	simm.s32 @p1 $0x1  }
0x15: {  	[smem:$0x3FB6] =	sst s0;
	s0 =	simm.s32 @!p2 $0x0  }
0x16: {  	s3 =	sld [smem:$0x3FDB];
	s0 =	simm.s32 @p2 $0x1  }
0x17: {  	s4 =	simm.s32 $0x1BF5;
	[smem:$0x3FB8] =	sst s0  }
0x18: {  	s0 =	sld [smem:$0x3F9B];
	_ =	swait.ge [sflag:s4], $0x0  }
0x19: {  	s7 =	sld [smem:$0x3F9C]  }
0x1a: {  	s8 =	sadd.s32 $0xFFFFE003, lr  }
0x1b: {  	s9 =	sadd.s32 $0xFFFFFEF7, lr;
	s5 =	simm.s32 $0xFFFFFFFF;
	p2 =	slt.u32 s8, $0xFFFFF086  }
0x1c: {  	p1 =	slt.u32 s9, $0xF7A;
	s5 =	simm.s32 @!p2 $0x0  }
0x1d: {  	s5 =	simm.s32 @p1 $0x1;
	p0 =	seq.s32 s7, s2  }
0x1e: {  	s7 =	smul.u32 @!p0 $0xF7A, s2;
	p2 =	seq.s32 @!p0 s5, $0x0  }
0x1f: {  	s9 =	smul.u32 $0xF7A, s1;
	s8 =	simm.s32 @!p0 $0x1BF5;
	p2 =	por !p2, p0  }
0x20: {  	[sflag:s8] =	ssyncset.s32 @!p0 $0xFFFFF086;
	s6 =	sadd.s32 @!p0 s3, s7;
	s7 =	simm.s32 @!p0 $0x108  }
0x21: {  	s3 =	sadd.s32 s3, s9;
	s6 =	sadd.s32 @!p0 $0x88, s6;
	s7 =	simm.s32 @p2 $0x1082  }
0x22: {  	[simem:s7], [sflag:s8] =	dma.local @!p0 [hbm:s6], $0xF7A  }
0x23: {  	s9 =	sor.u32 $0xD0000000, s2;
	s6 =	simm.s32 $0x108;
	_ =	swait.ge @!p0 [sflag:s8], $0x0  }
0x24: {  	s3 =	sadd.s32 $0x88, s3;
	s6 =	simm.s32 @!p1 $0x1082;
	[sflag:s4] =	ssyncset.s32 $0xFFFFF086  }
0x25: {  	[simem:s6], [sflag:s4] =	dma.local [hbm:s3], $0xF7A  }
0x26: {  	[smem:$0x3F9C] =	sst s1;
	(tag) =	ssettag s2;
	_ =	strace s9  }
0x27: {  	s1 =	sld [smem:$0x3FAC]  }
0x28: {  	s2 =	sld [smem:$0x3FAD]  }
0x29: {  	s4 =	sld [smem:$0x3FAF]  }
0x2a: {  	p0 =	seq.s32 s5, $0x0;
	s5 =	sld [smem:$0x3FB0]  }
0x2b: {  	s6 =	sld [smem:$0x3FB1]  }
0x2c: {  	s7 =	sld [smem:$0x3FB2]  }
0x2d: {  	s3 =	simm.s32 $0x108;
	s8 =	sld [smem:$0x3FB3]  }
0x2e: {  	s3 =	simm.s32 @!p0 $0x1082;
	s9 =	sld [smem:$0x3FB4]  }
0x2f: {  	lr =	sadd.s32 s0, s3;
	s0 =	sld [smem:$0x3FAB]  }
0x30: {  	s3 =	sld [smem:$0x3FAE]  }
0x31: {  	[smem:$0x3FB7] =	sst s10  }
0x32: {  	s10 =	sld [smem:$0x3FB5];
	_ =	sdelay $0x3  }
0x33: {  	p0 =	seq.s32 s10, $0x1;
	s10 =	sld [smem:$0x3FB7];
	_ =	sdelay $0x3  }
0x34: {  	[smem:$0x3FB7] =	sst s10  }
0x35: {  	s10 =	sld [smem:$0x3FB6];
	_ =	sdelay $0x3  }
0x36: {  	p1 =	seq.s32 s10, $0x1;
	s10 =	sld [smem:$0x3FB7];
	_ =	sdelay $0x3  }
0x37: {  	[smem:$0x3FB7] =	sst s10  }
0x38: {  	s10 =	sld [smem:$0x3FB8]  }
0x39: {  	_ = 	snop;
	(pc) =	sbr.ind lr, $3  }
0x3a: {  	_ = 	snop  }
0x3b: {  	_ = 	snop  }
0x3c: {  	p2 =	seq.s32 s10, $0x1;
	s10 =	sld [smem:$0x3FB7]  }
0x3d: {  	_ =	shalt  }
0x3e: {  	_ =	shalt  }
0x3f: {  	_ =	shalt  }
0x40: {  	_ =	shalt  }
0x41: {  	_ =	shalt  }
0x42: {  	_ =	shalt  }
0x43: {  	_ =	shalt  }
0x44: {  	_ =	shalt  }
0x45: {  	_ =	shalt  }
0x46: {  	_ =	shalt  }
0x47: {  	_ =	shalt  }
0x48: {  	_ =	shalt  }
0x49: {  	_ =	shalt  }
0x4a: {  	_ =	shalt  }
0x4b: {  	_ =	shalt  }
0x4c: {  	_ =	shalt  }
0x4d: {  	_ =	shalt  }
0x4e: {  	_ =	shalt  }
0x4f: {  	_ =	shalt  }
0x50: {  	_ =	shalt  }
0x51: {  	_ =	shalt  }
0x52: {  	_ =	shalt  }
0x53: {  	_ =	shalt  }
0x54: {  	_ =	shalt  }
0x55: {  	_ =	shalt  }
0x56: {  	_ =	shalt  }
0x57: {  	_ =	shalt  }
0x58: {  	_ =	shalt  }
0x59: {  	_ =	shalt  }
0x5a: {  	_ =	shalt  }
0x5b: {  	_ =	shalt  }
0x5c: {  	_ =	shalt  }
0x5d: {  	_ =	shalt  }
0x5e: {  	_ =	shalt  }
0x5f: {  	_ =	shalt  }
0x60: {  	_ =	shalt  }
0x61: {  	_ =	shalt  }
0x62: {  	_ =	shalt  }
0x63: {  	_ =	shalt  }
0x64: {  	_ =	shalt  }
0x65: {  	_ =	shalt  }
0x66: {  	_ =	shalt  }
0x67: {  	_ =	shalt  }
0x68: {  	_ =	shalt  }
0x69: {  	_ =	shalt  }
0x6a: {  	_ =	shalt  }
0x6b: {  	_ =	shalt  }
0x6c: {  	_ =	shalt  }
0x6d: {  	_ =	shalt  }
0x6e: {  	_ =	shalt  }
0x6f: {  	_ =	shalt  }
0x70: {  	_ =	shalt  }
0x71: {  	_ =	shalt  }
0x72: {  	_ =	shalt  }
0x73: {  	_ =	shalt  }
0x74: {  	_ =	shalt  }
0x75: {  	_ =	shalt  }
0x76: {  	_ =	shalt  }
0x77: {  	_ =	shalt  }
0x78: {  	_ =	shalt  }
0x79: {  	_ =	shalt  }
0x7a: {  	_ =	shalt  }
0x7b: {  	_ =	shalt  }
0x7c: {  	_ =	shalt  }
0x7d: {  	_ =	shalt  }
0x7e: {  	_ =	shalt  }
0x7f: {  	_ =	shalt  }
0x80: {  	_ =	shalt  }
0x81: {  	_ =	shalt  }
0x82: {  	_ =	shalt  }
0x83: {  	_ =	shalt  }
0x84: {  	_ =	shalt  }
0x85: {  	_ =	shalt  }
0x86: {  	_ =	shalt  }
0x87: {  	_ =	shalt  }
.Lfunc_end0:
.L_simem_size_0:
called_computation.2_lowered:
.L_overlay_start_0:
0x88: {  	s2 =	sld [smem:$0x3FD9]  }
0x89: {  	s3 =	sld [smem:$0x3FFE];
	_ =	sdelay $0x1  }
0x8a: {  	s1 =	srdreg.scid  }
0x8b: {  	s0 =	sand.u32 $0x1, s1  }
0x8c: {  	s17 =	sshll.u32 s0, $0xA;
	s2 =	sadd.s32 s3, s2  }
0x8d: {  	s2 =	sadd.s32 s2, s17  }
0x8e: {  	[smem:$0x3FC3] =	sst s2  }
0x8f: {  	_ = 	snop  }
0x90: {  	s2 =	sld [smem:$0x3FD0];
	(tm) =	ssettm $0x1  }
0x91: {  	s18 =	sld [smem:$0x3FFB];
	_ =	sdelay $0x3  }
0x92: {  	_ =	strace s18  }
0x93: {  	s3 =	sld [smem:$0x3FFC];
	_ =	sdelay $0x3  }
0x94: {  	_ =	strace s3  }
0x95: {  	s3 =	sld [smem:$0x3FFD];
	_ =	sdelay $0x3  }
0x96: {  	_ =	strace s3  }
0x97: {  	_ =	strace $0x8FFFFFFF  }
0x98: {  	s19 =	sld [smem:$0x3FDB];
	_ =	sdelay $0x1  }
0x99: {  	s4 =	simm.s32 $_scs_section_size  }
0x9a: {  	s5 =	simm.s32 $_size__tile_overlayer_lowered;
	s6 =	simm.s32 $_tile_overlayer_lowered  }
0x9b: {  	s22 =	simm.s32 $0x1BFF;
	s21 =	sshll.u32 s6, $0x1;
	s3 =	sadd.s32 s4, s19  }
0x9c: {  	s7 =	simm.s32 $0x0;
	s20 =	sshll.u32 s5, $0x1;
	s5 =	sadd.s32 s21, s3  }
0x9d: {  	[timem:s7], [sflag:s22] =	dma.local [hbm:s5], s20  }
0x9e: {  	_ =	swait.ge [sflag:s22], s20  }
0x9f: {  	s4 =	ssub.s32 $0x0, s20;
	[sflag:s22] =	ssyncset.done $0x0  }
0xa0: {  	[sflag:s22] =	ssyncadd.s32 s4;
	_ =	sdelay $0x1  }
0xa1: {  	s23 =	simm.s32 $0x1B8B  }
0xa2: {  	_ =	swait.ge [sflag:s23], $0x1  }
0xa3: {  	[sflag:s23] =	ssyncset.done $0x0  }
0xa4: {  	s25 =	simm.s32 $0x1B8E;
	s24 =	sld [smem:$0x3FFE];
	[sflag:s23] =	ssyncadd.s32 $0xFFFFFFFF  }
0xa5: {  	s26 =	simm.s32 $execute0_lowered;
	[smem:$0x3FD2] =	sst s25  }
0xa6: {  	s5 =	sshll.u32 s26, $0x1;
	_ =	strace $0x8000004C;
	[dreg:$0x1] =	wrdreg $0xFFFFFFFF  }
0xa7: {  	s28 =	simm.s32 $_size_execute0_lowered;
	s3 =	sadd.s32 s3, s5;
	[dreg:$0x0] =	wrdreg $0x0  }
0xa8: {  	s5 =	sshll.u32 s28, $0x1;
	[dreg:$0x2] =	wrdreg s3  }
0xa9: {  	[dreg:$0x3] =	wrdreg s5  }
0xaa: {  	[dreg:$0x4] =	wrdreg $0xC0  }
0xab: {  	_ =	task [dreg:s7], $0x5FFFF  }
0xac: {  	[dreg:$0x1] =	wrdreg $0xFFFFFFFF  }
0xad: {  	[dreg:$0x0] =	wrdreg $0x60  }
0xae: {  	[dreg:$0x2] =	wrdreg s24  }
0xaf: {  	[dreg:$0x3] =	wrdreg s2  }
0xb0: {  	[dreg:$0x4] =	wrdreg $0x9  }
0xb1: {  	_ =	task.clear_ibuf [dreg:s7], $0x5FFFF;
	_ =	strace $0x9000004C  }
0xb2: {  	s29 =	simm.s32 $0x9;
	_ =	strace $0x8000004E  }
0xb3: {  	_ =	swait.ge [sflag:s29], $0x1  }
0xb4: {  	[sflag:s29] =	ssyncadd.s32 $0xFFFFFFFF  }
0xb5: {  	_ =	strace $0x9000004E  }
0xb6: {  	_ =	sfence  }
0xb7: {  	s30 =	sld [smem:$0x0];
	_ =	sdelay $0x2  }
0xb8: {  	s31 =	sshll.u32 s1, $0xD;
	s1 =	sshrl.u32 s1, $0x2  }
0xb9: {  	s3 =	sand.u32 $0x4000, s31;
	s1 =	sadd.s32 s1, s30  }
0xba: {  	s0 =	sor.u32 s3, s0;
	s1 =	sshll.u32 s1, $0x11  }
0xbb: {  	s0 =	sor.u32 s1, s0  }
0xbc: {  	s0 =	sadd.s32 $0x8F2B, s0  }
0xbd: {  	[sflag:s0] =	ssyncadd.remote.s32 $0x1  }
0xbe: {  	_ =	sfence.sel $0xFFFF  }
0xbf: {  	[dreg:$0x0] =	wrdreg $0xFFFFFFFF;
	(pc) =	sbr.abs _section_cstart, $3  }
0xc0: {  	[dreg:$0x1] =	wrdreg $0xFFFFFFFF  }
0xc1: {  	_ =	task.clear_ibuf [dreg:s7], $0x2FFFF;
	_ =	strace $0x9FFFFFFF  }
0xc2: {  	(tm) =	ssettm $0x7FFFFFFF  }
0xc3: {  	_ =	shalt  }
tec
execute0_lowered:
.L_overlay_start_1:
0x0: {  	(tag) =	ssettag $0x1  }
0x1: {  	s0 =	srdreg.scid  }
0x2: {  	s14 =	stileid.u32;
	s4 =	rddreg [dreg:$0x0]  }
0x3: {  	s2 =	rddreg [dreg:$0x1];
	s9 =	simm.s32 $0x1;
	s13 =	simm.s32 $0xFFFFFFFF  }
0x4: {  	s16 =	simm.s32 $0x2E00;
	s17 =	simm.s32 $0x5580;
	s18 =	simm.s32 $0xA480  }
0x5: {  	s28 =	simm.s32 $0x17C80;
	s29 =	simm.s32 $0x18480;
	s30 =	simm.s32 $0x18C80  }
0x6: {  	s31 =	simm.s32 $0x19480;
	s0 =	sand.u32 $0x1, s0;
	s3 =	sand.u32 $0x7, s14  }
0x7: {  	s6 =	sadd.s32 $0x1200, s4;
	s24 =	smul.u32 $0x4E000, s14;
	s1 =	sshll.u32 s0, $0x4  }
0x8: {  	p1 =	sne.s32 s3, $0x0;
	s3 =	simm.s32 $0x0;
	s23 =	smul.u32 $0x4E0000, s0  }
0x9: {  	s20 =	ssub.s32 $0x2, s0;
	s0 =	smul.u32 $0x4E0, s0;
	s1 =	sor.u32 s14, s1  }
0xa: {  	[smem:$0x7FF] =	sst s3;
	s21 =	sshrl.u32 s20, $0x1;
	s14 =	smul.u32 $0x4E, s14  }
0xb: {  	v0 =	vlaneseq.u32;
	p0 =	seq.s32 s1, $0x0;
	s7 =	smul.u32 $0x4E, s1;
	s8 =	sshrl.u32 s1, $0x3  }
0xc: {  	v1 =	vmul.u32 $0x2, v0;
	_ =	strace $0x8000004D;
	[dreg:$0x3] =	wrdreg s6;
	s11 =	sadd.s32 $0x1, s1  }
0xd: {  	s6 =	sadd.s32 $0x15000, s4;
	s1 =	sshll.u32 s1, $0x8;
	s25 =	sadd.s32 s24, s23  }
0xe: {  	v3 =	vor.u32 $0x1, v1;
	v5 =	vor.u32 $0x20, v1;
	v6 =	vor.u32 $0x21, v1;
	s23 =	simm.s32 $0x2;
	s24 =	simm.s32 $0x16480;
	p0 =	por !p1, !p0  }
0xf: {  	v9 =	vor.u32 $0x40, v1;
	v11 =	vor.u32 $0x41, v1;
	v12 =	vor.u32 $0x60, v1;
	s11 =	sshrl.u32 s11, $0x3;
	s1 =	sadd.s32 $0x2780, s1;
	s0 =	sor.u32 s0, s8  }
0x10: {  	v15 =	vor.u32 $0x61, v1;
	p0 =	por !p0, !p0;
	s5 =	sadd.s32 s8, s7;
	s7 =	sadd.s32 s11, s7;
	v2 =	vor.u32 s1, v1;
	v4 =	vor.u32 s1, v3  }
0x11: {  	s8 =	sshll.u32 s8, $0xC;
	s0 =	sadd.s32 s14, s0;
	v7 =	vor.u32 s1, v5;
	v8 =	vor.u32 s1, v6;
	v10 =	vor.u32 s1, v9;
	s9 =	simm.s32 @!p0 $0x0  }
0x12: {  	v13 =	vor.u32 s1, v11;
	v14 =	vor.u32 s1, v12;
	v16 =	vor.u32 s1, v15;
	s1 =	simm.s32 $0x19C80;
	s13 =	simm.s32 @!p0 $0x0;
	s10 =	ssub.s32 s5, s9  }
0x13: {  	s26 =	sshll.u32 s13, $0xC;
	s0 =	ssub.s32 s0, s9;
	s13 =	simm.s32 $0x0  }
0x14: {  	s5 =	sshll.u32 s10, $0x4;
	s7 =	ssub.s32 s7, s10;
	s10 =	sshll.u32 s10, $0xF  }
0x15: {  	s0 =	sshll.u32 s0, $0x7;
	s19 =	sand.u32 $0x1FFFFFF0, s5;
	s5 =	simm.s32 $0x1  }
0x16: {  	s7 =	sadd.s32 $0x4E, s7;
	s10 =	sadd.s32 $0x270000, s10;
	[dreg:$0x8] =	wrdreg s0  }
0x17: {  	s0 =	simm.s32 $0x3;
	s12 =	sadd.s32 s19, s4;
	s4 =	ssub.s32 s20, s21  }
0x18: {  	s10 =	sshrl.u32 s10, $0x3;
	p0 =	slt.s32 s7, $0x4F;
	s22 =	sadd.s32 $0xB200, s12  }
0x19: {  	s19 =	simm.s32 $0x7D00;
	s12 =	sadd.s32 $0x1400, s12;
	[dreg:$0x4] =	wrdreg s22  }
.Ltmp0:
0x1a: {  	s10 =	sadd.s32 s2, s10;
	[dreg:$0x5] =	wrdreg s12;
	(pc) =	sbr.rel .LBB2_1-.Ltmp0, $4  }
0x1b: {  	s20 =	simm.s32 $0x1A480;
	s4 =	smax.u32 s4, $0x1;
	[dreg:$0x6] =	wrdreg s10  }
0x1c: {  	v17 =	vimm.s32 $0x0;
	v18 =	vimm.s32 $0x1;
	p1 =	slt.s32 s7, $0x1;
	s10 =	sshll.u32 s7, $0x3;
	[dreg:$0x7] =	wrdreg s4  }
0x1d: {  	v19 =	vimm.f32 $0.0e+00;
	vm0 =	vmmov $0xffff;
	v21 =	vshrl.u32 v0, $0x3;
	s4 =	sadd.s32 s8, s25;
	s8 =	simm.s32 $0x4;
	s22 =	simm.s32 $0x12480  }
0x1e: {  	v20 =	vand.u32 $0x7, v0;
	v22 =	vor.u32 $0x8, v0;
	v21 =	vmul.u32 $0x8, v21;
	s25 =	simm.s32 $0x16C80;
	s12 =	sadd.s32 s26, s4;
	s26 =	simm.s32 $0x17480  }
.LBB2_26:
0x1f: {  	s13 =	rddreg [dreg:$0x9]  }
0x20: {  	s4 =	rddreg [dreg:$0x7];
	s13 =	sadd.s32 $0x1, s13  }
0x21: {  	p2 =	sne.s32 s13, s4  }
.Ltmp1:
0x22: {  	_ = 	snop;
	(pc) =	sbr.rel @!p2 .LBB2_27-.Ltmp1, $2  }
0x23: {  	_ =	sdelay $0x2  }
0x24: {  	s8 =	simm.s32 $0x4  }
.LBB2_1:
0x25: {  	s4 =	rddreg [dreg:$0x3];
	s7 =	simm.s32 $0x2780  }
0x26: {  	[tilespmem:s7], [sflag:$0x4] =	stream.linear.gather [hbm4b:s4+s3], $0x680, $0x38;
	[tilespmem:$0x1A580] =	vst v63  }
0x27: {  	_ =	swait.ge [sflag:s8], $0x680  }
0x28: {  	[sflag:s8] =	ssyncset.done $0x0  }
0x29: {  	s4 =	simm.s32 $0x0;
	[sflag:s8] =	ssyncadd.s32 $0xFFFFF980  }
.LBB2_2:
0x2a: {  	p2 =	sne.s32 s4, $0x9DC0  }
.Ltmp2:
0x2b: {  	_ = 	snop;
	(pc) =	sbr.rel @p2 .LBB2_2-.Ltmp2, $3  }
0x2c: {  	_ =	sdelay $0x1  }
0x2d: {  	s7 =	sshra.s32 s4, $0x2  }
0x2e: {  	s4 =	sadd.s32 $0x40, s4;
	[tilespmem:s7+$0x0] =	vst v17  }
0x2f: {  	s7 =	simm.s32 $0x0;
	s4 =	simm.s32 $0x40  }
.LBB2_4:
0x30: {  	p2 =	sne.s32 s4, $0x18C0;
	v23 =	vld [tilespmem:s7+$0x2780];
	_ =	sdelay $0x3  }
.Ltmp3:
0x31: {  	(pc) =	sbr.rel @p2 .LBB2_4-.Ltmp3, $2  }
0x32: {  	_ =	sdelay $0x2  }
0x33: {  	s7 =	sshra.s32 s4, $0x2;
	s4 =	sadd.s32 $0x40, s4;
	[tilespmem:v23+s3+$0x0] =	vst.idx.msk $0xffff, v18  }
0x34: {  	v23 =	vld [tilespmem:s7+$0x2780];
	_ =	sdelay $0x7  }
0x35: {  	s4 =	simm.s32 $0x0;
	s11 =	rddreg [dreg:$0x4];
	[tilespmem:v23+s3+$0x0] =	vst.idx.msk $0xffff, v18  }
0x36: {  	[tilespmem:s16], [sflag:$0x4] =	stream.linear.gather [hbm4b:s11+s4], $0x2780, $0x38;
	[tilespmem:$0x1A580] =	vst v63  }
0x37: {  	_ =	swait.ge [sflag:s8], $0x2780  }
0x38: {  	[sflag:s8] =	ssyncset.done $0x0  }
0x39: {  	s14 =	rddreg [dreg:$0x5];
	[sflag:s8] =	ssyncadd.s32 $0xFFFFD880  }
0x3a: {  	[tilespmem:s17], [sflag:$0x4] =	stream.linear.gather [hbm4b:s14+s4], $0x2780, $0x38;
	[tilespmem:$0x1A580] =	vst v63  }
0x3b: {  	_ =	swait.ge [sflag:s8], $0x2780  }
0x3c: {  	s15 =	sand.u32 $0x7800, s4;
	s4 =	sand.u32 $0x380, s4;
	[sflag:s8] =	ssyncset.done $0x0  }
0x3d: {  	s4 =	sor.u32 s4, s15;
	[sflag:s8] =	ssyncadd.s32 $0xFFFFD880  }
0x3e: {  	[tilespmem:s4+$0xA8F0] =	vst v19  }
0x3f: {  	[tilespmem:s4+$0xA480] =	vst v19  }
0x40: {  	[tilespmem:s4+$0xA490] =	vst v19  }
0x41: {  	[tilespmem:s4+$0xA4A0] =	vst v19  }
0x42: {  	[tilespmem:s4+$0xA4B0] =	vst v19  }
0x43: {  	[tilespmem:s4+$0xA4C0] =	vst v19  }
0x44: {  	[tilespmem:s4+$0xA4D0] =	vst v19  }
0x45: {  	[tilespmem:s4+$0xA4E0] =	vst v19  }
0x46: {  	[tilespmem:s4+$0xA4F0] =	vst v19  }
0x47: {  	[tilespmem:s4+$0xA880] =	vst v19  }
0x48: {  	[tilespmem:s4+$0xA890] =	vst v19  }
0x49: {  	[tilespmem:s4+$0xA8A0] =	vst v19  }
0x4a: {  	[tilespmem:s4+$0xA8B0] =	vst v19  }
0x4b: {  	s21 =	simm.s32 $0x100;
	s7 =	simm.s32 $0x80;
	[tilespmem:s4+$0xA8C0] =	vst v19  }
0x4c: {  	s9 =	sand.u32 $0x7800, s21;
	s11 =	sand.u32 $0x380, s7;
	s8 =	simm.s32 $0x200;
	[tilespmem:s4+$0xA8D0] =	vst v19  }
.LBB2_6:
0x4d: {  	p2 =	sne.s32 s8, $0x7F00;
	[tilespmem:s4+$0xA8E0] =	vst v19;
	s4 =	sor.u32 s11, s9  }
0x4e: {  	[tilespmem:s4+$0xA8F0] =	vst v19  }
0x4f: {  	[tilespmem:s4+$0xA480] =	vst v19  }
0x50: {  	[tilespmem:s4+$0xA490] =	vst v19  }
0x51: {  	[tilespmem:s4+$0xA4A0] =	vst v19  }
0x52: {  	[tilespmem:s4+$0xA4B0] =	vst v19  }
0x53: {  	[tilespmem:s4+$0xA4C0] =	vst v19  }
0x54: {  	[tilespmem:s4+$0xA4D0] =	vst v19  }
0x55: {  	[tilespmem:s4+$0xA4E0] =	vst v19  }
0x56: {  	[tilespmem:s4+$0xA4F0] =	vst v19  }
0x57: {  	[tilespmem:s4+$0xA880] =	vst v19  }
.Ltmp4:
0x58: {  	[tilespmem:s4+$0xA890] =	vst v19;
	(pc) =	sbr.rel @p2 .LBB2_6-.Ltmp4, $4  }
0x59: {  	[tilespmem:s4+$0xA8A0] =	vst v19  }
0x5a: {  	[tilespmem:s4+$0xA8B0] =	vst v19  }
0x5b: {  	s7 =	sadd.s32 $0x80, s7;
	[tilespmem:s4+$0xA8C0] =	vst v19  }
0x5c: {  	s9 =	sand.u32 $0x7800, s8;
	s8 =	sadd.s32 $0x100, s8;
	s11 =	sand.u32 $0x380, s7;
	[tilespmem:s4+$0xA8D0] =	vst v19  }
0x5d: {  	s7 =	sor.u32 s11, s9;
	[tilespmem:s4+$0xA8E0] =	vst v19  }
0x5e: {  	[tilespmem:s7+$0xA8F0] =	vst v19  }
0x5f: {  	[tilespmem:s7+$0xA480] =	vst v19  }
0x60: {  	[tilespmem:s7+$0xA490] =	vst v19  }
0x61: {  	[tilespmem:s7+$0xA4A0] =	vst v19  }
0x62: {  	[tilespmem:s7+$0xA4B0] =	vst v19  }
0x63: {  	[tilespmem:s7+$0xA4C0] =	vst v19  }
0x64: {  	[tilespmem:s7+$0xA4D0] =	vst v19  }
0x65: {  	[tilespmem:s7+$0xA4E0] =	vst v19  }
0x66: {  	[tilespmem:s7+$0xA4F0] =	vst v19  }
0x67: {  	[tilespmem:s7+$0xA880] =	vst v19  }
0x68: {  	[tilespmem:s7+$0xA890] =	vst v19  }
0x69: {  	[tilespmem:s7+$0xA8A0] =	vst v19  }
0x6a: {  	[tilespmem:s7+$0xA8B0] =	vst v19  }
0x6b: {  	s21 =	sadd.s32 $0x0, s12;
	[tilespmem:s7+$0xA8C0] =	vst v19  }
0x6c: {  	[tilespmem:s7+$0xA8D0] =	vst v19;
	s8 =	sand.u32 $0x1FFFF000, s21  }
0x6d: {  	s4 =	simm.s32 $0x1000;
	[tilespmem:s7+$0xA8E0] =	vst v19;
	s7 =	sadd.s32 s2, s8  }
.LBB2_8:
0x6e: {  	[hbm4b:s7+s3] =	stream.linear.scatter [tilespmem:s18], [sflag:$0x1], $0x8000, $0x38;
	[tilespmem:$0x1A580] =	vst v63  }
0x6f: {  	s7 =	smov.u32 s4;
	p2 =	sne.s32 s4, $0x4D000  }
.Ltmp5:
0x70: {  	s4 =	sadd.s32 $0x1000, s4;
	(pc) =	sbr.rel @p2 .LBB2_8-.Ltmp5, $4  }
0x71: {  	_ = 	snop  }
0x72: {  	s7 =	sadd.s32 s7, s12  }
0x73: {  	s7 =	sand.u32 $0x1FFFF000, s7  }
0x74: {  	s7 =	sadd.s32 s2, s7  }
.Ltmp6:
0x75: {  	(pc) =	sbr.rel @p0 .LBB2_13-.Ltmp6, $3  }
0x76: {  	_ =	sdelay $0x1  }
0x77: {  	[hbm4b:s7+s3] =	stream.linear.scatter [tilespmem:s18], [sflag:$0x1], $0x8000, $0x38;
	[tilespmem:$0x1A580] =	vst v63  }
0x78: {  	[dreg:$0x9] =	wrdreg s13  }
.Ltmp7:
0x79: {  	(pc) =	sbr.rel .LBB2_11-.Ltmp7, $3  }
0x7a: {  	_ =	sdelay $0x1  }
0x7b: {  	s4 =	rddreg [dreg:$0x6]  }
0x7c: {  	[hbm4b:s4+s3] =	stream.linear.scatter [tilespmem:s18], [sflag:$0x1], $0x8000, $0x38;
	[tilespmem:$0x1A580] =	vst v63  }
.LBB2_13:
.Ltmp8:
0x7d: {  	(pc) =	sbr.rel @p1 .LBB2_14-.Ltmp8, $1  }
0x7e: {  	_ =	sdelay $0x3  }
.LBB2_11:
0x7f: {  	s9 =	simm.s32 $0x2E00  }
0x80: {  	v23 =	vld [tilespmem:s9+$0x0];
	_ =	sdelay $0x2  }
0x81: {  	p3 =	sgt.u32 s10, $0x1  }
.Ltmp9:
0x82: {  	_ = 	snop;
	(pc) =	sbr.rel @!p3 .LBB2_12-.Ltmp9, $4  }
0x83: {  	_ = 	snop  }
0x84: {  	s8 =	simm.s32 $0x5580  }
0x85: {  	v24 =	vld [tilespmem:s8+$0x0]  }
0x86: {  	s7 =	simm.s32 $0x0;
	s4 =	simm.s32 $0xFFFFFFFF;
	p2 =	por $0x0, $0x0;
	v25 =	vld.idx.msk [tilespmem:v23+s3+$0x0], $0xffff  }
0x87: {  	_ =	sdelay $0x6  }
0x88: {  	v26 =	vld.idx.msk [tilespmem:v24+s3+$0x0], $0xffff;
	_ =	sdelay $0x3  }
0x89: {  	s14 =	rddreg [dreg:$0x8]  }
0x8a: {  	v25 =	vand.u32 v25, v26;
	v26 =	vor.u32 s14, v0  }
0x8b: {  	vm1 =	vne.s32 v25, $0x0;
	v25 =	vxor.u32 $0x80000000, v26  }
0x8c: {  	v25 =	vsel vm1, $0x7FFFFFFF, v25  }
0x8d: {  	(xrf0) =	vmax.scan.msk.u32 $0xffff, v25;
	v25 =	vsel vm1, $0x1, v17  }
0x8e: {  	(xrf0) =	vadd.scan.msk.s32 $0xffff, v25;
	_ =	sdelay $0x2  }
0x8f: {  	v27 =	vsel vm1, $0xFFFFFFFF, v17;
	_ =	sdelay $0x1  }
0x90: {  	v25, _, _ =	vpop (xrf0)  }
0x91: {  	(v2sf) =	vpush v25, $0xF;
	v25 =	vadd.s32 s7, v27;
	v27, _, _ =	vpop (xrf0)  }
0x92: {  	v25 =	vadd.s32 v27, v25;
	(v2sf) =	vpush v27, $0xF;
	_ =	sdelay $0x4  }
0x93: {  	[tilespmem:v25+s16+$0x0] =	vst.idx.msk vm1, v23  }
0x94: {  	[tilespmem:v25+s17+$0x0] =	vst.idx.msk vm1, v24  }
0x95: {  	s9 =	simm.s32 $0x2E10;
	[tilespmem:v25+s19+$0x0] =	vst.idx.msk vm1, v26  }
0x96: {  	v23 =	vld [tilespmem:s9+$0x0]  }
0x97: {  	s13 =	simm.s32 $0x5590  }
0x98: {  	v24 =	vld [tilespmem:s13+$0x0]  }
0x99: {  	p3 =	sgt.u32 s10, $0x2  }
.Ltmp10:
0x9a: {  	_ = 	snop;
	(pc) =	sbr.rel @!p3 .LBB2_16-.Ltmp10, $4  }
0x9b: {  	_ = 	snop  }
0x9c: {  	s11 =	simm.s32 $0x2;
	s15 =	spop (v2sf)  }
0x9d: {  	p2 =	por $0x1, $0x1;
	s15 =	sxor.u32 $0x80000000, s15;
	s21 =	spop (v2sf)  }
0x9e: {  	s8 =	simm.s32 $0xFFFFFFFF;
	p4 =	slt.s32 s15, $0xFFFFFFFF;
	v25 =	vld.idx.msk [tilespmem:v23+s3+$0x0], $0xffff;
	s7 =	sadd.s32 $0x0, s21  }
.LBB2_17:
0x9f: {  	s21 =	smov.u32 s8;
	s8 =	smov.u32 s15  }
0xa0: {  	s11 =	sadd.s32 $0x1, s11;
	s14 =	sadd.s32 $0x10, s14;
	v26 =	vld.idx.msk [tilespmem:v24+s3+$0x0], $0xffff;
	s8 =	smov.u32 @p4 s21  }
0xa1: {  	p3 =	slt.u32 s11, s10;
	_ =	sdelay $0x4  }
0xa2: {  	v25 =	vand.u32 v25, v26;
	v26 =	vor.u32 s14, v0  }
0xa3: {  	vm1 =	vne.s32 v25, $0x0;
	v25 =	vxor.u32 $0x80000000, v26  }
0xa4: {  	v27 =	vsel vm1, $0xFFFFFFFF, v17;
	v28 =	vsel vm1, $0x1, v17;
	v25 =	vsel vm1, $0x7FFFFFFF, v25  }
0xa5: {  	(xrf0) =	vmax.scan.msk.u32 $0xffff, v25  }
0xa6: {  	(xrf0) =	vadd.scan.msk.s32 $0xffff, v28;
	_ =	sdelay $0x4  }
0xa7: {  	v25 =	vadd.s32 s7, v27;
	v27, _, _ =	vpop (xrf0)  }
0xa8: {  	v28, _, _ =	vpop (xrf0);
	(v2sf) =	vpush v27, $0xF  }
0xa9: {  	v25 =	vadd.s32 v28, v25;
	(v2sf) =	vpush v28, $0xF;
	_ =	sdelay $0x4  }
0xaa: {  	[tilespmem:v25+s16+$0x0] =	vst.idx.msk vm1, v23  }
0xab: {  	s9 =	sadd.s32 $0x10, s9;
	[tilespmem:v25+s17+$0x0] =	vst.idx.msk vm1, v24  }
0xac: {  	[tilespmem:v25+s19+$0x0] =	vst.idx.msk vm1, v26  }
0xad: {  	s13 =	sadd.s32 $0x10, s13;
	v23 =	vld [tilespmem:s9+$0x0]  }
0xae: {  	v24 =	vld [tilespmem:s13+$0x0];
	_ =	sdelay $0x2  }
.Ltmp11:
0xaf: {  	(pc) =	sbr.rel @p3 .LBB2_17-.Ltmp11, $4  }
0xb0: {  	_ = 	snop  }
0xb1: {  	s15 =	spop (v2sf)  }
0xb2: {  	s15 =	sxor.u32 $0x80000000, s15;
	s21 =	spop (v2sf)  }
0xb3: {  	v25 =	vld.idx.msk [tilespmem:v23+s3+$0x0], $0xffff;
	p4 =	sgt.s32 s8, s15;
	s7 =	sadd.s32 s7, s21  }
.LBB2_18:
0xb4: {  	_ =	sdelay $0x3  }
0xb5: {  	v26 =	vld.idx.msk [tilespmem:v24+s3+$0x0], $0xffff;
	_ =	sdelay $0x2  }
0xb6: {  	s9 =	sadd.s32 @p2 $0x10, s14;
	s11 =	rddreg [dreg:$0x8]  }
0xb7: {  	s11 =	smov.u32 @p2 s9  }
0xb8: {  	v59 =	vor.u32 s11, v0;
	v25 =	vand.u32 v25, v26  }
0xb9: {  	v60 =	vxor.u32 $0x80000000, v59;
	vm1 =	vne.s32 v25, $0x0  }
0xba: {  	v25 =	vsel vm1, $0x7FFFFFFF, v60  }
0xbb: {  	(xrf0) =	vmax.scan.msk.u32 $0xffff, v25  }
0xbc: {  	v61 =	vsel vm1, $0x1, v17  }
0xbd: {  	(xrf0) =	vadd.scan.msk.s32 $0xffff, v61;
	_ =	sdelay $0x3  }
0xbe: {  	v62, _, _ =	vpop (xrf0)  }
0xbf: {  	(v2sf) =	vpush v62, $0xF  }
0xc0: {  	v63, _, _ =	vpop (xrf0)  }
0xc1: {  	(v2sf) =	vpush v63, $0xF;
	_ =	sdelay $0x6  }
0xc2: {  	v27 =	vsel vm1, $0xFFFFFFFF, v17  }
0xc3: {  	v27 =	vadd.s32 s7, v27  }
0xc4: {  	v25 =	vadd.s32 v63, v27;
	_ =	sdelay $0x2  }
0xc5: {  	p3 =	por !p4, !p2  }
0xc6: {  	s8 =	smov.u32 @p3 s15;
	s15 =	spop (v2sf)  }
0xc7: {  	s4 =	smov.u32 @p2 s8;
	[tilespmem:v25+s16+$0x0] =	vst.idx.msk vm1, v23;
	s11 =	sxor.u32 $0x80000000, s15  }
0xc8: {  	[tilespmem:v25+s17+$0x0] =	vst.idx.msk vm1, v24;
	s21 =	spop (v2sf);
	p2 =	sgt.s32 s4, s11  }
0xc9: {  	[tilespmem:v25+s19+$0x0] =	vst.idx.msk vm1, v59;
	s7 =	sadd.s32 s7, s21;
	s11 =	smov.u32 @p2 s4  }
.LBB2_19:
0xca: {  	_ =	swait.ge [sflag:s5], $0x8000  }
0xcb: {  	s4 =	simm.s32 $0x4D;
	[sflag:s5] =	ssyncset.done $0x0  }
.LBB2_20:
0xcc: {  	p2 =	sne.s32 s4, $0x1;
	s4 =	sadd.s32 $0xFFFFFFFF, s4;
	[sflag:s5] =	ssyncadd.s32 $0xFFFF8000  }
.Ltmp12:
0xcd: {  	(pc) =	sbr.rel @p2 .LBB2_20-.Ltmp12, $3  }
0xce: {  	_ =	sdelay $0x1  }
0xcf: {  	_ =	swait.ge [sflag:s5], $0x8000  }
0xd0: {  	[sflag:s5] =	ssyncset.done $0x0  }
0xd1: {  	s4 =	sshll.u32 s7, $0x1  }
0xd2: {  	s4 =	sadd.s32 $0x7F, s4  }
0xd3: {  	s8 =	sshra.s32 s4, $0x1F  }
0xd4: {  	s9 =	sshrl.u32 s8, $0x19  }
0xd5: {  	s4 =	sadd.s32 s9, s4  }
0xd6: {  	s4 =	sshra.s32 s4, $0x7  }
0xd7: {  	s9 =	sadd.s32 s8, s4  }
0xd8: {  	p2 =	slt.s32 s9, $0x1  }
.Ltmp13:
0xd9: {  	_ = 	snop;
	(pc) =	sbr.rel @p2 .LBB2_26-.Ltmp13, $4  }
0xda: {  	[sflag:s5] =	ssyncadd.s32 $0xFFFF8000;
	s13 =	simm.s32 @!p0 $0x1  }
0xdb: {  	_ =	swait.ge @!p0 [sflag:s13], $0x8000  }
0xdc: {  	[sflag:s13] =	ssyncset.done @!p0 $0x0  }
0xdd: {  	[sflag:s13] =	ssyncadd.s32 @!p0 $0xFFFF8000  }
0xde: {  	v23 =	vmov s7;
	v24 =	vmov s11;
	s4 =	simm.s32 $0x0;
	s7 =	simm.s32 $0x0  }
.LBB2_23:
0xdf: {  	s8 =	sshll.u32 s7, $0x6  }
0xe0: {  	v25 =	vld [tilespmem:s8+$0x2E00]  }
0xe1: {  	v26 =	vld [tilespmem:s8+$0x5580]  }
0xe2: {  	v27 =	vld [tilespmem:s8+$0x7D00]  }
0xe3: {  	v28 =	vor.u32 s8, v0  }
0xe4: {  	vm1 =	vlt.s32 v28, v23  }
0xe5: {  	v25 =	vsel vm1, v25, v2  }
0xe6: {  	v26 =	vsel vm1, v26, v4;
	[tilespmem:v1+s20+$0x0] =	vst.idx.msk $0xffff, v25  }
0xe7: {  	v25 =	vsel vm1, v27, v24;
	[tilespmem:v3+s20+$0x0] =	vst.idx.msk $0xffff, v26  }
0xe8: {  	[tilespmem:$0x1A500] =	vst v25  }
0xe9: {  	v25 =	vld [tilespmem:s8+$0x2E10]  }
0xea: {  	v26 =	vld [tilespmem:s8+$0x5590]  }
0xeb: {  	s11 =	sor.u32 $0x10, s8;
	v27 =	vld [tilespmem:s8+$0x7D10]  }
0xec: {  	v61 =	vor.u32 s11, v0  }
0xed: {  	vm1 =	vlt.s32 v61, v23  }
0xee: {  	v25 =	vsel vm1, v25, v7  }
0xef: {  	v26 =	vsel vm1, v26, v8;
	[tilespmem:v5+s20+$0x0] =	vst.idx.msk $0xffff, v25  }
0xf0: {  	v25 =	vsel vm1, v27, v24;
	[tilespmem:v6+s20+$0x0] =	vst.idx.msk $0xffff, v26  }
0xf1: {  	[tilespmem:$0x1A510] =	vst v25  }
0xf2: {  	v25 =	vld [tilespmem:s8+$0x2E20]  }
0xf3: {  	v26 =	vld [tilespmem:s8+$0x55A0]  }
0xf4: {  	s21 =	sor.u32 $0x20, s8;
	v27 =	vld [tilespmem:s8+$0x7D20]  }
0xf5: {  	v62 =	vor.u32 s21, v0  }
0xf6: {  	vm1 =	vlt.s32 v62, v23  }
0xf7: {  	v25 =	vsel vm1, v25, v10  }
0xf8: {  	v26 =	vsel vm1, v26, v13;
	[tilespmem:v9+s20+$0x0] =	vst.idx.msk $0xffff, v25  }
0xf9: {  	v25 =	vsel vm1, v27, v24;
	[tilespmem:v11+s20+$0x0] =	vst.idx.msk $0xffff, v26  }
0xfa: {  	[tilespmem:$0x1A520] =	vst v25  }
0xfb: {  	v25 =	vld [tilespmem:s8+$0x2E30]  }
0xfc: {  	v26 =	vld [tilespmem:s8+$0x55B0]  }
0xfd: {  	s13 =	sor.u32 $0x30, s8;
	v27 =	vld [tilespmem:s8+$0x7D30]  }
0xfe: {  	v63 =	vor.u32 s13, v0  }
0xff: {  	vm1 =	vlt.s32 v63, v23  }
0x100: {  	v25 =	vsel vm1, v25, v14  }
0x101: {  	v26 =	vsel vm1, v26, v16;
	[tilespmem:v12+s20+$0x0] =	vst.idx.msk $0xffff, v25  }
0x102: {  	v25 =	vsel vm1, v27, v24;
	[tilespmem:v15+s20+$0x0] =	vst.idx.msk $0xffff, v26  }
0x103: {  	s14 =	simm.s32 $0x80;
	[tilespmem:$0x1A530] =	vst v25  }
0x104: {  	[tilespmem:s22], [sflag:$0x2] =	stream.indirect.gather [hbm4b:s6+s14], $0x80, s20, s14, $0xb8;
	[tilespmem:$0x1A580] =	vst v63  }
0x105: {  	_ =	swait.ge [sflag:s23], $0x4000  }
0x106: {  	[sflag:s23] =	ssyncset.done $0x0  }
0x107: {  	s15 =	simm.s32 $0x12500;
	[sflag:s23] =	ssyncadd.s32 $0xFFFFC000  }
0x108: {  	v25 =	vld [tilespmem:s15+$0xFFFFFF80];
	_ =	sdelay $0x2  }
0x109: {  	s21 =	sand.u32 $0x3800, s4;
	s13 =	sand.u32 $0x380, s4  }
0x10a: {  	s11 =	sor.u32 s13, s21  }
0x10b: {  	[tilespmem:s11+$0x16480] =	vst v25  }
0x10c: {  	v25 =	vld [tilespmem:s15+$0xFFFFFF90];
	_ =	sdelay $0x3  }
0x10d: {  	s11 =	sadd.s32 $0x16480, s11  }
0x10e: {  	[tilespmem:s11+$0x10] =	vst v25  }
0x10f: {  	v25 =	vld [tilespmem:s15+$0xFFFFFFA0];
	_ =	sdelay $0x4  }
0x110: {  	[tilespmem:s11+$0x20] =	vst v25  }
0x111: {  	v25 =	vld [tilespmem:s15+$0xFFFFFFB0];
	_ =	sdelay $0x4  }
0x112: {  	[tilespmem:s11+$0x30] =	vst v25  }
0x113: {  	v25 =	vld [tilespmem:s15+$0xFFFFFFC0];
	_ =	sdelay $0x4  }
0x114: {  	[tilespmem:s11+$0x40] =	vst v25  }
0x115: {  	v25 =	vld [tilespmem:s15+$0xFFFFFFD0];
	_ =	sdelay $0x4  }
0x116: {  	[tilespmem:s11+$0x50] =	vst v25  }
0x117: {  	v25 =	vld [tilespmem:s15+$0xFFFFFFE0];
	_ =	sdelay $0x4  }
0x118: {  	[tilespmem:s11+$0x60] =	vst v25  }
0x119: {  	v25 =	vld [tilespmem:s15+$0xFFFFFFF0];
	_ =	sdelay $0x4  }
0x11a: {  	[tilespmem:s11+$0x70] =	vst v25  }
0x11b: {  	v25 =	vld [tilespmem:s15+$0x0];
	_ =	sdelay $0x4  }
0x11c: {  	[tilespmem:s11+$0x400] =	vst v25  }
0x11d: {  	v25 =	vld [tilespmem:s15+$0x10];
	_ =	sdelay $0x4  }
0x11e: {  	[tilespmem:s11+$0x410] =	vst v25  }
0x11f: {  	v25 =	vld [tilespmem:s15+$0x20];
	_ =	sdelay $0x4  }
0x120: {  	[tilespmem:s11+$0x420] =	vst v25  }
0x121: {  	v25 =	vld [tilespmem:s15+$0x30];
	_ =	sdelay $0x4  }
0x122: {  	[tilespmem:s11+$0x430] =	vst v25  }
0x123: {  	v25 =	vld [tilespmem:s15+$0x40];
	_ =	sdelay $0x4  }
0x124: {  	[tilespmem:s11+$0x440] =	vst v25  }
0x125: {  	v25 =	vld [tilespmem:s15+$0x50];
	_ =	sdelay $0x4  }
0x126: {  	[tilespmem:s11+$0x450] =	vst v25  }
0x127: {  	v25 =	vld [tilespmem:s15+$0x60];
	_ =	sdelay $0x4  }
0x128: {  	[tilespmem:s11+$0x460] =	vst v25  }
0x129: {  	v25 =	vld [tilespmem:s15+$0x70];
	_ =	sdelay $0x4  }
0x12a: {  	s8 =	simm.s32 $0x12600;
	[tilespmem:s11+$0x470] =	vst v25  }
0x12b: {  	s13 =	simm.s32 $0x0;
	s15 =	simm.s32 $0x200;
	s11 =	simm.s32 $0x100;
	v25 =	vld [tilespmem:s8+$0xFFFFFF80]  }
.LBB2_24:
0x12c: {  	p2 =	sne.s32 s15, $0x3F00  }
0x12d: {  	s13 =	sadd.s32 $0x80, s13  }
0x12e: {  	s14 =	sand.u32 $0x3800, s11;
	s11 =	smov.u32 s15;
	s21 =	sand.u32 $0x380, s13  }
0x12f: {  	s14 =	sor.u32 s21, s14  }
0x130: {  	[tilespmem:s14+$0x16480] =	vst v25  }
0x131: {  	v25 =	vld [tilespmem:s8+$0xFFFFFF90];
	_ =	sdelay $0x3  }
0x132: {  	s14 =	sadd.s32 $0x16480, s14  }
0x133: {  	[tilespmem:s14+$0x10] =	vst v25  }
0x134: {  	v25 =	vld [tilespmem:s8+$0xFFFFFFA0];
	_ =	sdelay $0x4  }
0x135: {  	[tilespmem:s14+$0x20] =	vst v25  }
0x136: {  	v25 =	vld [tilespmem:s8+$0xFFFFFFB0];
	_ =	sdelay $0x4  }
0x137: {  	[tilespmem:s14+$0x30] =	vst v25  }
0x138: {  	v25 =	vld [tilespmem:s8+$0xFFFFFFC0];
	_ =	sdelay $0x4  }
0x139: {  	[tilespmem:s14+$0x40] =	vst v25  }
0x13a: {  	v25 =	vld [tilespmem:s8+$0xFFFFFFD0];
	_ =	sdelay $0x4  }
0x13b: {  	[tilespmem:s14+$0x50] =	vst v25  }
0x13c: {  	v25 =	vld [tilespmem:s8+$0xFFFFFFE0];
	_ =	sdelay $0x4  }
0x13d: {  	[tilespmem:s14+$0x60] =	vst v25  }
0x13e: {  	v25 =	vld [tilespmem:s8+$0xFFFFFFF0];
	_ =	sdelay $0x4  }
0x13f: {  	[tilespmem:s14+$0x70] =	vst v25  }
0x140: {  	v25 =	vld [tilespmem:s8+$0x0];
	_ =	sdelay $0x4  }
0x141: {  	[tilespmem:s14+$0x400] =	vst v25  }
0x142: {  	v25 =	vld [tilespmem:s8+$0x10];
	_ =	sdelay $0x4  }
0x143: {  	[tilespmem:s14+$0x410] =	vst v25  }
0x144: {  	v25 =	vld [tilespmem:s8+$0x20];
	_ =	sdelay $0x4  }
0x145: {  	[tilespmem:s14+$0x420] =	vst v25  }
0x146: {  	v25 =	vld [tilespmem:s8+$0x30];
	_ =	sdelay $0x4  }
0x147: {  	[tilespmem:s14+$0x430] =	vst v25  }
0x148: {  	v25 =	vld [tilespmem:s8+$0x40];
	_ =	sdelay $0x4  }
0x149: {  	[tilespmem:s14+$0x440] =	vst v25  }
0x14a: {  	v25 =	vld [tilespmem:s8+$0x50];
	_ =	sdelay $0x4  }
0x14b: {  	[tilespmem:s14+$0x450] =	vst v25  }
0x14c: {  	v25 =	vld [tilespmem:s8+$0x60];
	_ =	sdelay $0x4  }
0x14d: {  	[tilespmem:s14+$0x460] =	vst v25  }
0x14e: {  	v25 =	vld [tilespmem:s8+$0x70];
	_ =	sdelay $0x1  }
.Ltmp14:
0x14f: {  	(pc) =	sbr.rel @p2 .LBB2_24-.Ltmp14, $3  }
0x150: {  	_ =	sdelay $0x1  }
0x151: {  	s8 =	sadd.s32 $0x100, s8;
	[tilespmem:s14+$0x470] =	vst v25  }
0x152: {  	s15 =	sadd.s32 $0x100, s15;
	v25 =	vld [tilespmem:s8+$0xFFFFFF80]  }
0x153: {  	_ = 	snop  }
0x154: {  	s13 =	sadd.s32 $0x80, s13  }
0x155: {  	s11 =	sand.u32 $0x3800, s11;
	s13 =	sand.u32 $0x380, s13  }
0x156: {  	s11 =	sor.u32 s13, s11  }
0x157: {  	[tilespmem:s11+$0x16480] =	vst v25  }
0x158: {  	v25 =	vld [tilespmem:s8+$0xFFFFFF90];
	_ =	sdelay $0x3  }
0x159: {  	s11 =	sadd.s32 $0x16480, s11  }
0x15a: {  	[tilespmem:s11+$0x10] =	vst v25  }
0x15b: {  	v25 =	vld [tilespmem:s8+$0xFFFFFFA0];
	_ =	sdelay $0x4  }
0x15c: {  	[tilespmem:s11+$0x20] =	vst v25  }
0x15d: {  	v25 =	vld [tilespmem:s8+$0xFFFFFFB0];
	_ =	sdelay $0x4  }
0x15e: {  	[tilespmem:s11+$0x30] =	vst v25  }
0x15f: {  	v25 =	vld [tilespmem:s8+$0xFFFFFFC0];
	_ =	sdelay $0x4  }
0x160: {  	[tilespmem:s11+$0x40] =	vst v25  }
0x161: {  	v25 =	vld [tilespmem:s8+$0xFFFFFFD0];
	_ =	sdelay $0x4  }
0x162: {  	[tilespmem:s11+$0x50] =	vst v25  }
0x163: {  	v25 =	vld [tilespmem:s8+$0xFFFFFFE0];
	_ =	sdelay $0x4  }
0x164: {  	[tilespmem:s11+$0x60] =	vst v25  }
0x165: {  	v25 =	vld [tilespmem:s8+$0xFFFFFFF0];
	_ =	sdelay $0x4  }
0x166: {  	[tilespmem:s11+$0x70] =	vst v25  }
0x167: {  	v25 =	vld [tilespmem:s8+$0x0];
	_ =	sdelay $0x4  }
0x168: {  	[tilespmem:s11+$0x400] =	vst v25  }
0x169: {  	v25 =	vld [tilespmem:s8+$0x10];
	_ =	sdelay $0x4  }
0x16a: {  	[tilespmem:s11+$0x410] =	vst v25  }
0x16b: {  	v25 =	vld [tilespmem:s8+$0x20];
	_ =	sdelay $0x4  }
0x16c: {  	[tilespmem:s11+$0x420] =	vst v25  }
0x16d: {  	v25 =	vld [tilespmem:s8+$0x30];
	_ =	sdelay $0x4  }
0x16e: {  	[tilespmem:s11+$0x430] =	vst v25  }
0x16f: {  	v25 =	vld [tilespmem:s8+$0x40];
	_ =	sdelay $0x4  }
0x170: {  	[tilespmem:s11+$0x440] =	vst v25  }
0x171: {  	v25 =	vld [tilespmem:s8+$0x50];
	_ =	sdelay $0x4  }
0x172: {  	[tilespmem:s11+$0x450] =	vst v25  }
0x173: {  	v25 =	vld [tilespmem:s8+$0x60];
	_ =	sdelay $0x4  }
0x174: {  	[tilespmem:s11+$0x460] =	vst v25  }
0x175: {  	v25 =	vld [tilespmem:s8+$0x70];
	_ =	sdelay $0x4  }
0x176: {  	[tilespmem:s11+$0x470] =	vst v25  }
0x177: {  	v25 =	vld [tilespmem:$0x1A500];
	_ =	sdelay $0x4  }
0x178: {  	v26 =	vshll.u32 v25, $0x1  }
0x179: {  	v25 =	vand.u32 $0x7, v25;
	v26 =	vand.u32 $0xFFFFFFF0, v26  }
0x17a: {  	v25 =	vor.u32 v25, v26  }
0x17b: {  	v26 =	vperm.xlane v25, v20;
	_ =	sdelay $0x1  }
0x17c: {  	v25 =	vperm.xlane v25, v22;
	v26 =	vadd.s32 v21, v26;
	_ =	sdelay $0x1  }
0x17d: {  	v25 =	vadd.s32 v21, v25;
	_ =	sdelay $0x2  }
0x17e: {  	[hbm4b:s2+s3] =	stream.indirect_vreg.scatter [tilespmem:s24], [sflag:$0x3], $0x80, v26, vm0, $0xb8;
	[tilespmem:$0x1A580] =	vst v63  }
0x17f: {  	_ = 	snop  }
0x180: {  	[hbm4b:s2+s3] =	stream.indirect_vreg.scatter [tilespmem:s25], [sflag:$0x3], $0x80, v25, vm0, $0xb8;
	[tilespmem:$0x1A580] =	vst v63  }
0x181: {  	v25 =	vld [tilespmem:$0x1A510];
	_ =	sdelay $0x4  }
0x182: {  	v26 =	vshll.u32 v25, $0x1  }
0x183: {  	v25 =	vand.u32 $0x7, v25;
	v26 =	vand.u32 $0xFFFFFFF0, v26  }
0x184: {  	v25 =	vor.u32 v25, v26  }
0x185: {  	v26 =	vperm.xlane v25, v20;
	_ =	sdelay $0x1  }
0x186: {  	v25 =	vperm.xlane v25, v22;
	v26 =	vadd.s32 v21, v26;
	_ =	sdelay $0x1  }
0x187: {  	v25 =	vadd.s32 v21, v25;
	_ =	sdelay $0x2  }
0x188: {  	[hbm4b:s2+s3] =	stream.indirect_vreg.scatter [tilespmem:s26], [sflag:$0x3], $0x80, v26, vm0, $0xb8;
	[tilespmem:$0x1A580] =	vst v63  }
0x189: {  	_ = 	snop  }
0x18a: {  	[hbm4b:s2+s3] =	stream.indirect_vreg.scatter [tilespmem:s28], [sflag:$0x3], $0x80, v25, vm0, $0xb8;
	[tilespmem:$0x1A580] =	vst v63  }
0x18b: {  	v25 =	vld [tilespmem:$0x1A520];
	_ =	sdelay $0x4  }
0x18c: {  	v26 =	vshll.u32 v25, $0x1  }
0x18d: {  	v25 =	vand.u32 $0x7, v25;
	v26 =	vand.u32 $0xFFFFFFF0, v26  }
0x18e: {  	v25 =	vor.u32 v25, v26  }
0x18f: {  	v26 =	vperm.xlane v25, v20;
	_ =	sdelay $0x1  }
0x190: {  	v25 =	vperm.xlane v25, v22;
	v26 =	vadd.s32 v21, v26;
	_ =	sdelay $0x1  }
0x191: {  	v25 =	vadd.s32 v21, v25;
	_ =	sdelay $0x2  }
0x192: {  	[hbm4b:s2+s3] =	stream.indirect_vreg.scatter [tilespmem:s29], [sflag:$0x3], $0x80, v26, vm0, $0xb8;
	[tilespmem:$0x1A580] =	vst v63  }
0x193: {  	_ = 	snop  }
0x194: {  	[hbm4b:s2+s3] =	stream.indirect_vreg.scatter [tilespmem:s30], [sflag:$0x3], $0x80, v25, vm0, $0xb8;
	[tilespmem:$0x1A580] =	vst v63  }
0x195: {  	v25 =	vld [tilespmem:$0x1A530];
	_ =	sdelay $0x4  }
0x196: {  	v26 =	vshll.u32 v25, $0x1  }
0x197: {  	v25 =	vand.u32 $0x7, v25;
	v26 =	vand.u32 $0xFFFFFFF0, v26  }
0x198: {  	v25 =	vor.u32 v25, v26  }
0x199: {  	v26 =	vperm.xlane v25, v20;
	_ =	sdelay $0x1  }
0x19a: {  	v25 =	vperm.xlane v25, v22;
	v26 =	vadd.s32 v21, v26;
	_ =	sdelay $0x1  }
0x19b: {  	v25 =	vadd.s32 v21, v25;
	_ =	sdelay $0x1  }
0x19c: {  	s7 =	sadd.s32 $0x1, s7  }
0x19d: {  	[hbm4b:s2+s3] =	stream.indirect_vreg.scatter [tilespmem:s31], [sflag:$0x3], $0x80, v26, vm0, $0xb8;
	[tilespmem:$0x1A580] =	vst v63  }
0x19e: {  	p2 =	sne.s32 s7, s9  }
0x19f: {  	[hbm4b:s2+s3] =	stream.indirect_vreg.scatter [tilespmem:s1], [sflag:$0x3], $0x80, v25, vm0, $0xb8;
	[tilespmem:$0x1A580] =	vst v63  }
.Ltmp15:
0x1a0: {  	_ = 	snop;
	(pc) =	sbr.rel @p2 .LBB2_23-.Ltmp15, $4  }
.Ltmp16:
0x1a1: {  	_ = 	snop;
	(pc) =	sbr.rel @!p2 .LBB2_26-.Ltmp16, $4  }
0x1a2: {  	_ =	swait.ge [sflag:s0], $0x4000  }
0x1a3: {  	[sflag:s0] =	ssyncset.done $0x0  }
0x1a4: {  	[sflag:s0] =	ssyncadd.s32 $0xFFFFC000  }
0x1a5: {  	_ = 	snop  }
.LBB2_14:
.Ltmp17:
0x1a6: {  	(pc) =	sbr.rel .LBB2_19-.Ltmp17, $2  }
0x1a7: {  	_ =	sdelay $0x2  }
0x1a8: {  	s11 =	simm.s32 $0xFFFFFFFF;
	s7 =	simm.s32 $0x0  }
.LBB2_12:
.Ltmp18:
0x1a9: {  	(pc) =	sbr.rel .LBB2_18-.Ltmp18, $2  }
0x1aa: {  	_ =	sdelay $0x2  }
0x1ab: {  	s8 =	simm.s32 $0xFFFFFFFF;
	s14 =	rddreg [dreg:$0x8]  }
.LBB2_16:
.Ltmp19:
0x1ac: {  	(pc) =	sbr.rel .LBB2_18-.Ltmp19, $2  }
0x1ad: {  	_ =	sdelay $0x2  }
0x1ae: {  	s8 =	simm.s32 $0xFFFFFFFF;
	s14 =	rddreg [dreg:$0x8]  }
.LBB2_27:
0x1af: {  	_ =	sfence.sel $0x180000  }
0x1b0: {  	[bflag:$0x0] =	sbarrier.arrive $0xFFFF  }
0x1b1: {  	_ =	strace $0x9000004D  }
0x1b2: {  	s0 =	stileid.u32;
	[bflag:$0x2] =	sbarrier.arrive $0xFFFF  }
0x1b3: {  	p0 =	sne.s32 s0, $0x0;
	s0 =	rddreg [dreg:$0x2]  }
0x1b4: {  	s0 =	sadd.s32 @!p0 $0x100000, s0  }
0x1b5: {  	[sflag:s0] =	ssyncadd.tile.s32 @!p0 $0x1;
	_ =	shalt  }
.Lfunc_end2:
_tile_overlayer_lowered:
.L_overlay_start_2:
0x1b6: {  	(tag) =	ssettag $0x2  }
0x1b7: {  	s0 =	rddreg [dreg:$0x0];
	s2 =	stileid.u32  }
0x1b8: {  	s1 =	rddreg [dreg:$0x1];
	p0 =	sne.s32 s2, $0x0  }
0x1b9: {  	s3 =	rddreg [dreg:$0x2];
	[bflag:$0x3] =	sbarrier.arrive $0xFFFF;
	s2 =	simm.s32 @!p0 $0x1C04  }
0x1ba: {  	[timem:s3], [sflag:s2] =	dma.local @!p0 [hbm:s0], s1  }
0x1bb: {  	s0 =	simm.s32 @!p0 $0x4  }
0x1bc: {  	_ =	swait.ge @!p0 [sflag:s0], s1  }
0x1bd: {  	s1 =	ssub.s32 @!p0 $0x0, s1;
	[sflag:s0] =	ssyncset.done @!p0 $0x0  }
0x1be: {  	[sflag:s0] =	ssyncadd.s32 @!p0 s1  }
0x1bf: {  	[bflag:$0x3] =	sbarrier.arrive $0xFFFF  }
0x1c0: {  	_ =	shalt  }

// kernel: kernel.7.cloned.1.call-start
scs
__scs_entry_jumppad:
0x0: {  	(pc) =	sbr.rel $0x88, $3  }
0x1: {  	(tag) =	ssettag $0x0;
	lr =	simm.s32 $0x1  }
0x2: {  	[smem:$0x3F9C] =	sst lr;
	_ =	strace $0xD0000000  }
0x3: {  	_ = 	snop  }
0x4: {  	_ = 	snop  }
0x5: {  	_ = 	snop  }
0x6: {  	_ = 	snop  }
0x7: {  	_ = 	snop  }
__scs_overlays_trampoline_lowered:
0x8: {  	[smem:$0x3FAB] =	sst s0  }
0x9: {  	[smem:$0x3FAC] =	sst s1  }
0xa: {  	[smem:$0x3FAD] =	sst s2  }
0xb: {  	[smem:$0x3FAE] =	sst s3  }
0xc: {  	[smem:$0x3FAF] =	sst s4  }
0xd: {  	[smem:$0x3FB0] =	sst s5  }
0xe: {  	[smem:$0x3FB1] =	sst s6  }
0xf: {  	[smem:$0x3FB2] =	sst s7  }
0x10: {  	[smem:$0x3FB3] =	sst s8  }
0x11: {  	[smem:$0x3FB4] =	sst s9;
	s0 =	simm.s32 @!p0 $0x0  }
0x12: {  	s1 =	sld [smem:$0x3F9A];
	s0 =	simm.s32 @p0 $0x1  }
0x13: {  	[smem:$0x3FB5] =	sst s0;
	s0 =	simm.s32 @!p1 $0x0  }
0x14: {  	s2 =	sld [smem:$0x3F99];
	s0 =	simm.s32 @p1 $0x1  }
0x15: {  	[smem:$0x3FB6] =	sst s0;
	s0 =	simm.s32 @!p2 $0x0  }
0x16: {  	s3 =	sld [smem:$0x3FDB];
	s0 =	simm.s32 @p2 $0x1  }
0x17: {  	s4 =	simm.s32 $0x1BF5;
	[smem:$0x3FB8] =	sst s0  }
0x18: {  	s0 =	sld [smem:$0x3F9B];
	_ =	swait.ge [sflag:s4], $0x0  }
0x19: {  	s7 =	sld [smem:$0x3F9C]  }
0x1a: {  	s8 =	sadd.s32 $0xFFFFE003, lr  }
0x1b: {  	s9 =	sadd.s32 $0xFFFFFEF7, lr;
	s5 =	simm.s32 $0xFFFFFFFF;
	p2 =	slt.u32 s8, $0xFFFFF086  }
0x1c: {  	p1 =	slt.u32 s9, $0xF7A;
	s5 =	simm.s32 @!p2 $0x0  }
0x1d: {  	s5 =	simm.s32 @p1 $0x1;
	p0 =	seq.s32 s7, s2  }
0x1e: {  	s7 =	smul.u32 @!p0 $0xF7A, s2;
	p2 =	seq.s32 @!p0 s5, $0x0  }
0x1f: {  	s9 =	smul.u32 $0xF7A, s1;
	s8 =	simm.s32 @!p0 $0x1BF5;
	p2 =	por !p2, p0  }
0x20: {  	[sflag:s8] =	ssyncset.s32 @!p0 $0xFFFFF086;
	s6 =	sadd.s32 @!p0 s3, s7;
	s7 =	simm.s32 @!p0 $0x108  }
0x21: {  	s3 =	sadd.s32 s3, s9;
	s6 =	sadd.s32 @!p0 $0x88, s6;
	s7 =	simm.s32 @p2 $0x1082  }
0x22: {  	[simem:s7], [sflag:s8] =	dma.local @!p0 [hbm:s6], $0xF7A  }
0x23: {  	s9 =	sor.u32 $0xD0000000, s2;
	s6 =	simm.s32 $0x108;
	_ =	swait.ge @!p0 [sflag:s8], $0x0  }
0x24: {  	s3 =	sadd.s32 $0x88, s3;
	s6 =	simm.s32 @!p1 $0x1082;
	[sflag:s4] =	ssyncset.s32 $0xFFFFF086  }
0x25: {  	[simem:s6], [sflag:s4] =	dma.local [hbm:s3], $0xF7A  }
0x26: {  	[smem:$0x3F9C] =	sst s1;
	(tag) =	ssettag s2;
	_ =	strace s9  }
0x27: {  	s1 =	sld [smem:$0x3FAC]  }
0x28: {  	s2 =	sld [smem:$0x3FAD]  }
0x29: {  	s4 =	sld [smem:$0x3FAF]  }
0x2a: {  	p0 =	seq.s32 s5, $0x0;
	s5 =	sld [smem:$0x3FB0]  }
0x2b: {  	s6 =	sld [smem:$0x3FB1]  }
0x2c: {  	s7 =	sld [smem:$0x3FB2]  }
0x2d: {  	s3 =	simm.s32 $0x108;
	s8 =	sld [smem:$0x3FB3]  }
0x2e: {  	s3 =	simm.s32 @!p0 $0x1082;
	s9 =	sld [smem:$0x3FB4]  }
0x2f: {  	lr =	sadd.s32 s0, s3;
	s0 =	sld [smem:$0x3FAB]  }
0x30: {  	s3 =	sld [smem:$0x3FAE]  }
0x31: {  	[smem:$0x3FB7] =	sst s10  }
0x32: {  	s10 =	sld [smem:$0x3FB5];
	_ =	sdelay $0x3  }
0x33: {  	p0 =	seq.s32 s10, $0x1;
	s10 =	sld [smem:$0x3FB7];
	_ =	sdelay $0x3  }
0x34: {  	[smem:$0x3FB7] =	sst s10  }
0x35: {  	s10 =	sld [smem:$0x3FB6];
	_ =	sdelay $0x3  }
0x36: {  	p1 =	seq.s32 s10, $0x1;
	s10 =	sld [smem:$0x3FB7];
	_ =	sdelay $0x3  }
0x37: {  	[smem:$0x3FB7] =	sst s10  }
0x38: {  	s10 =	sld [smem:$0x3FB8]  }
0x39: {  	_ = 	snop;
	(pc) =	sbr.ind lr, $3  }
0x3a: {  	_ = 	snop  }
0x3b: {  	_ = 	snop  }
0x3c: {  	p2 =	seq.s32 s10, $0x1;
	s10 =	sld [smem:$0x3FB7]  }
0x3d: {  	_ =	shalt  }
0x3e: {  	_ =	shalt  }
0x3f: {  	_ =	shalt  }
0x40: {  	_ =	shalt  }
0x41: {  	_ =	shalt  }
0x42: {  	_ =	shalt  }
0x43: {  	_ =	shalt  }
0x44: {  	_ =	shalt  }
0x45: {  	_ =	shalt  }
0x46: {  	_ =	shalt  }
0x47: {  	_ =	shalt  }
0x48: {  	_ =	shalt  }
0x49: {  	_ =	shalt  }
0x4a: {  	_ =	shalt  }
0x4b: {  	_ =	shalt  }
0x4c: {  	_ =	shalt  }
0x4d: {  	_ =	shalt  }
0x4e: {  	_ =	shalt  }
0x4f: {  	_ =	shalt  }
0x50: {  	_ =	shalt  }
0x51: {  	_ =	shalt  }
0x52: {  	_ =	shalt  }
0x53: {  	_ =	shalt  }
0x54: {  	_ =	shalt  }
0x55: {  	_ =	shalt  }
0x56: {  	_ =	shalt  }
0x57: {  	_ =	shalt  }
0x58: {  	_ =	shalt  }
0x59: {  	_ =	shalt  }
0x5a: {  	_ =	shalt  }
0x5b: {  	_ =	shalt  }
0x5c: {  	_ =	shalt  }
0x5d: {  	_ =	shalt  }
0x5e: {  	_ =	shalt  }
0x5f: {  	_ =	shalt  }
0x60: {  	_ =	shalt  }
0x61: {  	_ =	shalt  }
0x62: {  	_ =	shalt  }
0x63: {  	_ =	shalt  }
0x64: {  	_ =	shalt  }
0x65: {  	_ =	shalt  }
0x66: {  	_ =	shalt  }
0x67: {  	_ =	shalt  }
0x68: {  	_ =	shalt  }
0x69: {  	_ =	shalt  }
0x6a: {  	_ =	shalt  }
0x6b: {  	_ =	shalt  }
0x6c: {  	_ =	shalt  }
0x6d: {  	_ =	shalt  }
0x6e: {  	_ =	shalt  }
0x6f: {  	_ =	shalt  }
0x70: {  	_ =	shalt  }
0x71: {  	_ =	shalt  }
0x72: {  	_ =	shalt  }
0x73: {  	_ =	shalt  }
0x74: {  	_ =	shalt  }
0x75: {  	_ =	shalt  }
0x76: {  	_ =	shalt  }
0x77: {  	_ =	shalt  }
0x78: {  	_ =	shalt  }
0x79: {  	_ =	shalt  }
0x7a: {  	_ =	shalt  }
0x7b: {  	_ =	shalt  }
0x7c: {  	_ =	shalt  }
0x7d: {  	_ =	shalt  }
0x7e: {  	_ =	shalt  }
0x7f: {  	_ =	shalt  }
0x80: {  	_ =	shalt  }
0x81: {  	_ =	shalt  }
0x82: {  	_ =	shalt  }
0x83: {  	_ =	shalt  }
0x84: {  	_ =	shalt  }
0x85: {  	_ =	shalt  }
0x86: {  	_ =	shalt  }
0x87: {  	_ =	shalt  }
.Lfunc_end0:
.L_simem_size_0:
called_computation_lowered:
.L_overlay_start_0:
0x88: {  	s2 =	sld [smem:$0x3FD9]  }
0x89: {  	s3 =	sld [smem:$0x3FFE];
	_ =	sdelay $0x1  }
0x8a: {  	s1 =	srdreg.scid  }
0x8b: {  	s0 =	sand.u32 $0x1, s1  }
0x8c: {  	s17 =	sshll.u32 s0, $0xA;
	s2 =	sadd.s32 s3, s2  }
0x8d: {  	s2 =	sadd.s32 s2, s17  }
0x8e: {  	[smem:$0x3FC3] =	sst s2  }
0x8f: {  	_ = 	snop  }
0x90: {  	s2 =	sld [smem:$0x3FD0];
	(tm) =	ssettm $0x1  }
0x91: {  	s18 =	sld [smem:$0x3FFB];
	_ =	sdelay $0x3  }
0x92: {  	_ =	strace s18  }
0x93: {  	s3 =	sld [smem:$0x3FFC];
	_ =	sdelay $0x3  }
0x94: {  	_ =	strace s3  }
0x95: {  	s3 =	sld [smem:$0x3FFD];
	_ =	sdelay $0x3  }
0x96: {  	_ =	strace s3  }
0x97: {  	_ =	strace $0x8FFFFFFF  }
0x98: {  	s19 =	sld [smem:$0x3FDB];
	_ =	sdelay $0x1  }
0x99: {  	s4 =	simm.s32 $_scs_section_size  }
0x9a: {  	s5 =	simm.s32 $_size__tile_overlayer_lowered;
	s6 =	simm.s32 $_tile_overlayer_lowered  }
0x9b: {  	s22 =	simm.s32 $0x1BFF;
	s21 =	sshll.u32 s6, $0x1;
	s3 =	sadd.s32 s4, s19  }
0x9c: {  	s7 =	simm.s32 $0x0;
	s20 =	sshll.u32 s5, $0x1;
	s5 =	sadd.s32 s21, s3  }
0x9d: {  	[timem:s7], [sflag:s22] =	dma.local [hbm:s5], s20  }
0x9e: {  	_ =	swait.ge [sflag:s22], s20  }
0x9f: {  	s4 =	ssub.s32 $0x0, s20;
	[sflag:s22] =	ssyncset.done $0x0  }
0xa0: {  	[sflag:s22] =	ssyncadd.s32 s4;
	_ =	sdelay $0x1  }
0xa1: {  	s23 =	simm.s32 $0x1B8B  }
0xa2: {  	_ =	swait.ge [sflag:s23], $0x1  }
0xa3: {  	[sflag:s23] =	ssyncset.done $0x0  }
0xa4: {  	s25 =	simm.s32 $0x1B8E;
	s24 =	sld [smem:$0x3FFE];
	[sflag:s23] =	ssyncadd.s32 $0xFFFFFFFF  }
0xa5: {  	s26 =	simm.s32 $execute0_lowered;
	[smem:$0x3FD2] =	sst s25  }
0xa6: {  	s5 =	sshll.u32 s26, $0x1;
	_ =	strace $0x80000046;
	[dreg:$0x1] =	wrdreg $0xFFFFFFFF  }
0xa7: {  	s28 =	simm.s32 $_size_execute0_lowered;
	s3 =	sadd.s32 s3, s5;
	[dreg:$0x0] =	wrdreg $0x0  }
0xa8: {  	s5 =	sshll.u32 s28, $0x1;
	[dreg:$0x2] =	wrdreg s3  }
0xa9: {  	[dreg:$0x3] =	wrdreg s5  }
0xaa: {  	[dreg:$0x4] =	wrdreg $0xC0  }
0xab: {  	_ =	task [dreg:s7], $0x5FFFF  }
0xac: {  	[dreg:$0x1] =	wrdreg $0xFFFFFFFF  }
0xad: {  	[dreg:$0x0] =	wrdreg $0x60  }
0xae: {  	[dreg:$0x2] =	wrdreg s24  }
0xaf: {  	[dreg:$0x3] =	wrdreg s2  }
0xb0: {  	[dreg:$0x4] =	wrdreg $0x9E000  }
0xb1: {  	[dreg:$0x5] =	wrdreg $0x9  }
0xb2: {  	_ =	task.clear_ibuf [dreg:s7], $0x6FFFF;
	_ =	strace $0x90000046  }
0xb3: {  	s29 =	simm.s32 $0x9;
	_ =	strace $0x80000048  }
0xb4: {  	_ =	swait.ge [sflag:s29], $0x1  }
0xb5: {  	[sflag:s29] =	ssyncadd.s32 $0xFFFFFFFF  }
0xb6: {  	_ =	strace $0x90000048  }
0xb7: {  	_ =	sfence  }
0xb8: {  	s30 =	sld [smem:$0x0];
	_ =	sdelay $0x2  }
0xb9: {  	s31 =	sshll.u32 s1, $0xD;
	s1 =	sshrl.u32 s1, $0x2  }
0xba: {  	s3 =	sand.u32 $0x4000, s31;
	s1 =	sadd.s32 s1, s30  }
0xbb: {  	s0 =	sor.u32 s3, s0;
	s1 =	sshll.u32 s1, $0x11  }
0xbc: {  	s0 =	sor.u32 s1, s0  }
0xbd: {  	s0 =	sadd.s32 $0x8F2B, s0  }
0xbe: {  	[sflag:s0] =	ssyncadd.remote.s32 $0x1  }
0xbf: {  	_ =	sfence.sel $0xFFFF  }
0xc0: {  	[dreg:$0x0] =	wrdreg $0xFFFFFFFF;
	(pc) =	sbr.abs _section_cstart, $3  }
0xc1: {  	[dreg:$0x1] =	wrdreg $0xFFFFFFFF  }
0xc2: {  	_ =	task.clear_ibuf [dreg:s7], $0x2FFFF;
	_ =	strace $0x9FFFFFFF  }
0xc3: {  	(tm) =	ssettm $0x7FFFFFFF  }
tec
execute0_lowered:
.L_overlay_start_1:
0x0: {  	(tag) =	ssettag $0x1  }
0x1: {  	s7 =	rddreg [dreg:$0x0]  }
0x2: {  	s12 =	rddreg [dreg:$0x1]  }
0x3: {  	s0 =	srdreg.scid;
	s2 =	rddreg [dreg:$0x2];
	s5 =	simm.s32 $0x1  }
0x4: {  	s3 =	simm.s32 $0x0;
	s19 =	simm.s32 $0x40;
	s20 =	simm.s32 $0x7D00  }
0x5: {  	s21 =	simm.s32 $0x7E00;
	s22 =	simm.s32 $0x7D80;
	s23 =	simm.s32 $0x2  }
0x6: {  	s24 =	simm.s32 $0x0;
	s8 =	sand.u32 $0x1, s0;
	s0 =	stileid.u32  }
0x7: {  	[smem:$0x7FF] =	sst s3;
	s1 =	sshll.u32 s8, $0x4;
	s13 =	smul.u32 $0x2780, s0  }
0x8: {  	s29 =	sand.u32 $0x3, s0;
	s15 =	ssub.s32 $0x2, s8;
	s16 =	smul.u32 $0x4F000, s0  }
0x9: {  	s30 =	sshll.u32 s0, $0x6;
	s18 =	smul.u32 $0x27800, s8;
	s9 =	sor.u32 s0, s1  }
0xa: {  	p1 =	sne.s32 s29, $0x0;
	s1 =	rddreg [dreg:$0x3];
	_ =	strace $0x80000047  }
0xb: {  	s17 =	sshrl.u32 s15, $0x1;
	s8 =	sor.u32 $0x1C03, s30;
	p0 =	seq.s32 s9, $0x0  }
0xc: {  	s10 =	smul.u32 $0x9C, s9;
	s4 =	sshrl.u32 s9, $0x2;
	p0 =	por !p1, !p0  }
0xd: {  	s15 =	ssub.s32 s15, s17;
	s16 =	sshrl.u32 s16, $0x2;
	p0 =	por !p0, !p0  }
0xe: {  	s9 =	sadd.s32 $0x1, s9;
	s4 =	sadd.s32 s4, s10;
	s5 =	simm.s32 @!p0 $0x0  }
0xf: {  	s17 =	simm.s32 $0x2E00;
	s9 =	sshrl.u32 s9, $0x2;
	s11 =	ssub.s32 s4, s5  }
0x10: {  	s16 =	sadd.s32 s16, s2;
	s10 =	sadd.s32 s9, s10;
	s6 =	sshll.u32 s11, $0x3  }
0x11: {  	s4 =	sadd.s32 $0x1200, s7;
	s11 =	ssub.s32 s10, s11;
	s6 =	sand.u32 $0x1FFFFFF8, s6  }
0x12: {  	s5 =	simm.s32 $0x1;
	s31 =	sadd.s32 $0x9C, s11;
	s14 =	sadd.s32 s6, s7  }
.Ltmp0:
0x13: {  	s6 =	sadd.s32 $0x15000, s7;
	s7 =	sadd.s32 s13, s7;
	(pc) =	sbr.rel .LBB2_1-.Ltmp0, $4  }
0x14: {  	s13 =	sadd.s32 s13, s18;
	s11 =	sshll.u32 s31, $0x2;
	p0 =	slt.s32 s31, $0x1  }
0x15: {  	s18 =	simm.s32 $0x5580;
	s7 =	sadd.s32 $0x3C800, s7;
	s9 =	sadd.s32 $0xB200, s14  }
0x16: {  	v0 =	vimm.s32 $0x0;
	v1 =	vimm.s32 $0x1;
	v2 =	vlaneseq.u32;
	s10 =	sadd.s32 $0x1400, s14;
	s12 =	sadd.s32 s12, s13;
	s13 =	smax.u32 s15, $0x1  }
0x17: {  	v3 =	vor.u32 $0x10, v2;
	v4 =	vor.u32 $0x20, v2;
	v5 =	vor.u32 $0x30, v2;
	s14 =	sshrl.u32 s16, $0x3;
	s15 =	simm.s32 $0x3;
	s16 =	simm.s32 $0x2780  }
.LBB2_15:
0x18: {  	[tilespmem:$0x7DB0] =	vst v7  }
0x19: {  	[tilespmem:s21], [sflag:$0x1] =	stream.indirect.gather [hbm4b:s6+s19], $0x80, s20, s19, $0xb8;
	[tilespmem:$0x1DA00] =	vst v63  }
0x1a: {  	_ =	swait.ge [sflag:s5], $0x2000  }
0x1b: {  	[sflag:s5] =	ssyncset.done $0x0  }
0x1c: {  	[sflag:s5] =	ssyncadd.s32 $0xFFFFE000  }
0x1d: {  	[spmem:s2] =	stream.indirect.scatter.add.f32 [tilespmem:s21], [sflag:$0x2], $0x80, s22, s19, $0xb8;
	[tilespmem:$0x1DA00] =	vst v63  }
0x1e: {  	_ =	swait.ge [sflag:s23], $0x2000  }
0x1f: {  	[sflag:s23] =	ssyncset.done $0x0  }
0x20: {  	[sflag:s23] =	ssyncadd.s32 $0xFFFFE000  }
.LBB2_16:
0x21: {  	s24 =	sadd.s32 $0x1, s24  }
0x22: {  	p1 =	sne.s32 s24, s13  }
.Ltmp1:
0x23: {  	[bflag:$0x0] =	sbarrier.arrive $0xFFFF;
	(pc) =	sbr.rel @!p1 .LBB2_17-.Ltmp1, $4  }
0x24: {  	[hbm:s12], [sflag:s8] =	dma.local [spmem:s14], $0x2780  }
0x25: {  	_ =	swait.ge [sflag:s15], $0x2780  }
0x26: {  	[sflag:s15] =	ssyncset.done $0x0  }
0x27: {  	[sflag:s15] =	ssyncadd.s32 $0xFFFFD880  }
.LBB2_1:
0x28: {  	[spmem:s14], [sflag:s8] =	dma.local [hbm:s7], $0x2780  }
0x29: {  	_ =	swait.ge [sflag:s15], $0x2780  }
0x2a: {  	[sflag:s15] =	ssyncset.done $0x0  }
0x2b: {  	[sflag:s15] =	ssyncadd.s32 $0xFFFFD880  }
0x2c: {  	[tilespmem:s16], [sflag:$0x3] =	stream.linear.gather [hbm4b:s4+s3], $0x680, $0x38;
	[tilespmem:$0x1DA00] =	vst v63  }
0x2d: {  	_ =	swait.ge [sflag:s15], $0x680  }
0x2e: {  	[sflag:s15] =	ssyncset.done $0x0  }
0x2f: {  	s25 =	simm.s32 $0x0;
	[sflag:s15] =	ssyncadd.s32 $0xFFFFF980  }
.LBB2_2:
0x30: {  	p1 =	sne.s32 s25, $0x9DC0  }
.Ltmp2:
0x31: {  	_ = 	snop;
	(pc) =	sbr.rel @p1 .LBB2_2-.Ltmp2, $3  }
0x32: {  	_ =	sdelay $0x1  }
0x33: {  	s26 =	sshra.s32 s25, $0x2  }
0x34: {  	s25 =	sadd.s32 $0x40, s25;
	[tilespmem:s26+$0x0] =	vst v0  }
0x35: {  	s26 =	simm.s32 $0x0;
	s25 =	simm.s32 $0x40  }
.LBB2_4:
0x36: {  	p1 =	sne.s32 s25, $0x18C0;
	v6 =	vld [tilespmem:s26+$0x2780];
	_ =	sdelay $0x3  }
.Ltmp3:
0x37: {  	(pc) =	sbr.rel @p1 .LBB2_4-.Ltmp3, $2  }
0x38: {  	_ =	sdelay $0x2  }
0x39: {  	s26 =	sshra.s32 s25, $0x2;
	s25 =	sadd.s32 $0x40, s25;
	[tilespmem:v6+s3+$0x0] =	vst.idx.msk $0xffff, v1  }
0x3a: {  	v6 =	vld [tilespmem:s26+$0x2780];
	_ =	sdelay $0x7  }
0x3b: {  	s25 =	simm.s32 $0x0;
	s26 =	simm.s32 $0x2E00;
	[tilespmem:v6+s3+$0x0] =	vst.idx.msk $0xffff, v1  }
0x3c: {  	[tilespmem:s26], [sflag:$0x3] =	stream.linear.gather [hbm4b:s9+s25], $0x2740, $0x38;
	[tilespmem:$0x1DA00] =	vst v63  }
0x3d: {  	_ =	swait.ge [sflag:s15], $0x2740  }
0x3e: {  	[sflag:s15] =	ssyncset.done $0x0  }
0x3f: {  	s30 =	simm.s32 $0x5580;
	[sflag:s15] =	ssyncadd.s32 $0xFFFFD8C0  }
0x40: {  	[tilespmem:s30], [sflag:$0x3] =	stream.linear.gather [hbm4b:s10+s25], $0x2740, $0x38;
	[tilespmem:$0x1DA00] =	vst v63  }
.Ltmp4:
0x41: {  	_ =	swait.ge [sflag:s15], $0x2740;
	(pc) =	sbr.rel @p0 .LBB2_12-.Ltmp4, $3  }
0x42: {  	[sflag:s15] =	ssyncset.done $0x0  }
0x43: {  	[sflag:s15] =	ssyncadd.s32 $0xFFFFD8C0  }
0x44: {  	[bflag:$0x0] =	sbarrier.arrive $0xFFFF;
	_ =	sdelay $0x1  }
0x45: {  	v6 =	vld [tilespmem:s26+$0x0];
	_ =	sdelay $0x1  }
0x46: {  	s29 =	sadd.s32 $0x1, s25  }
0x47: {  	p2 =	slt.u32 s29, s11  }
.Ltmp5:
0x48: {  	_ = 	snop;
	(pc) =	sbr.rel @!p2 .LBB2_7-.Ltmp5, $3  }
0x49: {  	_ =	sdelay $0x1  }
0x4a: {  	v7 =	vld [tilespmem:s30+$0x0]  }
0x4b: {  	p1 =	por $0x0, $0x0;
	v8 =	vld.idx.msk [tilespmem:v6+s3+$0x0], $0xffff  }
0x4c: {  	_ =	sdelay $0x6  }
0x4d: {  	v9 =	vld.idx.msk [tilespmem:v7+s3+$0x0], $0xffff;
	_ =	sdelay $0x4  }
0x4e: {  	v8 =	vand.u32 v8, v9  }
0x4f: {  	vm0 =	vne.s32 v8, $0x0  }
0x50: {  	v8 =	vsel vm0, $0x1, v0  }
0x51: {  	(xrf0) =	vadd.scan.msk.s32 $0xffff, v8;
	_ =	sdelay $0x4  }
0x52: {  	v8 =	vsel vm0, $0xFFFFFFFF, v0  }
0x53: {  	v8 =	vadd.s32 s25, v8;
	v9, _, _ =	vpop (xrf0)  }
0x54: {  	v8 =	vadd.s32 v9, v8;
	(v2sf) =	vpush v9, $0xF;
	_ =	sdelay $0x4  }
0x55: {  	[tilespmem:v8+s17+$0x0] =	vst.idx.msk vm0, v6  }
0x56: {  	s28 =	sadd.s32 $0x10, s26;
	[tilespmem:v8+s18+$0x0] =	vst.idx.msk vm0, v7  }
0x57: {  	s30 =	sadd.s32 $0x10, s30;
	v6 =	vld [tilespmem:s28+$0x0]  }
0x58: {  	v7 =	vld [tilespmem:s30+$0x0]  }
0x59: {  	s29 =	sadd.s32 $0x1, s29  }
0x5a: {  	p2 =	slt.u32 s29, s11  }
.Ltmp6:
0x5b: {  	_ = 	snop;
	(pc) =	sbr.rel @!p2 .LBB2_9-.Ltmp6, $2  }
0x5c: {  	_ =	sdelay $0x2  }
0x5d: {  	p1 =	por $0x1, $0x1;
	s26 =	simm.s32 $0x0;
	v8 =	vld.idx.msk [tilespmem:v6+s3+$0x0], $0xffff;
	s31 =	spop (v2sf)  }
.LBB2_10:
0x5e: {  	s29 =	sadd.s32 $0x1, s29;
	v9 =	vld.idx.msk [tilespmem:v7+s3+$0x0], $0xffff;
	s26 =	sadd.s32 s26, s31  }
0x5f: {  	p2 =	slt.u32 s29, s11;
	_ =	sdelay $0x4  }
0x60: {  	v8 =	vand.u32 v8, v9  }
0x61: {  	vm0 =	vne.s32 v8, $0x0  }
0x62: {  	v8 =	vsel vm0, $0xFFFFFFFF, v0;
	v9 =	vsel vm0, $0x1, v0  }
0x63: {  	(xrf0) =	vadd.scan.msk.s32 $0xffff, v9;
	_ =	sdelay $0x5  }
0x64: {  	v8 =	vadd.s32 s26, v8;
	v9, _, _ =	vpop (xrf0)  }
0x65: {  	v8 =	vadd.s32 v9, v8;
	(v2sf) =	vpush v9, $0xF;
	_ =	sdelay $0x4  }
0x66: {  	[tilespmem:v8+s17+$0x0] =	vst.idx.msk vm0, v6  }
0x67: {  	s28 =	sadd.s32 $0x10, s28;
	[tilespmem:v8+s18+$0x0] =	vst.idx.msk vm0, v7  }
0x68: {  	s30 =	sadd.s32 $0x10, s30;
	v6 =	vld [tilespmem:s28+$0x0]  }
0x69: {  	v7 =	vld [tilespmem:s30+$0x0];
	_ =	sdelay $0x2  }
.Ltmp7:
0x6a: {  	(pc) =	sbr.rel @p2 .LBB2_10-.Ltmp7, $2  }
0x6b: {  	_ =	sdelay $0x2  }
0x6c: {  	v8 =	vld.idx.msk [tilespmem:v6+s3+$0x0], $0xffff;
	s31 =	spop (v2sf)  }
.LBB2_11:
0x6d: {  	_ =	sdelay $0x3  }
0x6e: {  	v9 =	vld.idx.msk [tilespmem:v7+s3+$0x0], $0xffff;
	_ =	sdelay $0x4  }
0x6f: {  	v8 =	vand.u32 v8, v9  }
0x70: {  	vm0 =	vne.s32 v8, $0x0  }
0x71: {  	v8 =	vsel vm0, $0x1, v0  }
0x72: {  	(xrf0) =	vadd.scan.msk.s32 $0xffff, v8;
	_ =	sdelay $0x5  }
0x73: {  	v8, _, _ =	vpop (xrf0)  }
0x74: {  	(v2sf) =	vpush v8, $0xF;
	_ =	sdelay $0x6  }
0x75: {  	s26 =	sadd.s32 @p1 s26, s31  }
0x76: {  	s25 =	smov.u32 @p1 s26;
	v63 =	vsel vm0, $0xFFFFFFFF, v0  }
0x77: {  	v9 =	vadd.s32 s25, v63  }
0x78: {  	v8 =	vadd.s32 v8, v9;
	_ =	sdelay $0x4  }
0x79: {  	[tilespmem:v8+s17+$0x0] =	vst.idx.msk vm0, v6;
	s31 =	spop (v2sf)  }
0x7a: {  	[tilespmem:v8+s18+$0x0] =	vst.idx.msk vm0, v7;
	s25 =	sadd.s32 s25, s31  }
.LBB2_12:
0x7b: {  	s26 =	sadd.s32 $0x3F, s25  }
0x7c: {  	s28 =	sand.u32 $0x3F, s26  }
0x7d: {  	s29 =	sshra.s32 s26, $0x1F;
	p1 =	slt.s32 s26, $0x1;
	p2 =	sne.s32 s28, $0x0  }
0x7e: {  	s31 =	sshrl.u32 s29, $0x1A;
	p1 =	por !p1, !p2  }
0x7f: {  	s28 =	simm.s32 $0x1;
	s26 =	sadd.s32 s31, s26;
	p1 =	por !p1, !p1  }
0x80: {  	s26 =	sshra.s32 s26, $0x6;
	s28 =	simm.s32 @!p1 $0x0  }
0x81: {  	s29 =	ssub.s32 s26, s28  }
0x82: {  	p1 =	slt.s32 s29, $0x1  }
.Ltmp8:
0x83: {  	_ = 	snop;
	(pc) =	sbr.rel @p1 .LBB2_16-.Ltmp8, $1  }
0x84: {  	_ =	sdelay $0x3  }
0x85: {  	p1 =	por $0x1, $0x1  }
0x86: {  	s28 =	simm.s32 @!p1 $0x2  }
0x87: {  	_ =	swait.ge @!p1 [sflag:s28], $0x2000  }
0x88: {  	[sflag:s28] =	ssyncset.done @!p1 $0x0  }
0x89: {  	s26 =	simm.s32 $0x2E20;
	[sflag:s28] =	ssyncadd.s32 @!p1 $0xFFFFE000  }
0x8a: {  	s30 =	simm.s32 $0x55A0;
	v7 =	vld [tilespmem:s26+$0xFFFFFFE0]  }
0x8b: {  	v8 =	vld [tilespmem:s30+$0xFFFFFFE0]  }
0x8c: {  	s28 =	simm.s32 $0x0  }
0x8d: {  	v6 =	vmov s25;
	v9 =	vor.u32 s28, v2  }
0x8e: {  	vm0 =	vlt.s32 v9, v6  }
0x8f: {  	v7 =	vsel vm0, v7, v2  }
0x90: {  	[tilespmem:$0x7D00] =	vst v7;
	v7 =	vnsel vm0, $0x2710, v8  }
0x91: {  	[tilespmem:$0x7D80] =	vst v7  }
0x92: {  	v7 =	vld [tilespmem:s26+$0xFFFFFFF0]  }
0x93: {  	v8 =	vld [tilespmem:s30+$0xFFFFFFF0]  }
0x94: {  	s31 =	simm.s32 $0x10  }
0x95: {  	v61 =	vor.u32 s31, v2  }
0x96: {  	vm13 =	vlt.s32 v61, v6  }
0x97: {  	v7 =	vsel vm13, v7, v3  }
0x98: {  	[tilespmem:$0x7D10] =	vst v7;
	v7 =	vnsel vm13, $0x2710, v8  }
0x99: {  	[tilespmem:$0x7D90] =	vst v7  }
0x9a: {  	v7 =	vld [tilespmem:s26+$0x0]  }
0x9b: {  	v8 =	vld [tilespmem:s30+$0x0]  }
0x9c: {  	s31 =	simm.s32 $0x20  }
0x9d: {  	v62 =	vor.u32 s31, v2  }
0x9e: {  	vm14 =	vlt.s32 v62, v6  }
0x9f: {  	v7 =	vsel vm14, v7, v4  }
0xa0: {  	[tilespmem:$0x7D20] =	vst v7;
	v7 =	vnsel vm14, $0x2710, v8  }
0xa1: {  	[tilespmem:$0x7DA0] =	vst v7  }
0xa2: {  	s25 =	sadd.s32 $0xFFFFFFFF, s29;
	v7 =	vld [tilespmem:s26+$0x10]  }
0xa3: {  	p1 =	sne.s32 s25, $0x0;
	v8 =	vld [tilespmem:s30+$0x10]  }
.Ltmp9:
0xa4: {  	s31 =	simm.s32 $0x30;
	(pc) =	sbr.rel @!p1 .LBB2_15-.Ltmp9, $4  }
0xa5: {  	v63 =	vor.u32 s31, v2  }
0xa6: {  	vm15 =	vlt.s32 v63, v6  }
0xa7: {  	v7 =	vsel vm15, v7, v5  }
0xa8: {  	s29 =	simm.s32 $0x55E0;
	[tilespmem:$0x7D30] =	vst v7;
	v7 =	vnsel vm15, $0x2710, v8  }
.LBB2_14:
0xa9: {  	s25 =	sadd.s32 $0xFFFFFFFF, s25;
	[tilespmem:$0x7DB0] =	vst v7;
	s28 =	sadd.s32 $0x40, s28;
	s26 =	sadd.s32 $0x40, s26  }
0xaa: {  	[tilespmem:s21], [sflag:$0x1] =	stream.indirect.gather [hbm4b:s6+s19], $0x80, s20, s19, $0xb8;
	[tilespmem:$0x1DA00] =	vst v63  }
0xab: {  	p1 =	sne.s32 s25, $0x0;
	_ =	swait.ge [sflag:s5], $0x2000  }
0xac: {  	p2 =	seq.s32 s28, $0x0;
	[sflag:s5] =	ssyncset.done $0x0  }
0xad: {  	s30 =	simm.s32 @!p2 $0x2;
	[sflag:s5] =	ssyncadd.s32 $0xFFFFE000  }
0xae: {  	[spmem:s2] =	stream.indirect.scatter.add.f32 [tilespmem:s21], [sflag:$0x2], $0x80, s22, s19, $0xb8;
	[tilespmem:$0x1DA00] =	vst v63  }
0xaf: {  	_ =	swait.ge @!p2 [sflag:s30], $0x2000  }
0xb0: {  	[sflag:s30] =	ssyncset.done @!p2 $0x0  }
0xb1: {  	[sflag:s30] =	ssyncadd.s32 @!p2 $0xFFFFE000  }
0xb2: {  	v7 =	vld [tilespmem:s26+$0xFFFFFFE0]  }
0xb3: {  	v8 =	vld [tilespmem:s29+$0xFFFFFFE0];
	_ =	sdelay $0x1  }
0xb4: {  	v9 =	vor.u32 s28, v2  }
0xb5: {  	vm0 =	vlt.s32 v9, v6  }
0xb6: {  	v7 =	vsel vm0, v7, v2  }
0xb7: {  	[tilespmem:$0x7D00] =	vst v7;
	v7 =	vnsel vm0, $0x2710, v8  }
0xb8: {  	[tilespmem:$0x7D80] =	vst v7  }
0xb9: {  	v7 =	vld [tilespmem:s26+$0xFFFFFFF0]  }
0xba: {  	v8 =	vld [tilespmem:s29+$0xFFFFFFF0]  }
0xbb: {  	s30 =	sadd.s32 $0x10, s28  }
0xbc: {  	v9 =	vor.u32 s30, v2  }
0xbd: {  	vm0 =	vlt.s32 v9, v6  }
0xbe: {  	v7 =	vsel vm0, v7, v3  }
0xbf: {  	[tilespmem:$0x7D10] =	vst v7;
	v7 =	vnsel vm0, $0x2710, v8  }
0xc0: {  	[tilespmem:$0x7D90] =	vst v7  }
0xc1: {  	v7 =	vld [tilespmem:s26+$0x0]  }
0xc2: {  	v8 =	vld [tilespmem:s29+$0x0]  }
0xc3: {  	s30 =	sadd.s32 $0x20, s28  }
0xc4: {  	v9 =	vor.u32 s30, v2  }
0xc5: {  	vm0 =	vlt.s32 v9, v6  }
0xc6: {  	v7 =	vsel vm0, v7, v4  }
0xc7: {  	[tilespmem:$0x7D20] =	vst v7;
	v7 =	vnsel vm0, $0x2710, v8  }
0xc8: {  	[tilespmem:$0x7DA0] =	vst v7  }
0xc9: {  	v7 =	vld [tilespmem:s26+$0x10]  }
0xca: {  	v8 =	vld [tilespmem:s29+$0x10]  }
.Ltmp10:
0xcb: {  	s30 =	sadd.s32 $0x30, s28;
	(pc) =	sbr.rel @p1 .LBB2_14-.Ltmp10, $4  }
0xcc: {  	v9 =	vor.u32 s30, v2  }
0xcd: {  	vm0 =	vlt.s32 v9, v6  }
0xce: {  	v7 =	vsel vm0, v7, v5  }
0xcf: {  	s29 =	sadd.s32 $0x40, s29;
	[tilespmem:$0x7D30] =	vst v7;
	v7 =	vnsel vm0, $0x2710, v8  }
.Ltmp11:
0xd0: {  	_ = 	snop;
	(pc) =	sbr.rel .LBB2_15-.Ltmp11, $1  }
0xd1: {  	_ =	sdelay $0x3  }
.LBB2_7:
.Ltmp12:
0xd2: {  	(pc) =	sbr.rel .LBB2_11-.Ltmp12, $2  }
0xd3: {  	_ =	sdelay $0x2  }
0xd4: {  	s26 =	simm.s32 $0x0  }
.LBB2_9:
.Ltmp13:
0xd5: {  	(pc) =	sbr.rel .LBB2_11-.Ltmp13, $2  }
0xd6: {  	_ =	sdelay $0x2  }
0xd7: {  	s26 =	simm.s32 $0x0  }
.LBB2_17:
0xd8: {  	_ =	sfence.sel $0x180000  }
0xd9: {  	[bflag:$0x0] =	sbarrier.arrive $0xFFFF  }
0xda: {  	p0 =	sne.s32 s0, $0x0;
	_ =	strace $0x90000047  }
0xdb: {  	s0 =	sadd.s32 @!p0 $0x100000, s1;
	[bflag:$0x2] =	sbarrier.arrive $0xFFFF  }
0xdc: {  	[sflag:s0] =	ssyncadd.tile.s32 @!p0 $0x1;
	_ =	shalt  }
.Lfunc_end2:
_tile_overlayer_lowered:
.L_overlay_start_2:
0xdd: {  	(tag) =	ssettag $0x2  }
0xde: {  	s0 =	rddreg [dreg:$0x0];
	s2 =	stileid.u32  }
0xdf: {  	s1 =	rddreg [dreg:$0x1];
	p0 =	sne.s32 s2, $0x0  }
0xe0: {  	s3 =	rddreg [dreg:$0x2];
	[bflag:$0x3] =	sbarrier.arrive $0xFFFF;
	s2 =	simm.s32 @!p0 $0x1C03  }
0xe1: {  	[timem:s3], [sflag:s2] =	dma.local @!p0 [hbm:s0], s1  }
0xe2: {  	s0 =	simm.s32 @!p0 $0x3  }
0xe3: {  	_ =	swait.ge @!p0 [sflag:s0], s1  }
0xe4: {  	s1 =	ssub.s32 @!p0 $0x0, s1;
	[sflag:s0] =	ssyncset.done @!p0 $0x0  }
0xe5: {  	[sflag:s0] =	ssyncadd.s32 @!p0 s1  }
0xe6: {  	[bflag:$0x3] =	sbarrier.arrive $0xFFFF  }
0xe7: {  	_ =	shalt  }

</sc_bundles>
